<compile_context>
chip_gen: v7x
topology: tpu7x:2x2x1
jax: 0.10.2.dev20260603
libtpu: 0.0.44.dev20260713+nightly
codegen_flags: <defaults>
</compile_context>

<pallas_src>
import functools
import math

import jax
import jax.numpy as jnp
from jax import lax
from jax.experimental import pallas as pl
from jax.experimental.pallas import tpu as pltpu
from jax.experimental.pallas import tpu_sc as plsc

RADIUS_EARTH = 6371.0
MIN_DIST = 1.0
MAX_DIST = 1000.0
N_DIST = 1024
EMB_DIM = 16
LOG_MIN = math.log(MIN_DIST / RADIUS_EARTH)
LOG_MAX = math.log(MAX_DIST / RADIUS_EARTH)

_N = 2048
_B = _N * _N
_ROW_BLK = 128
_V = N_DIST + 1
_NPAIR = EMB_DIM // 2
_TPACK = _NPAIR * _V

_NC = 2
_NS = 16
_BPW = _B // (_NC * _NS)
_CHUNK = 2048
_GRP = _CHUNK // 16
_NCHUNK = _BPW // _CHUNK


def _bucket_idx(d):
    sgn = jnp.sign(d)
    t = jnp.log(jnp.abs(d))
    t = jnp.clip(t, LOG_MIN, LOG_MAX)
    t = (t - LOG_MIN) / (LOG_MAX - LOG_MIN)
    t = t * (N_DIST / 2.0)
    half = N_DIST / 2.0
    t = jnp.where(sgn < 0, t + (half - 1.0), half - 1.0 - t)
    idx = t.astype(jnp.int32)
    idx = jnp.where(idx < 0, idx + (N_DIST + 1), idx)
    return idx


def _idx_body(dlon_ref, dlat_ref, ilon_ref, ilat_ref):
    ilon_ref[...] = _bucket_idx(dlon_ref[...]).reshape(-1)
    ilat_ref[...] = _bucket_idx(dlat_ref[...]).reshape(-1)


def _compute_indices(d_mat_lon, d_mat_lat):
    spec = pl.BlockSpec((_ROW_BLK, _N), lambda i: (i, 0))
    ospec = pl.BlockSpec((_ROW_BLK * _N,), lambda i: (i,))
    return pl.pallas_call(
        _idx_body,
        grid=(_N // _ROW_BLK,),
        in_specs=[spec, spec],
        out_specs=[ospec, ospec],
        out_shape=[
            jax.ShapeDtypeStruct((_B,), jnp.int32),
            jax.ShapeDtypeStruct((_B,), jnp.int32),
        ],
    )(d_mat_lon, d_mat_lat)


def _sc_gather_sum(tlon_flat, tlat_flat, idx_lon, idx_lat):
    mesh = plsc.VectorSubcoreMesh(core_axis_name="c", subcore_axis_name="s")

    @functools.partial(
        pl.kernel,
        out_type=jax.ShapeDtypeStruct((_N, EMB_DIM, _N), jnp.float32),
        mesh=mesh,
        compiler_params=pltpu.CompilerParams(needs_layout_passes=False),
        scratch_types=[
            pltpu.VMEM((_TPACK,), jnp.int32),
            pltpu.VMEM((_TPACK,), jnp.int32),
            pltpu.VMEM((_CHUNK,), jnp.int32),
            pltpu.VMEM((_CHUNK,), jnp.int32),
            pltpu.VMEM((_CHUNK,), jnp.int32),
            pltpu.VMEM((_CHUNK,), jnp.int32),
            pltpu.VMEM((2, EMB_DIM, _CHUNK), jnp.float32),
            pltpu.SemaphoreType.DMA,
            pltpu.SemaphoreType.DMA,
            pltpu.SemaphoreType.DMA,
            pltpu.SemaphoreType.DMA,
        ],
    )
    def k(tlon_hbm, tlat_hbm, ilon_hbm, ilat_hbm, out_hbm,
          tlon_v, tlat_v, ilon0, ilon1, ilat0, ilat1, obuf,
          si0, si1, so0, so1):
        si = (si0, si1)
        so = (so0, so1)
        ilon = (ilon0, ilon1)
        ilat = (ilat0, ilat1)
        wid = lax.axis_index("s") * _NC + lax.axis_index("c")
        base = wid * _BPW

        pltpu.sync_copy(tlon_hbm, tlon_v)
        pltpu.sync_copy(tlat_hbm, tlat_v)

        def idx_src(c):
            off = pl.multiple_of(base + c * _CHUNK, _CHUNK)
            return (ilon_hbm.at[pl.ds(off, _CHUNK)],
                    ilat_hbm.at[pl.ds(off, _CHUNK)])

        def out_dst(c):
            return out_hbm.at[wid * _NCHUNK + c]

        for b in (0, 1):
            slon, slat = idx_src(b)
            pltpu.async_copy(slon, ilon[b], si[b])
            pltpu.async_copy(slat, ilat[b], si[b])

        @pl.loop(0, _NCHUNK, step=2)
        def _pair(c0):
            for b in (0, 1):
                c = c0 + b
                slon, slat = idx_src(c)
                pltpu.make_async_copy(slon, ilon[b], si[b]).wait()
                pltpu.make_async_copy(slat, ilat[b], si[b]).wait()

                @pl.when(c >= 2)
                def _drain():
                    pltpu.make_async_copy(obuf.at[b], out_dst(c - 2),
                                          so[b]).wait()

                @plsc.parallel_loop(0, _GRP, 1, unroll=4)
                def _grp(g):
                    ivl = ilon[b][pl.ds(g * 16, 16)]
                    ivt = ilat[b][pl.ds(g * 16, 16)]
                    for d2 in range(_NPAIR):
                        gl = plsc.load_gather(tlon_v, [ivl + d2 * _V])
                        gt = plsc.load_gather(tlat_v, [ivt + d2 * _V])
                        s = (plsc.bitcast(gl, jnp.bfloat16)
                             + plsc.bitcast(gt, jnp.bfloat16))
                        s0, s1 = plsc.unpack(
                            s, format=plsc.PackFormat.INTERLEAVED,
                            preferred_element_type=jnp.float32)
                        obuf[b, 2 * d2, pl.ds(g * 16, 16)] = s0
                        obuf[b, 2 * d2 + 1, pl.ds(g * 16, 16)] = s1

                pltpu.async_copy(obuf.at[b], out_dst(c), so[b])

                @pl.when(c + 2 < _NCHUNK)
                def _prefetch():
                    nlon, nlat = idx_src(c + 2)
                    pltpu.async_copy(nlon, ilon[b], si[b])
                    pltpu.async_copy(nlat, ilat[b], si[b])

        for b in (0, 1):
            pltpu.make_async_copy(obuf.at[b], out_dst(_NCHUNK - 2 + b),
                                  so[b]).wait()

    return k(tlon_flat, tlat_flat, idx_lon, idx_lat)


def _pack_table(table):
    tt = jnp.transpose(table.astype(jnp.bfloat16))
    lo = jax.lax.bitcast_convert_type(tt[0::2], jnp.uint16).astype(jnp.uint32)
    hi = jax.lax.bitcast_convert_type(tt[1::2], jnp.uint16).astype(jnp.uint32)
    packed = lo | (hi << 16)
    return jax.lax.bitcast_convert_type(packed, jnp.int32).reshape(-1)


def kernel(d_mat_lon, d_mat_lat, table_lon, table_lat):
    idx_lon, idx_lat = _compute_indices(d_mat_lon, d_mat_lat)
    tlon_flat = _pack_table(table_lon)
    tlat_flat = _pack_table(table_lat)
    out_acb = _sc_gather_sum(tlon_flat, tlat_flat, idx_lon, idx_lat)
    return jnp.transpose(out_acb, (0, 2, 1))

# --- scband reference (transcript-rebuilt; emitter-appended) ---
"""Pipeline reference for scband-relative-position-embedder-par-67826123538904 (READ-ONLY COPY).

The authoritative reference and input builder live on the scoring server;
editing this copy changes nothing except your own understanding.
"""

import jax, jax.numpy as jnp
import numpy as np
import math

RADIUS_EARTH = 6371.0
MIN_DIST = 1.0
MAX_DIST = 1000.0
N_DIST = 1024
EMB_DIM = 16
LOG_MIN = math.log(MIN_DIST / RADIUS_EARTH)
LOG_MAX = math.log(MAX_DIST / RADIUS_EARTH)


def setup_inputs(seed: int = 0) -> dict:
    key = jax.random.key(seed)
    k1, k2, k3, k4 = jax.random.split(key, 4)
    d_mat_lon = jax.random.normal(k1, (2048, 2048), dtype=jnp.float32)
    d_mat_lat = jax.random.normal(k2, (2048, 2048), dtype=jnp.float32)
    # xavier_uniform for table of shape (N_DIST+1, EMB_DIM)
    bound = math.sqrt(6.0 / (N_DIST + 1 + EMB_DIM))
    table_lon = jax.random.uniform(k3, (N_DIST + 1, EMB_DIM), minval=-bound, maxval=bound, dtype=jnp.float32)
    table_lat = jax.random.uniform(k4, (N_DIST + 1, EMB_DIM), minval=-bound, maxval=bound, dtype=jnp.float32)
    return {"d_mat_lon": d_mat_lon, "d_mat_lat": d_mat_lat, "table_lon": table_lon, "table_lat": table_lat}


def _embed_phys_log(d_mat, table):
    sgn = jnp.sign(d_mat)
    dist_log = jnp.log(jnp.abs(d_mat))
    dist_log = jnp.clip(dist_log, LOG_MIN, LOG_MAX)
    dist_log = (dist_log - LOG_MIN) / (LOG_MAX - LOG_MIN)
    dist_log = dist_log * (N_DIST / 2.0)
    half = N_DIST / 2.0
    dist_log = jnp.where(sgn < 0, dist_log + (half - 1.0), half - 1.0 - dist_log)
    # torch .long() truncates toward zero; jnp astype(int32) also truncates toward zero
    idx = dist_log.astype(jnp.int32)
    # torch negative index wraps around (e.g. -1 -> last row of table with N_DIST+1 rows)
    idx = jnp.where(idx < 0, idx + (N_DIST + 1), idx)
    return jnp.take(table, idx, axis=0)


def reference(d_mat_lon, d_mat_lat, table_lon, table_lat):
    a_lon = _embed_phys_log(d_mat_lon, table_lon)
    a_lat = _embed_phys_log(d_mat_lat, table_lat)
    rpe = a_lon + a_lat
    return rpe

if __name__ == "__main__":
    import jax
    _d = setup_inputs()
    print(jax.jit(kernel)(*tuple(_d.values())))

</pallas_src>

<mosaic_0001>
#map = affine_map<(d0, d1) -> (0)>
#map1 = affine_map<(d0, d1) -> (0, 0, 0)>
module attributes {stable_mosaic.version = 14 : i64} {
  func.func @k(%arg0: i32, %arg1: i32, %arg2: memref<8200xi32, #tpu.memory_space<hbm>>, %arg3: memref<8200xi32, #tpu.memory_space<hbm>>, %arg4: memref<4194304xi32, #tpu.memory_space<hbm>>, %arg5: memref<4194304xi32, #tpu.memory_space<hbm>>, %arg6: memref<2048x16x2048xf32, #tpu.memory_space<hbm>>, %arg7: memref<8200xi32, #tpu.memory_space<vmem>>, %arg8: memref<8200xi32, #tpu.memory_space<vmem>>, %arg9: memref<2048xi32, #tpu.memory_space<vmem>>, %arg10: memref<2048xi32, #tpu.memory_space<vmem>>, %arg11: memref<2048xi32, #tpu.memory_space<vmem>>, %arg12: memref<2048xi32, #tpu.memory_space<vmem>>, %arg13: memref<2x16x2048xf32, #tpu.memory_space<vmem>>, %arg14: memref<!tpu.dma_semaphore, #tpu.memory_space<semaphore_mem>>, %arg15: memref<!tpu.dma_semaphore, #tpu.memory_space<semaphore_mem>>, %arg16: memref<!tpu.dma_semaphore, #tpu.memory_space<semaphore_mem>>, %arg17: memref<!tpu.dma_semaphore, #tpu.memory_space<semaphore_mem>>) attributes {dimension_semantics = [#tpu.dimension_semantics<core_parallel>, #tpu.dimension_semantics<subcore_parallel>], iteration_bounds = array<i64: 2, 16>, scalar_prefetch = 0 : i64, scratch_operands = 11 : i64, tpu.core_type = #tpu.core_type<sc_vector_subcore>, window_params = [{transform_indices = #map}, {transform_indices = #map}, {transform_indices = #map}, {transform_indices = #map}, {transform_indices = #map1}]} {
    %mul3A = arith.constant 2 : i32
    %mul3A_0 = arith.muli %arg1, %mul3A : i32
    %add3A = arith.addi %mul3A_0, %arg0 : i32
    %mul3A_1 = arith.constant 131072 : i32
    %mul3A_2 = arith.muli %add3A, %mul3A_1 : i32
    "tpu.region"() ({
      %run_scoped3A = tpu.sem_alloc : memref<!tpu.dma_semaphore, #tpu.memory_space<semaphore_mem>>
      tpu.enqueue_dma source(%arg2 : memref<8200xi32, #tpu.memory_space<hbm>>) target(%arg7 : memref<8200xi32, #tpu.memory_space<vmem>>) target_semaphore(%run_scoped3A : memref<!tpu.dma_semaphore, #tpu.memory_space<semaphore_mem>>)
      tpu.wait_dma2 semaphore(%run_scoped3A : memref<!tpu.dma_semaphore, #tpu.memory_space<semaphore_mem>>) src(%arg2 : memref<8200xi32, #tpu.memory_space<hbm>>) dst(%arg7 : memref<8200xi32, #tpu.memory_space<vmem>>)
      tpu.yield
    }) : () -> ()
    "tpu.region"() ({
      %run_scoped3A = tpu.sem_alloc : memref<!tpu.dma_semaphore, #tpu.memory_space<semaphore_mem>>
      tpu.enqueue_dma source(%arg3 : memref<8200xi32, #tpu.memory_space<hbm>>) target(%arg8 : memref<8200xi32, #tpu.memory_space<vmem>>) target_semaphore(%run_scoped3A : memref<!tpu.dma_semaphore, #tpu.memory_space<semaphore_mem>>)
      tpu.wait_dma2 semaphore(%run_scoped3A : memref<!tpu.dma_semaphore, #tpu.memory_space<semaphore_mem>>) src(%arg3 : memref<8200xi32, #tpu.memory_space<hbm>>) dst(%arg8 : memref<8200xi32, #tpu.memory_space<vmem>>)
      tpu.yield
    }) : () -> ()
    %add3A_3 = arith.constant 0 : i32
    %add3A_4 = arith.addi %mul3A_2, %add3A_3 : i32
    %multiple_of3A = tpu.assume_multiple %add3A_4, 2048 : i32
    %dma_start3A = tpu.memref_slice %arg4[%multiple_of3A] : memref<4194304xi32, #tpu.memory_space<hbm>> -> memref<2048xi32, #tpu.memory_space<hbm>>
    %dma_start3A_5 = tpu.memref_slice %arg4[%multiple_of3A] : memref<4194304xi32, #tpu.memory_space<hbm>> -> memref<2048xi32, #tpu.memory_space<hbm>>
    tpu.enqueue_dma source(%dma_start3A_5 : memref<2048xi32, #tpu.memory_space<hbm>>) target(%arg9 : memref<2048xi32, #tpu.memory_space<vmem>>) target_semaphore(%arg14 : memref<!tpu.dma_semaphore, #tpu.memory_space<semaphore_mem>>)
    %dma_start3A_6 = tpu.memref_slice %arg5[%multiple_of3A] : memref<4194304xi32, #tpu.memory_space<hbm>> -> memref<2048xi32, #tpu.memory_space<hbm>>
    %dma_start3A_7 = tpu.memref_slice %arg5[%multiple_of3A] : memref<4194304xi32, #tpu.memory_space<hbm>> -> memref<2048xi32, #tpu.memory_space<hbm>>
    tpu.enqueue_dma source(%dma_start3A_7 : memref<2048xi32, #tpu.memory_space<hbm>>) target(%arg11 : memref<2048xi32, #tpu.memory_space<vmem>>) target_semaphore(%arg14 : memref<!tpu.dma_semaphore, #tpu.memory_space<semaphore_mem>>)
    %add3A_8 = arith.constant 2048 : i32
    %add3A_9 = arith.addi %mul3A_2, %add3A_8 : i32
    %multiple_of3A_10 = tpu.assume_multiple %add3A_9, 2048 : i32
    %dma_start3A_11 = tpu.memref_slice %arg4[%multiple_of3A_10] : memref<4194304xi32, #tpu.memory_space<hbm>> -> memref<2048xi32, #tpu.memory_space<hbm>>
    %dma_start3A_12 = tpu.memref_slice %arg4[%multiple_of3A_10] : memref<4194304xi32, #tpu.memory_space<hbm>> -> memref<2048xi32, #tpu.memory_space<hbm>>
    tpu.enqueue_dma source(%dma_start3A_12 : memref<2048xi32, #tpu.memory_space<hbm>>) target(%arg10 : memref<2048xi32, #tpu.memory_space<vmem>>) target_semaphore(%arg15 : memref<!tpu.dma_semaphore, #tpu.memory_space<semaphore_mem>>)
    %dma_start3A_13 = tpu.memref_slice %arg5[%multiple_of3A_10] : memref<4194304xi32, #tpu.memory_space<hbm>> -> memref<2048xi32, #tpu.memory_space<hbm>>
    %dma_start3A_14 = tpu.memref_slice %arg5[%multiple_of3A_10] : memref<4194304xi32, #tpu.memory_space<hbm>> -> memref<2048xi32, #tpu.memory_space<hbm>>
    tpu.enqueue_dma source(%dma_start3A_14 : memref<2048xi32, #tpu.memory_space<hbm>>) target(%arg12 : memref<2048xi32, #tpu.memory_space<vmem>>) target_semaphore(%arg15 : memref<!tpu.dma_semaphore, #tpu.memory_space<semaphore_mem>>)
    %scan3A = arith.constant 0 : i32
    %scan3A_15 = arith.constant 32 : i32
    %scan3A_16 = arith.addi %scan3A, %scan3A_15 : i32
    %scan3A_17 = arith.constant 1 : i32
    scf.for %scan3A_60 = %scan3A to %scan3A_16 step %scan3A_17  : i32 {
      %mul3A_61 = arith.constant 2 : i32
      %mul3A_62 = arith.muli %scan3A_60, %mul3A_61 : i32
      %add3A_63 = arith.constant 0 : i32
      %add3A_64 = arith.addi %add3A_63, %mul3A_62 : i32
      %add3A_65 = arith.constant 0 : i32
      %add3A_66 = arith.addi %add3A_64, %add3A_65 : i32
      %mul3A_67 = arith.constant 2048 : i32
      %mul3A_68 = arith.muli %add3A_66, %mul3A_67 : i32
      %add3A_69 = arith.addi %mul3A_2, %mul3A_68 : i32
      %multiple_of3A_70 = tpu.assume_multiple %add3A_69, 2048 : i32
      %dma_wait3A_71 = tpu.memref_slice %arg4[%multiple_of3A_70] : memref<4194304xi32, #tpu.memory_space<hbm>> -> memref<2048xi32, #tpu.memory_space<hbm>>
      %dma_wait3A_72 = tpu.memref_slice %arg4[%multiple_of3A_70] : memref<4194304xi32, #tpu.memory_space<hbm>> -> memref<2048xi32, #tpu.memory_space<hbm>>
      tpu.wait_dma2 semaphore(%arg14 : memref<!tpu.dma_semaphore, #tpu.memory_space<semaphore_mem>>) src(%dma_wait3A_72 : memref<2048xi32, #tpu.memory_space<hbm>>) dst(%arg9 : memref<2048xi32, #tpu.memory_space<vmem>>)
      %dma_wait3A_73 = tpu.memref_slice %arg5[%multiple_of3A_70] : memref<4194304xi32, #tpu.memory_space<hbm>> -> memref<2048xi32, #tpu.memory_space<hbm>>
      %dma_wait3A_74 = tpu.memref_slice %arg5[%multiple_of3A_70] : memref<4194304xi32, #tpu.memory_space<hbm>> -> memref<2048xi32, #tpu.memory_space<hbm>>
      tpu.wait_dma2 semaphore(%arg14 : memref<!tpu.dma_semaphore, #tpu.memory_space<semaphore_mem>>) src(%dma_wait3A_74 : memref<2048xi32, #tpu.memory_space<hbm>>) dst(%arg11 : memref<2048xi32, #tpu.memory_space<vmem>>)
      %ge3A = arith.constant 2 : i32
      %ge3A_75 = arith.cmpi sge, %add3A_66, %ge3A : i32
      %convert_element_type3A = arith.extui %ge3A_75 : i1 to i32
      %cond3A = arith.constant 0 : i32
      %cond3A_76 = arith.cmpi ne, %convert_element_type3A, %cond3A : i32
      scf.if %cond3A_76 {
        %sub3A = arith.constant 2 : i32
        %sub3A_150 = arith.subi %add3A_66, %sub3A : i32
        %mul3A_151 = arith.constant 64 : i32
        %mul3A_152 = arith.muli %add3A, %mul3A_151 : i32
        %add3A_153 = arith.addi %mul3A_152, %sub3A_150 : i32
        %dma_wait3A_154 = arith.constant 0 : i32
        %dma_wait3A_155 = arith.constant 0 : i32
        %dma_wait3A_156 = arith.constant 0 : i32
        %dma_wait3A_157 = tpu.memref_slice %arg13[%dma_wait3A_154, %dma_wait3A_155, %dma_wait3A_156] : memref<2x16x2048xf32, #tpu.memory_space<vmem>> -> memref<1x16x2048xf32, #tpu.memory_space<vmem>>
        %dma_wait3A_158 = tpu.memref_squeeze %dma_wait3A_157 : memref<1x16x2048xf32, #tpu.memory_space<vmem>> -> memref<16x2048xf32, #tpu.memory_space<vmem>>
        %dma_wait3A_159 = arith.constant 0 : i32
        %dma_wait3A_160 = arith.constant 0 : i32
        %dma_wait3A_161 = tpu.memref_slice %arg6[%add3A_153, %dma_wait3A_159, %dma_wait3A_160] : memref<2048x16x2048xf32, #tpu.memory_space<hbm>> -> memref<1x16x2048xf32, #tpu.memory_space<hbm>>
        %dma_wait3A_162 = tpu.memref_squeeze %dma_wait3A_161 : memref<1x16x2048xf32, #tpu.memory_space<hbm>> -> memref<16x2048xf32, #tpu.memory_space<hbm>>
        %dma_wait3A_163 = arith.constant 0 : i32
        %dma_wait3A_164 = arith.constant 0 : i32
        %dma_wait3A_165 = tpu.memref_slice %arg6[%add3A_153, %dma_wait3A_163, %dma_wait3A_164] : memref<2048x16x2048xf32, #tpu.memory_space<hbm>> -> memref<1x16x2048xf32, #tpu.memory_space<hbm>>
        %dma_wait3A_166 = tpu.memref_squeeze %dma_wait3A_165 : memref<1x16x2048xf32, #tpu.memory_space<hbm>> -> memref<16x2048xf32, #tpu.memory_space<hbm>>
        %dma_wait3A_167 = arith.constant 0 : i32
        %dma_wait3A_168 = arith.constant 0 : i32
        %dma_wait3A_169 = tpu.memref_slice %arg13[%dma_wait3A_154, %dma_wait3A_167, %dma_wait3A_168] : memref<2x16x2048xf32, #tpu.memory_space<vmem>> -> memref<1x16x2048xf32, #tpu.memory_space<vmem>>
        %dma_wait3A_170 = tpu.memref_squeeze %dma_wait3A_169 : memref<1x16x2048xf32, #tpu.memory_space<vmem>> -> memref<16x2048xf32, #tpu.memory_space<vmem>>
        tpu.wait_dma2 semaphore(%arg16 : memref<!tpu.dma_semaphore, #tpu.memory_space<semaphore_mem>>) src(%dma_wait3A_170 : memref<16x2048xf32, #tpu.memory_space<vmem>>) dst(%dma_wait3A_166 : memref<16x2048xf32, #tpu.memory_space<hbm>>)
      } else {
      }
      %parallel_loop3A = arith.constant 0 : i32
      %parallel_loop3A_77 = arith.constant 128 : i32
      %parallel_loop3A_78 = arith.constant 1 : i32
      scf.for %parallel_loop3A_150 = %parallel_loop3A to %parallel_loop3A_77 step %parallel_loop3A_78  : i32 {
        %parallel_loop3A_151 = arith.constant 16 : i32
        %parallel_loop3A_152 = arith.muli %parallel_loop3A_150, %parallel_loop3A_151 : i32
        %parallel_loop3A_153 = arith.index_cast %parallel_loop3A_152 : i32 to index
        %parallel_loop3A_154 = tpu.vector_load %arg9[%parallel_loop3A_153] {strides = array<i32>} : memref<2048xi32, #tpu.memory_space<vmem>>, vector<16xi32>,
        %parallel_loop3A_155 = arith.constant 16 : i32
        %parallel_loop3A_156 = arith.muli %parallel_loop3A_150, %parallel_loop3A_155 : i32
        %parallel_loop3A_157 = arith.index_cast %parallel_loop3A_156 : i32 to index
        %parallel_loop3A_158 = tpu.vector_load %arg11[%parallel_loop3A_157] {strides = array<i32>} : memref<2048xi32, #tpu.memory_space<vmem>>, vector<16xi32>,
        %parallel_loop3A_159 = arith.constant 0 : i32
        %parallel_loop3A_160 = vector.broadcast %parallel_loop3A_159 : i32 to vector<16xi32>
        %parallel_loop3A_161 = arith.addi %parallel_loop3A_154, %parallel_loop3A_160 : vector<16xi32>
        %parallel_loop3A_162 = tpu.vector_load_idx %arg7[%parallel_loop3A_161] : memref<8200xi32, #tpu.memory_space<vmem>>[vector<16xi32>], vector<16xi32>,
        %parallel_loop3A_163 = arith.constant 0 : i32
        %parallel_loop3A_164 = vector.broadcast %parallel_loop3A_163 : i32 to vector<16xi32>
        %parallel_loop3A_165 = arith.addi %parallel_loop3A_158, %parallel_loop3A_164 : vector<16xi32>
        %parallel_loop3A_166 = tpu.vector_load_idx %arg8[%parallel_loop3A_165] : memref<8200xi32, #tpu.memory_space<vmem>>[vector<16xi32>], vector<16xi32>,
        %parallel_loop3A_167 = vector.bitcast %parallel_loop3A_162 : vector<16xi32> to vector<32xbf16>
        %parallel_loop3A_168 = vector.bitcast %parallel_loop3A_166 : vector<16xi32> to vector<32xbf16>
        %parallel_loop3A_169 = arith.addf %parallel_loop3A_167, %parallel_loop3A_168 : vector<32xbf16>
        %parallel_loop3A_170 = tpu.unpack_subelements %parallel_loop3A_169, 0 {pack_format = #tpu.pack_format<interleaved>} : vector<32xbf16> -> vector<16xf32>
        %parallel_loop3A_171 = tpu.unpack_subelements %parallel_loop3A_169, 1 {pack_format = #tpu.pack_format<interleaved>} : vector<32xbf16> -> vector<16xf32>
        %parallel_loop3A_172 = arith.constant 16 : i32
        %parallel_loop3A_173 = arith.muli %parallel_loop3A_150, %parallel_loop3A_172 : i32
        %parallel_loop3A_174 = arith.constant 0 : i32
        %parallel_loop3A_175 = arith.constant 0 : i32
        %parallel_loop3A_176 = arith.index_cast %parallel_loop3A_174 : i32 to index
        %parallel_loop3A_177 = arith.index_cast %parallel_loop3A_175 : i32 to index
        %parallel_loop3A_178 = arith.index_cast %parallel_loop3A_173 : i32 to index
        %parallel_loop3A_179 = tpu.vector_load %arg13[%parallel_loop3A_176, %parallel_loop3A_177, %parallel_loop3A_178] {strides = array<i32>} : memref<2x16x2048xf32, #tpu.memory_space<vmem>>, vector<16xf32>,
        tpu.vector_store %arg13[%parallel_loop3A_176, %parallel_loop3A_177, %parallel_loop3A_178], %parallel_loop3A_170 {strides = array<i32>} : memref<2x16x2048xf32, #tpu.memory_space<vmem>>, vector<16xf32>,
        %parallel_loop3A_180 = arith.constant 16 : i32
        %parallel_loop3A_181 = arith.muli %parallel_loop3A_150, %parallel_loop3A_180 : i32
        %parallel_loop3A_182 = arith.constant 0 : i32
        %parallel_loop3A_183 = arith.constant 1 : i32
        %parallel_loop3A_184 = arith.index_cast %parallel_loop3A_182 : i32 to index
        %parallel_loop3A_185 = arith.index_cast %parallel_loop3A_183 : i32 to index
        %parallel_loop3A_186 = arith.index_cast %parallel_loop3A_181 : i32 to index
        %parallel_loop3A_187 = tpu.vector_load %arg13[%parallel_loop3A_184, %parallel_loop3A_185, %parallel_loop3A_186] {strides = array<i32>} : memref<2x16x2048xf32, #tpu.memory_space<vmem>>, vector<16xf32>,
        tpu.vector_store %arg13[%parallel_loop3A_184, %parallel_loop3A_185, %parallel_loop3A_186], %parallel_loop3A_171 {strides = array<i32>} : memref<2x16x2048xf32, #tpu.memory_space<vmem>>, vector<16xf32>,
        %parallel_loop3A_188 = arith.constant 1025 : i32
        %parallel_loop3A_189 = vector.broadcast %parallel_loop3A_188 : i32 to vector<16xi32>
        %parallel_loop3A_190 = arith.addi %parallel_loop3A_154, %parallel_loop3A_189 : vector<16xi32>
        %parallel_loop3A_191 = tpu.vector_load_idx %arg7[%parallel_loop3A_190] : memref<8200xi32, #tpu.memory_space<vmem>>[vector<16xi32>], vector<16xi32>,
        %parallel_loop3A_192 = arith.constant 1025 : i32
        %parallel_loop3A_193 = vector.broadcast %parallel_loop3A_192 : i32 to vector<16xi32>
        %parallel_loop3A_194 = arith.addi %parallel_loop3A_158, %parallel_loop3A_193 : vector<16xi32>
        %parallel_loop3A_195 = tpu.vector_load_idx %arg8[%parallel_loop3A_194] : memref<8200xi32, #tpu.memory_space<vmem>>[vector<16xi32>], vector<16xi32>,
        %parallel_loop3A_196 = vector.bitcast %parallel_loop3A_191 : vector<16xi32> to vector<32xbf16>
        %parallel_loop3A_197 = vector.bitcast %parallel_loop3A_195 : vector<16xi32> to vector<32xbf16>
        %parallel_loop3A_198 = arith.addf %parallel_loop3A_196, %parallel_loop3A_197 : vector<32xbf16>
        %parallel_loop3A_199 = tpu.unpack_subelements %parallel_loop3A_198, 0 {pack_format = #tpu.pack_format<interleaved>} : vector<32xbf16> -> vector<16xf32>
        %parallel_loop3A_200 = tpu.unpack_subelements %parallel_loop3A_198, 1 {pack_format = #tpu.pack_format<interleaved>} : vector<32xbf16> -> vector<16xf32>
        %parallel_loop3A_201 = arith.constant 16 : i32
        %parallel_loop3A_202 = arith.muli %parallel_loop3A_150, %parallel_loop3A_201 : i32
        %parallel_loop3A_203 = arith.constant 0 : i32
        %parallel_loop3A_204 = arith.constant 2 : i32
        %parallel_loop3A_205 = arith.index_cast %parallel_loop3A_203 : i32 to index
        %parallel_loop3A_206 = arith.index_cast %parallel_loop3A_204 : i32 to index
        %parallel_loop3A_207 = arith.index_cast %parallel_loop3A_202 : i32 to index
        %parallel_loop3A_208 = tpu.vector_load %arg13[%parallel_loop3A_205, %parallel_loop3A_206, %parallel_loop3A_207] {strides = array<i32>} : memref<2x16x2048xf32, #tpu.memory_space<vmem>>, vector<16xf32>,
        tpu.vector_store %arg13[%parallel_loop3A_205, %parallel_loop3A_206, %parallel_loop3A_207], %parallel_loop3A_199 {strides = array<i32>} : memref<2x16x2048xf32, #tpu.memory_space<vmem>>, vector<16xf32>,
        %parallel_loop3A_209 = arith.constant 16 : i32
        %parallel_loop3A_210 = arith.muli %parallel_loop3A_150, %parallel_loop3A_209 : i32
        %parallel_loop3A_211 = arith.constant 0 : i32
        %parallel_loop3A_212 = arith.constant 3 : i32
        %parallel_loop3A_213 = arith.index_cast %parallel_loop3A_211 : i32 to index
        %parallel_loop3A_214 = arith.index_cast %parallel_loop3A_212 : i32 to index
        %parallel_loop3A_215 = arith.index_cast %parallel_loop3A_210 : i32 to index
        %parallel_loop3A_216 = tpu.vector_load %arg13[%parallel_loop3A_213, %parallel_loop3A_214, %parallel_loop3A_215] {strides = array<i32>} : memref<2x16x2048xf32, #tpu.memory_space<vmem>>, vector<16xf32>,
        tpu.vector_store %arg13[%parallel_loop3A_213, %parallel_loop3A_214, %parallel_loop3A_215], %parallel_loop3A_200 {strides = array<i32>} : memref<2x16x2048xf32, #tpu.memory_space<vmem>>, vector<16xf32>,
        %parallel_loop3A_217 = arith.constant 2050 : i32
        %parallel_loop3A_218 = vector.broadcast %parallel_loop3A_217 : i32 to vector<16xi32>
        %parallel_loop3A_219 = arith.addi %parallel_loop3A_154, %parallel_loop3A_218 : vector<16xi32>
        %parallel_loop3A_220 = tpu.vector_load_idx %arg7[%parallel_loop3A_219] : memref<8200xi32, #tpu.memory_space<vmem>>[vector<16xi32>], vector<16xi32>,
        %parallel_loop3A_221 = arith.constant 2050 : i32
        %parallel_loop3A_222 = vector.broadcast %parallel_loop3A_221 : i32 to vector<16xi32>
        %parallel_loop3A_223 = arith.addi %parallel_loop3A_158, %parallel_loop3A_222 : vector<16xi32>
        %parallel_loop3A_224 = tpu.vector_load_idx %arg8[%parallel_loop3A_223] : memref<8200xi32, #tpu.memory_space<vmem>>[vector<16xi32>], vector<16xi32>,
        %parallel_loop3A_225 = vector.bitcast %parallel_loop3A_220 : vector<16xi32> to vector<32xbf16>
        %parallel_loop3A_226 = vector.bitcast %parallel_loop3A_224 : vector<16xi32> to vector<32xbf16>
        %parallel_loop3A_227 = arith.addf %parallel_loop3A_225, %parallel_loop3A_226 : vector<32xbf16>
        %parallel_loop3A_228 = tpu.unpack_subelements %parallel_loop3A_227, 0 {pack_format = #tpu.pack_format<interleaved>} : vector<32xbf16> -> vector<16xf32>
        %parallel_loop3A_229 = tpu.unpack_subelements %parallel_loop3A_227, 1 {pack_format = #tpu.pack_format<interleaved>} : vector<32xbf16> -> vector<16xf32>
        %parallel_loop3A_230 = arith.constant 16 : i32
        %parallel_loop3A_231 = arith.muli %parallel_loop3A_150, %parallel_loop3A_230 : i32
        %parallel_loop3A_232 = arith.constant 0 : i32
        %parallel_loop3A_233 = arith.constant 4 : i32
        %parallel_loop3A_234 = arith.index_cast %parallel_loop3A_232 : i32 to index
        %parallel_loop3A_235 = arith.index_cast %parallel_loop3A_233 : i32 to index
        %parallel_loop3A_236 = arith.index_cast %parallel_loop3A_231 : i32 to index
        %parallel_loop3A_237 = tpu.vector_load %arg13[%parallel_loop3A_234, %parallel_loop3A_235, %parallel_loop3A_236] {strides = array<i32>} : memref<2x16x2048xf32, #tpu.memory_space<vmem>>, vector<16xf32>,
        tpu.vector_store %arg13[%parallel_loop3A_234, %parallel_loop3A_235, %parallel_loop3A_236], %parallel_loop3A_228 {strides = array<i32>} : memref<2x16x2048xf32, #tpu.memory_space<vmem>>, vector<16xf32>,
        %parallel_loop3A_238 = arith.constant 16 : i32
        %parallel_loop3A_239 = arith.muli %parallel_loop3A_150, %parallel_loop3A_238 : i32
        %parallel_loop3A_240 = arith.constant 0 : i32
        %parallel_loop3A_241 = arith.constant 5 : i32
        %parallel_loop3A_242 = arith.index_cast %parallel_loop3A_240 : i32 to index
        %parallel_loop3A_243 = arith.index_cast %parallel_loop3A_241 : i32 to index
        %parallel_loop3A_244 = arith.index_cast %parallel_loop3A_239 : i32 to index
        %parallel_loop3A_245 = tpu.vector_load %arg13[%parallel_loop3A_242, %parallel_loop3A_243, %parallel_loop3A_244] {strides = array<i32>} : memref<2x16x2048xf32, #tpu.memory_space<vmem>>, vector<16xf32>,
        tpu.vector_store %arg13[%parallel_loop3A_242, %parallel_loop3A_243, %parallel_loop3A_244], %parallel_loop3A_229 {strides = array<i32>} : memref<2x16x2048xf32, #tpu.memory_space<vmem>>, vector<16xf32>,
        %parallel_loop3A_246 = arith.constant 3075 : i32
        %parallel_loop3A_247 = vector.broadcast %parallel_loop3A_246 : i32 to vector<16xi32>
        %parallel_loop3A_248 = arith.addi %parallel_loop3A_154, %parallel_loop3A_247 : vector<16xi32>
        %parallel_loop3A_249 = tpu.vector_load_idx %arg7[%parallel_loop3A_248] : memref<8200xi32, #tpu.memory_space<vmem>>[vector<16xi32>], vector<16xi32>,
        %parallel_loop3A_250 = arith.constant 3075 : i32
        %parallel_loop3A_251 = vector.broadcast %parallel_loop3A_250 : i32 to vector<16xi32>
        %parallel_loop3A_252 = arith.addi %parallel_loop3A_158, %parallel_loop3A_251 : vector<16xi32>
        %parallel_loop3A_253 = tpu.vector_load_idx %arg8[%parallel_loop3A_252] : memref<8200xi32, #tpu.memory_space<vmem>>[vector<16xi32>], vector<16xi32>,
        %parallel_loop3A_254 = vector.bitcast %parallel_loop3A_249 : vector<16xi32> to vector<32xbf16>
        %parallel_loop3A_255 = vector.bitcast %parallel_loop3A_253 : vector<16xi32> to vector<32xbf16>
        %parallel_loop3A_256 = arith.addf %parallel_loop3A_254, %parallel_loop3A_255 : vector<32xbf16>
        %parallel_loop3A_257 = tpu.unpack_subelements %parallel_loop3A_256, 0 {pack_format = #tpu.pack_format<interleaved>} : vector<32xbf16> -> vector<16xf32>
        %parallel_loop3A_258 = tpu.unpack_subelements %parallel_loop3A_256, 1 {pack_format = #tpu.pack_format<interleaved>} : vector<32xbf16> -> vector<16xf32>
        %parallel_loop3A_259 = arith.constant 16 : i32
        %parallel_loop3A_260 = arith.muli %parallel_loop3A_150, %parallel_loop3A_259 : i32
        %parallel_loop3A_261 = arith.constant 0 : i32
        %parallel_loop3A_262 = arith.constant 6 : i32
        %parallel_loop3A_263 = arith.index_cast %parallel_loop3A_261 : i32 to index
        %parallel_loop3A_264 = arith.index_cast %parallel_loop3A_262 : i32 to index
        %parallel_loop3A_265 = arith.index_cast %parallel_loop3A_260 : i32 to index
        %parallel_loop3A_266 = tpu.vector_load %arg13[%parallel_loop3A_263, %parallel_loop3A_264, %parallel_loop3A_265] {strides = array<i32>} : memref<2x16x2048xf32, #tpu.memory_space<vmem>>, vector<16xf32>,
        tpu.vector_store %arg13[%parallel_loop3A_263, %parallel_loop3A_264, %parallel_loop3A_265], %parallel_loop3A_257 {strides = array<i32>} : memref<2x16x2048xf32, #tpu.memory_space<vmem>>, vector<16xf32>,
        %parallel_loop3A_267 = arith.constant 16 : i32
        %parallel_loop3A_268 = arith.muli %parallel_loop3A_150, %parallel_loop3A_267 : i32
        %parallel_loop3A_269 = arith.constant 0 : i32
        %parallel_loop3A_270 = arith.constant 7 : i32
        %parallel_loop3A_271 = arith.index_cast %parallel_loop3A_269 : i32 to index
        %parallel_loop3A_272 = arith.index_cast %parallel_loop3A_270 : i32 to index
        %parallel_loop3A_273 = arith.index_cast %parallel_loop3A_268 : i32 to index
        %parallel_loop3A_274 = tpu.vector_load %arg13[%parallel_loop3A_271, %parallel_loop3A_272, %parallel_loop3A_273] {strides = array<i32>} : memref<2x16x2048xf32, #tpu.memory_space<vmem>>, vector<16xf32>,
        tpu.vector_store %arg13[%parallel_loop3A_271, %parallel_loop3A_272, %parallel_loop3A_273], %parallel_loop3A_258 {strides = array<i32>} : memref<2x16x2048xf32, #tpu.memory_space<vmem>>, vector<16xf32>,
        %parallel_loop3A_275 = arith.constant 4100 : i32
        %parallel_loop3A_276 = vector.broadcast %parallel_loop3A_275 : i32 to vector<16xi32>
        %parallel_loop3A_277 = arith.addi %parallel_loop3A_154, %parallel_loop3A_276 : vector<16xi32>
        %parallel_loop3A_278 = tpu.vector_load_idx %arg7[%parallel_loop3A_277] : memref<8200xi32, #tpu.memory_space<vmem>>[vector<16xi32>], vector<16xi32>,
        %parallel_loop3A_279 = arith.constant 4100 : i32
        %parallel_loop3A_280 = vector.broadcast %parallel_loop3A_279 : i32 to vector<16xi32>
        %parallel_loop3A_281 = arith.addi %parallel_loop3A_158, %parallel_loop3A_280 : vector<16xi32>
        %parallel_loop3A_282 = tpu.vector_load_idx %arg8[%parallel_loop3A_281] : memref<8200xi32, #tpu.memory_space<vmem>>[vector<16xi32>], vector<16xi32>,
        %parallel_loop3A_283 = vector.bitcast %parallel_loop3A_278 : vector<16xi32> to vector<32xbf16>
        %parallel_loop3A_284 = vector.bitcast %parallel_loop3A_282 : vector<16xi32> to vector<32xbf16>
        %parallel_loop3A_285 = arith.addf %parallel_loop3A_283, %parallel_loop3A_284 : vector<32xbf16>
        %parallel_loop3A_286 = tpu.unpack_subelements %parallel_loop3A_285, 0 {pack_format = #tpu.pack_format<interleaved>} : vector<32xbf16> -> vector<16xf32>
        %parallel_loop3A_287 = tpu.unpack_subelements %parallel_loop3A_285, 1 {pack_format = #tpu.pack_format<interleaved>} : vector<32xbf16> -> vector<16xf32>
        %parallel_loop3A_288 = arith.constant 16 : i32
        %parallel_loop3A_289 = arith.muli %parallel_loop3A_150, %parallel_loop3A_288 : i32
        %parallel_loop3A_290 = arith.constant 0 : i32
        %parallel_loop3A_291 = arith.constant 8 : i32
        %parallel_loop3A_292 = arith.index_cast %parallel_loop3A_290 : i32 to index
        %parallel_loop3A_293 = arith.index_cast %parallel_loop3A_291 : i32 to index
        %parallel_loop3A_294 = arith.index_cast %parallel_loop3A_289 : i32 to index
        %parallel_loop3A_295 = tpu.vector_load %arg13[%parallel_loop3A_292, %parallel_loop3A_293, %parallel_loop3A_294] {strides = array<i32>} : memref<2x16x2048xf32, #tpu.memory_space<vmem>>, vector<16xf32>,
        tpu.vector_store %arg13[%parallel_loop3A_292, %parallel_loop3A_293, %parallel_loop3A_294], %parallel_loop3A_286 {strides = array<i32>} : memref<2x16x2048xf32, #tpu.memory_space<vmem>>, vector<16xf32>,
        %parallel_loop3A_296 = arith.constant 16 : i32
        %parallel_loop3A_297 = arith.muli %parallel_loop3A_150, %parallel_loop3A_296 : i32
        %parallel_loop3A_298 = arith.constant 0 : i32
        %parallel_loop3A_299 = arith.constant 9 : i32
        %parallel_loop3A_300 = arith.index_cast %parallel_loop3A_298 : i32 to index
        %parallel_loop3A_301 = arith.index_cast %parallel_loop3A_299 : i32 to index
        %parallel_loop3A_302 = arith.index_cast %parallel_loop3A_297 : i32 to index
        %parallel_loop3A_303 = tpu.vector_load %arg13[%parallel_loop3A_300, %parallel_loop3A_301, %parallel_loop3A_302] {strides = array<i32>} : memref<2x16x2048xf32, #tpu.memory_space<vmem>>, vector<16xf32>,
        tpu.vector_store %arg13[%parallel_loop3A_300, %parallel_loop3A_301, %parallel_loop3A_302], %parallel_loop3A_287 {strides = array<i32>} : memref<2x16x2048xf32, #tpu.memory_space<vmem>>, vector<16xf32>,
        %parallel_loop3A_304 = arith.constant 5125 : i32
        %parallel_loop3A_305 = vector.broadcast %parallel_loop3A_304 : i32 to vector<16xi32>
        %parallel_loop3A_306 = arith.addi %parallel_loop3A_154, %parallel_loop3A_305 : vector<16xi32>
        %parallel_loop3A_307 = tpu.vector_load_idx %arg7[%parallel_loop3A_306] : memref<8200xi32, #tpu.memory_space<vmem>>[vector<16xi32>], vector<16xi32>,
        %parallel_loop3A_308 = arith.constant 5125 : i32
        %parallel_loop3A_309 = vector.broadcast %parallel_loop3A_308 : i32 to vector<16xi32>
        %parallel_loop3A_310 = arith.addi %parallel_loop3A_158, %parallel_loop3A_309 : vector<16xi32>
        %parallel_loop3A_311 = tpu.vector_load_idx %arg8[%parallel_loop3A_310] : memref<8200xi32, #tpu.memory_space<vmem>>[vector<16xi32>], vector<16xi32>,
        %parallel_loop3A_312 = vector.bitcast %parallel_loop3A_307 : vector<16xi32> to vector<32xbf16>
        %parallel_loop3A_313 = vector.bitcast %parallel_loop3A_311 : vector<16xi32> to vector<32xbf16>
        %parallel_loop3A_314 = arith.addf %parallel_loop3A_312, %parallel_loop3A_313 : vector<32xbf16>
        %parallel_loop3A_315 = tpu.unpack_subelements %parallel_loop3A_314, 0 {pack_format = #tpu.pack_format<interleaved>} : vector<32xbf16> -> vector<16xf32>
        %parallel_loop3A_316 = tpu.unpack_subelements %parallel_loop3A_314, 1 {pack_format = #tpu.pack_format<interleaved>} : vector<32xbf16> -> vector<16xf32>
        %parallel_loop3A_317 = arith.constant 16 : i32
        %parallel_loop3A_318 = arith.muli %parallel_loop3A_150, %parallel_loop3A_317 : i32
        %parallel_loop3A_319 = arith.constant 0 : i32
        %parallel_loop3A_320 = arith.constant 10 : i32
        %parallel_loop3A_321 = arith.index_cast %parallel_loop3A_319 : i32 to index
        %parallel_loop3A_322 = arith.index_cast %parallel_loop3A_320 : i32 to index
        %parallel_loop3A_323 = arith.index_cast %parallel_loop3A_318 : i32 to index
        %parallel_loop3A_324 = tpu.vector_load %arg13[%parallel_loop3A_321, %parallel_loop3A_322, %parallel_loop3A_323] {strides = array<i32>} : memref<2x16x2048xf32, #tpu.memory_space<vmem>>, vector<16xf32>,
        tpu.vector_store %arg13[%parallel_loop3A_321, %parallel_loop3A_322, %parallel_loop3A_323], %parallel_loop3A_315 {strides = array<i32>} : memref<2x16x2048xf32, #tpu.memory_space<vmem>>, vector<16xf32>,
        %parallel_loop3A_325 = arith.constant 16 : i32
        %parallel_loop3A_326 = arith.muli %parallel_loop3A_150, %parallel_loop3A_325 : i32
        %parallel_loop3A_327 = arith.constant 0 : i32
        %parallel_loop3A_328 = arith.constant 11 : i32
        %parallel_loop3A_329 = arith.index_cast %parallel_loop3A_327 : i32 to index
        %parallel_loop3A_330 = arith.index_cast %parallel_loop3A_328 : i32 to index
        %parallel_loop3A_331 = arith.index_cast %parallel_loop3A_326 : i32 to index
        %parallel_loop3A_332 = tpu.vector_load %arg13[%parallel_loop3A_329, %parallel_loop3A_330, %parallel_loop3A_331] {strides = array<i32>} : memref<2x16x2048xf32, #tpu.memory_space<vmem>>, vector<16xf32>,
        tpu.vector_store %arg13[%parallel_loop3A_329, %parallel_loop3A_330, %parallel_loop3A_331], %parallel_loop3A_316 {strides = array<i32>} : memref<2x16x2048xf32, #tpu.memory_space<vmem>>, vector<16xf32>,
        %parallel_loop3A_333 = arith.constant 6150 : i32
        %parallel_loop3A_334 = vector.broadcast %parallel_loop3A_333 : i32 to vector<16xi32>
        %parallel_loop3A_335 = arith.addi %parallel_loop3A_154, %parallel_loop3A_334 : vector<16xi32>
        %parallel_loop3A_336 = tpu.vector_load_idx %arg7[%parallel_loop3A_335] : memref<8200xi32, #tpu.memory_space<vmem>>[vector<16xi32>], vector<16xi32>,
        %parallel_loop3A_337 = arith.constant 6150 : i32
        %parallel_loop3A_338 = vector.broadcast %parallel_loop3A_337 : i32 to vector<16xi32>
        %parallel_loop3A_339 = arith.addi %parallel_loop3A_158, %parallel_loop3A_338 : vector<16xi32>
        %parallel_loop3A_340 = tpu.vector_load_idx %arg8[%parallel_loop3A_339] : memref<8200xi32, #tpu.memory_space<vmem>>[vector<16xi32>], vector<16xi32>,
        %parallel_loop3A_341 = vector.bitcast %parallel_loop3A_336 : vector<16xi32> to vector<32xbf16>
        %parallel_loop3A_342 = vector.bitcast %parallel_loop3A_340 : vector<16xi32> to vector<32xbf16>
        %parallel_loop3A_343 = arith.addf %parallel_loop3A_341, %parallel_loop3A_342 : vector<32xbf16>
        %parallel_loop3A_344 = tpu.unpack_subelements %parallel_loop3A_343, 0 {pack_format = #tpu.pack_format<interleaved>} : vector<32xbf16> -> vector<16xf32>
        %parallel_loop3A_345 = tpu.unpack_subelements %parallel_loop3A_343, 1 {pack_format = #tpu.pack_format<interleaved>} : vector<32xbf16> -> vector<16xf32>
        %parallel_loop3A_346 = arith.constant 16 : i32
        %parallel_loop3A_347 = arith.muli %parallel_loop3A_150, %parallel_loop3A_346 : i32
        %parallel_loop3A_348 = arith.constant 0 : i32
        %parallel_loop3A_349 = arith.constant 12 : i32
        %parallel_loop3A_350 = arith.index_cast %parallel_loop3A_348 : i32 to index
        %parallel_loop3A_351 = arith.index_cast %parallel_loop3A_349 : i32 to index
        %parallel_loop3A_352 = arith.index_cast %parallel_loop3A_347 : i32 to index
        %parallel_loop3A_353 = tpu.vector_load %arg13[%parallel_loop3A_350, %parallel_loop3A_351, %parallel_loop3A_352] {strides = array<i32>} : memref<2x16x2048xf32, #tpu.memory_space<vmem>>, vector<16xf32>,
        tpu.vector_store %arg13[%parallel_loop3A_350, %parallel_loop3A_351, %parallel_loop3A_352], %parallel_loop3A_344 {strides = array<i32>} : memref<2x16x2048xf32, #tpu.memory_space<vmem>>, vector<16xf32>,
        %parallel_loop3A_354 = arith.constant 16 : i32
        %parallel_loop3A_355 = arith.muli %parallel_loop3A_150, %parallel_loop3A_354 : i32
        %parallel_loop3A_356 = arith.constant 0 : i32
        %parallel_loop3A_357 = arith.constant 13 : i32
        %parallel_loop3A_358 = arith.index_cast %parallel_loop3A_356 : i32 to index
        %parallel_loop3A_359 = arith.index_cast %parallel_loop3A_357 : i32 to index
        %parallel_loop3A_360 = arith.index_cast %parallel_loop3A_355 : i32 to index
        %parallel_loop3A_361 = tpu.vector_load %arg13[%parallel_loop3A_358, %parallel_loop3A_359, %parallel_loop3A_360] {strides = array<i32>} : memref<2x16x2048xf32, #tpu.memory_space<vmem>>, vector<16xf32>,
        tpu.vector_store %arg13[%parallel_loop3A_358, %parallel_loop3A_359, %parallel_loop3A_360], %parallel_loop3A_345 {strides = array<i32>} : memref<2x16x2048xf32, #tpu.memory_space<vmem>>, vector<16xf32>,
        %parallel_loop3A_362 = arith.constant 7175 : i32
        %parallel_loop3A_363 = vector.broadcast %parallel_loop3A_362 : i32 to vector<16xi32>
        %parallel_loop3A_364 = arith.addi %parallel_loop3A_154, %parallel_loop3A_363 : vector<16xi32>
        %parallel_loop3A_365 = tpu.vector_load_idx %arg7[%parallel_loop3A_364] : memref<8200xi32, #tpu.memory_space<vmem>>[vector<16xi32>], vector<16xi32>,
        %parallel_loop3A_366 = arith.constant 7175 : i32
        %parallel_loop3A_367 = vector.broadcast %parallel_loop3A_366 : i32 to vector<16xi32>
        %parallel_loop3A_368 = arith.addi %parallel_loop3A_158, %parallel_loop3A_367 : vector<16xi32>
        %parallel_loop3A_369 = tpu.vector_load_idx %arg8[%parallel_loop3A_368] : memref<8200xi32, #tpu.memory_space<vmem>>[vector<16xi32>], vector<16xi32>,
        %parallel_loop3A_370 = vector.bitcast %parallel_loop3A_365 : vector<16xi32> to vector<32xbf16>
        %parallel_loop3A_371 = vector.bitcast %parallel_loop3A_369 : vector<16xi32> to vector<32xbf16>
        %parallel_loop3A_372 = arith.addf %parallel_loop3A_370, %parallel_loop3A_371 : vector<32xbf16>
        %parallel_loop3A_373 = tpu.unpack_subelements %parallel_loop3A_372, 0 {pack_format = #tpu.pack_format<interleaved>} : vector<32xbf16> -> vector<16xf32>
        %parallel_loop3A_374 = tpu.unpack_subelements %parallel_loop3A_372, 1 {pack_format = #tpu.pack_format<interleaved>} : vector<32xbf16> -> vector<16xf32>
        %parallel_loop3A_375 = arith.constant 16 : i32
        %parallel_loop3A_376 = arith.muli %parallel_loop3A_150, %parallel_loop3A_375 : i32
        %parallel_loop3A_377 = arith.constant 0 : i32
        %parallel_loop3A_378 = arith.constant 14 : i32
        %parallel_loop3A_379 = arith.index_cast %parallel_loop3A_377 : i32 to index
        %parallel_loop3A_380 = arith.index_cast %parallel_loop3A_378 : i32 to index
        %parallel_loop3A_381 = arith.index_cast %parallel_loop3A_376 : i32 to index
        %parallel_loop3A_382 = tpu.vector_load %arg13[%parallel_loop3A_379, %parallel_loop3A_380, %parallel_loop3A_381] {strides = array<i32>} : memref<2x16x2048xf32, #tpu.memory_space<vmem>>, vector<16xf32>,
        tpu.vector_store %arg13[%parallel_loop3A_379, %parallel_loop3A_380, %parallel_loop3A_381], %parallel_loop3A_373 {strides = array<i32>} : memref<2x16x2048xf32, #tpu.memory_space<vmem>>, vector<16xf32>,
        %parallel_loop3A_383 = arith.constant 16 : i32
        %parallel_loop3A_384 = arith.muli %parallel_loop3A_150, %parallel_loop3A_383 : i32
        %parallel_loop3A_385 = arith.constant 0 : i32
        %parallel_loop3A_386 = arith.constant 15 : i32
        %parallel_loop3A_387 = arith.index_cast %parallel_loop3A_385 : i32 to index
        %parallel_loop3A_388 = arith.index_cast %parallel_loop3A_386 : i32 to index
        %parallel_loop3A_389 = arith.index_cast %parallel_loop3A_384 : i32 to index
        %parallel_loop3A_390 = tpu.vector_load %arg13[%parallel_loop3A_387, %parallel_loop3A_388, %parallel_loop3A_389] {strides = array<i32>} : memref<2x16x2048xf32, #tpu.memory_space<vmem>>, vector<16xf32>,
        tpu.vector_store %arg13[%parallel_loop3A_387, %parallel_loop3A_388, %parallel_loop3A_389], %parallel_loop3A_374 {strides = array<i32>} : memref<2x16x2048xf32, #tpu.memory_space<vmem>>, vector<16xf32>,
      } {sc.loop_unroll_factor = 4 : i64, sc.parallel_access}
      %mul3A_79 = arith.constant 64 : i32
      %mul3A_80 = arith.muli %add3A, %mul3A_79 : i32
      %add3A_81 = arith.addi %mul3A_80, %add3A_66 : i32
      %dma_start3A_82 = arith.constant 0 : i32
      %dma_start3A_83 = arith.constant 0 : i32
      %dma_start3A_84 = arith.constant 0 : i32
      %dma_start3A_85 = tpu.memref_slice %arg13[%dma_start3A_82, %dma_start3A_83, %dma_start3A_84] : memref<2x16x2048xf32, #tpu.memory_space<vmem>> -> memref<1x16x2048xf32, #tpu.memory_space<vmem>>
      %dma_start3A_86 = tpu.memref_squeeze %dma_start3A_85 : memref<1x16x2048xf32, #tpu.memory_space<vmem>> -> memref<16x2048xf32, #tpu.memory_space<vmem>>
      %dma_start3A_87 = arith.constant 0 : i32
      %dma_start3A_88 = arith.constant 0 : i32
      %dma_start3A_89 = tpu.memref_slice %arg6[%add3A_81, %dma_start3A_87, %dma_start3A_88] : memref<2048x16x2048xf32, #tpu.memory_space<hbm>> -> memref<1x16x2048xf32, #tpu.memory_space<hbm>>
      %dma_start3A_90 = tpu.memref_squeeze %dma_start3A_89 : memref<1x16x2048xf32, #tpu.memory_space<hbm>> -> memref<16x2048xf32, #tpu.memory_space<hbm>>
      %dma_start3A_91 = arith.constant 0 : i32
      %dma_start3A_92 = arith.constant 0 : i32
      %dma_start3A_93 = tpu.memref_slice %arg6[%add3A_81, %dma_start3A_91, %dma_start3A_92] : memref<2048x16x2048xf32, #tpu.memory_space<hbm>> -> memref<1x16x2048xf32, #tpu.memory_space<hbm>>
      %dma_start3A_94 = tpu.memref_squeeze %dma_start3A_93 : memref<1x16x2048xf32, #tpu.memory_space<hbm>> -> memref<16x2048xf32, #tpu.memory_space<hbm>>
      %dma_start3A_95 = arith.constant 0 : i32
      %dma_start3A_96 = arith.constant 0 : i32
      %dma_start3A_97 = tpu.memref_slice %arg13[%dma_start3A_82, %dma_start3A_95, %dma_start3A_96] : memref<2x16x2048xf32, #tpu.memory_space<vmem>> -> memref<1x16x2048xf32, #tpu.memory_space<vmem>>
      %dma_start3A_98 = tpu.memref_squeeze %dma_start3A_97 : memref<1x16x2048xf32, #tpu.memory_space<vmem>> -> memref<16x2048xf32, #tpu.memory_space<vmem>>
      tpu.enqueue_dma source(%dma_start3A_98 : memref<16x2048xf32, #tpu.memory_space<vmem>>) target(%dma_start3A_94 : memref<16x2048xf32, #tpu.memory_space<hbm>>) target_semaphore(%arg16 : memref<!tpu.dma_semaphore, #tpu.memory_space<semaphore_mem>>)
      %add3A_99 = arith.constant 2 : i32
      %add3A_100 = arith.addi %add3A_66, %add3A_99 : i32
      %lt3A = arith.constant 64 : i32
      %lt3A_101 = arith.cmpi slt, %add3A_100, %lt3A : i32
      %convert_element_type3A_102 = arith.extui %lt3A_101 : i1 to i32
      %cond3A_103 = arith.constant 0 : i32
      %cond3A_104 = arith.cmpi ne, %convert_element_type3A_102, %cond3A_103 : i32
      scf.if %cond3A_104 {
        %add3A_150 = arith.constant 2 : i32
        %add3A_151 = arith.addi %add3A_66, %add3A_150 : i32
        %mul3A_152 = arith.constant 2048 : i32
        %mul3A_153 = arith.muli %add3A_151, %mul3A_152 : i32
        %add3A_154 = arith.addi %mul3A_2, %mul3A_153 : i32
        %multiple_of3A_155 = tpu.assume_multiple %add3A_154, 2048 : i32
        %dma_start3A_156 = tpu.memref_slice %arg4[%multiple_of3A_155] : memref<4194304xi32, #tpu.memory_space<hbm>> -> memref<2048xi32, #tpu.memory_space<hbm>>
        %dma_start3A_157 = tpu.memref_slice %arg4[%multiple_of3A_155] : memref<4194304xi32, #tpu.memory_space<hbm>> -> memref<2048xi32, #tpu.memory_space<hbm>>
        tpu.enqueue_dma source(%dma_start3A_157 : memref<2048xi32, #tpu.memory_space<hbm>>) target(%arg9 : memref<2048xi32, #tpu.memory_space<vmem>>) target_semaphore(%arg14 : memref<!tpu.dma_semaphore, #tpu.memory_space<semaphore_mem>>)
        %dma_start3A_158 = tpu.memref_slice %arg5[%multiple_of3A_155] : memref<4194304xi32, #tpu.memory_space<hbm>> -> memref<2048xi32, #tpu.memory_space<hbm>>
        %dma_start3A_159 = tpu.memref_slice %arg5[%multiple_of3A_155] : memref<4194304xi32, #tpu.memory_space<hbm>> -> memref<2048xi32, #tpu.memory_space<hbm>>
        tpu.enqueue_dma source(%dma_start3A_159 : memref<2048xi32, #tpu.memory_space<hbm>>) target(%arg11 : memref<2048xi32, #tpu.memory_space<vmem>>) target_semaphore(%arg14 : memref<!tpu.dma_semaphore, #tpu.memory_space<semaphore_mem>>)
      } else {
      }
      %add3A_105 = arith.constant 1 : i32
      %add3A_106 = arith.addi %add3A_64, %add3A_105 : i32
      %mul3A_107 = arith.constant 2048 : i32
      %mul3A_108 = arith.muli %add3A_106, %mul3A_107 : i32
      %add3A_109 = arith.addi %mul3A_2, %mul3A_108 : i32
      %multiple_of3A_110 = tpu.assume_multiple %add3A_109, 2048 : i32
      %dma_wait3A_111 = tpu.memref_slice %arg4[%multiple_of3A_110] : memref<4194304xi32, #tpu.memory_space<hbm>> -> memref<2048xi32, #tpu.memory_space<hbm>>
      %dma_wait3A_112 = tpu.memref_slice %arg4[%multiple_of3A_110] : memref<4194304xi32, #tpu.memory_space<hbm>> -> memref<2048xi32, #tpu.memory_space<hbm>>
      tpu.wait_dma2 semaphore(%arg15 : memref<!tpu.dma_semaphore, #tpu.memory_space<semaphore_mem>>) src(%dma_wait3A_112 : memref<2048xi32, #tpu.memory_space<hbm>>) dst(%arg10 : memref<2048xi32, #tpu.memory_space<vmem>>)
      %dma_wait3A_113 = tpu.memref_slice %arg5[%multiple_of3A_110] : memref<4194304xi32, #tpu.memory_space<hbm>> -> memref<2048xi32, #tpu.memory_space<hbm>>
      %dma_wait3A_114 = tpu.memref_slice %arg5[%multiple_of3A_110] : memref<4194304xi32, #tpu.memory_space<hbm>> -> memref<2048xi32, #tpu.memory_space<hbm>>
      tpu.wait_dma2 semaphore(%arg15 : memref<!tpu.dma_semaphore, #tpu.memory_space<semaphore_mem>>) src(%dma_wait3A_114 : memref<2048xi32, #tpu.memory_space<hbm>>) dst(%arg12 : memref<2048xi32, #tpu.memory_space<vmem>>)
      %ge3A_115 = arith.constant 2 : i32
      %ge3A_116 = arith.cmpi sge, %add3A_106, %ge3A_115 : i32
      %convert_element_type3A_117 = arith.extui %ge3A_116 : i1 to i32
      %cond3A_118 = arith.constant 0 : i32
      %cond3A_119 = arith.cmpi ne, %convert_element_type3A_117, %cond3A_118 : i32
      scf.if %cond3A_119 {
        %sub3A = arith.constant 2 : i32
        %sub3A_150 = arith.subi %add3A_106, %sub3A : i32
        %mul3A_151 = arith.constant 64 : i32
        %mul3A_152 = arith.muli %add3A, %mul3A_151 : i32
        %add3A_153 = arith.addi %mul3A_152, %sub3A_150 : i32
        %dma_wait3A_154 = arith.constant 1 : i32
        %dma_wait3A_155 = arith.constant 0 : i32
        %dma_wait3A_156 = arith.constant 0 : i32
        %dma_wait3A_157 = tpu.memref_slice %arg13[%dma_wait3A_154, %dma_wait3A_155, %dma_wait3A_156] : memref<2x16x2048xf32, #tpu.memory_space<vmem>> -> memref<1x16x2048xf32, #tpu.memory_space<vmem>>
        %dma_wait3A_158 = tpu.memref_squeeze %dma_wait3A_157 : memref<1x16x2048xf32, #tpu.memory_space<vmem>> -> memref<16x2048xf32, #tpu.memory_space<vmem>>
        %dma_wait3A_159 = arith.constant 0 : i32
        %dma_wait3A_160 = arith.constant 0 : i32
        %dma_wait3A_161 = tpu.memref_slice %arg6[%add3A_153, %dma_wait3A_159, %dma_wait3A_160] : memref<2048x16x2048xf32, #tpu.memory_space<hbm>> -> memref<1x16x2048xf32, #tpu.memory_space<hbm>>
        %dma_wait3A_162 = tpu.memref_squeeze %dma_wait3A_161 : memref<1x16x2048xf32, #tpu.memory_space<hbm>> -> memref<16x2048xf32, #tpu.memory_space<hbm>>
        %dma_wait3A_163 = arith.constant 0 : i32
        %dma_wait3A_164 = arith.constant 0 : i32
        %dma_wait3A_165 = tpu.memref_slice %arg6[%add3A_153, %dma_wait3A_163, %dma_wait3A_164] : memref<2048x16x2048xf32, #tpu.memory_space<hbm>> -> memref<1x16x2048xf32, #tpu.memory_space<hbm>>
        %dma_wait3A_166 = tpu.memref_squeeze %dma_wait3A_165 : memref<1x16x2048xf32, #tpu.memory_space<hbm>> -> memref<16x2048xf32, #tpu.memory_space<hbm>>
        %dma_wait3A_167 = arith.constant 0 : i32
        %dma_wait3A_168 = arith.constant 0 : i32
        %dma_wait3A_169 = tpu.memref_slice %arg13[%dma_wait3A_154, %dma_wait3A_167, %dma_wait3A_168] : memref<2x16x2048xf32, #tpu.memory_space<vmem>> -> memref<1x16x2048xf32, #tpu.memory_space<vmem>>
        %dma_wait3A_170 = tpu.memref_squeeze %dma_wait3A_169 : memref<1x16x2048xf32, #tpu.memory_space<vmem>> -> memref<16x2048xf32, #tpu.memory_space<vmem>>
        tpu.wait_dma2 semaphore(%arg17 : memref<!tpu.dma_semaphore, #tpu.memory_space<semaphore_mem>>) src(%dma_wait3A_170 : memref<16x2048xf32, #tpu.memory_space<vmem>>) dst(%dma_wait3A_166 : memref<16x2048xf32, #tpu.memory_space<hbm>>)
      } else {
      }
      %parallel_loop3A_120 = arith.constant 0 : i32
      %parallel_loop3A_121 = arith.constant 128 : i32
      %parallel_loop3A_122 = arith.constant 1 : i32
      scf.for %parallel_loop3A_150 = %parallel_loop3A_120 to %parallel_loop3A_121 step %parallel_loop3A_122  : i32 {
        %parallel_loop3A_151 = arith.constant 16 : i32
        %parallel_loop3A_152 = arith.muli %parallel_loop3A_150, %parallel_loop3A_151 : i32
        %parallel_loop3A_153 = arith.index_cast %parallel_loop3A_152 : i32 to index
        %parallel_loop3A_154 = tpu.vector_load %arg10[%parallel_loop3A_153] {strides = array<i32>} : memref<2048xi32, #tpu.memory_space<vmem>>, vector<16xi32>,
        %parallel_loop3A_155 = arith.constant 16 : i32
        %parallel_loop3A_156 = arith.muli %parallel_loop3A_150, %parallel_loop3A_155 : i32
        %parallel_loop3A_157 = arith.index_cast %parallel_loop3A_156 : i32 to index
        %parallel_loop3A_158 = tpu.vector_load %arg12[%parallel_loop3A_157] {strides = array<i32>} : memref<2048xi32, #tpu.memory_space<vmem>>, vector<16xi32>,
        %parallel_loop3A_159 = arith.constant 0 : i32
        %parallel_loop3A_160 = vector.broadcast %parallel_loop3A_159 : i32 to vector<16xi32>
        %parallel_loop3A_161 = arith.addi %parallel_loop3A_154, %parallel_loop3A_160 : vector<16xi32>
        %parallel_loop3A_162 = tpu.vector_load_idx %arg7[%parallel_loop3A_161] : memref<8200xi32, #tpu.memory_space<vmem>>[vector<16xi32>], vector<16xi32>,
        %parallel_loop3A_163 = arith.constant 0 : i32
        %parallel_loop3A_164 = vector.broadcast %parallel_loop3A_163 : i32 to vector<16xi32>
        %parallel_loop3A_165 = arith.addi %parallel_loop3A_158, %parallel_loop3A_164 : vector<16xi32>
        %parallel_loop3A_166 = tpu.vector_load_idx %arg8[%parallel_loop3A_165] : memref<8200xi32, #tpu.memory_space<vmem>>[vector<16xi32>], vector<16xi32>,
        %parallel_loop3A_167 = vector.bitcast %parallel_loop3A_162 : vector<16xi32> to vector<32xbf16>
        %parallel_loop3A_168 = vector.bitcast %parallel_loop3A_166 : vector<16xi32> to vector<32xbf16>
        %parallel_loop3A_169 = arith.addf %parallel_loop3A_167, %parallel_loop3A_168 : vector<32xbf16>
        %parallel_loop3A_170 = tpu.unpack_subelements %parallel_loop3A_169, 0 {pack_format = #tpu.pack_format<interleaved>} : vector<32xbf16> -> vector<16xf32>
        %parallel_loop3A_171 = tpu.unpack_subelements %parallel_loop3A_169, 1 {pack_format = #tpu.pack_format<interleaved>} : vector<32xbf16> -> vector<16xf32>
        %parallel_loop3A_172 = arith.constant 16 : i32
        %parallel_loop3A_173 = arith.muli %parallel_loop3A_150, %parallel_loop3A_172 : i32
        %parallel_loop3A_174 = arith.constant 1 : i32
        %parallel_loop3A_175 = arith.constant 0 : i32
        %parallel_loop3A_176 = arith.index_cast %parallel_loop3A_174 : i32 to index
        %parallel_loop3A_177 = arith.index_cast %parallel_loop3A_175 : i32 to index
        %parallel_loop3A_178 = arith.index_cast %parallel_loop3A_173 : i32 to index
        %parallel_loop3A_179 = tpu.vector_load %arg13[%parallel_loop3A_176, %parallel_loop3A_177, %parallel_loop3A_178] {strides = array<i32>} : memref<2x16x2048xf32, #tpu.memory_space<vmem>>, vector<16xf32>,
        tpu.vector_store %arg13[%parallel_loop3A_176, %parallel_loop3A_177, %parallel_loop3A_178], %parallel_loop3A_170 {strides = array<i32>} : memref<2x16x2048xf32, #tpu.memory_space<vmem>>, vector<16xf32>,
        %parallel_loop3A_180 = arith.constant 16 : i32
        %parallel_loop3A_181 = arith.muli %parallel_loop3A_150, %parallel_loop3A_180 : i32
        %parallel_loop3A_182 = arith.constant 1 : i32
        %parallel_loop3A_183 = arith.constant 1 : i32
        %parallel_loop3A_184 = arith.index_cast %parallel_loop3A_182 : i32 to index
        %parallel_loop3A_185 = arith.index_cast %parallel_loop3A_183 : i32 to index
        %parallel_loop3A_186 = arith.index_cast %parallel_loop3A_181 : i32 to index
        %parallel_loop3A_187 = tpu.vector_load %arg13[%parallel_loop3A_184, %parallel_loop3A_185, %parallel_loop3A_186] {strides = array<i32>} : memref<2x16x2048xf32, #tpu.memory_space<vmem>>, vector<16xf32>,
        tpu.vector_store %arg13[%parallel_loop3A_184, %parallel_loop3A_185, %parallel_loop3A_186], %parallel_loop3A_171 {strides = array<i32>} : memref<2x16x2048xf32, #tpu.memory_space<vmem>>, vector<16xf32>,
        %parallel_loop3A_188 = arith.constant 1025 : i32
        %parallel_loop3A_189 = vector.broadcast %parallel_loop3A_188 : i32 to vector<16xi32>
        %parallel_loop3A_190 = arith.addi %parallel_loop3A_154, %parallel_loop3A_189 : vector<16xi32>
        %parallel_loop3A_191 = tpu.vector_load_idx %arg7[%parallel_loop3A_190] : memref<8200xi32, #tpu.memory_space<vmem>>[vector<16xi32>], vector<16xi32>,
        %parallel_loop3A_192 = arith.constant 1025 : i32
        %parallel_loop3A_193 = vector.broadcast %parallel_loop3A_192 : i32 to vector<16xi32>
        %parallel_loop3A_194 = arith.addi %parallel_loop3A_158, %parallel_loop3A_193 : vector<16xi32>
        %parallel_loop3A_195 = tpu.vector_load_idx %arg8[%parallel_loop3A_194] : memref<8200xi32, #tpu.memory_space<vmem>>[vector<16xi32>], vector<16xi32>,
        %parallel_loop3A_196 = vector.bitcast %parallel_loop3A_191 : vector<16xi32> to vector<32xbf16>
        %parallel_loop3A_197 = vector.bitcast %parallel_loop3A_195 : vector<16xi32> to vector<32xbf16>
        %parallel_loop3A_198 = arith.addf %parallel_loop3A_196, %parallel_loop3A_197 : vector<32xbf16>
        %parallel_loop3A_199 = tpu.unpack_subelements %parallel_loop3A_198, 0 {pack_format = #tpu.pack_format<interleaved>} : vector<32xbf16> -> vector<16xf32>
        %parallel_loop3A_200 = tpu.unpack_subelements %parallel_loop3A_198, 1 {pack_format = #tpu.pack_format<interleaved>} : vector<32xbf16> -> vector<16xf32>
        %parallel_loop3A_201 = arith.constant 16 : i32
        %parallel_loop3A_202 = arith.muli %parallel_loop3A_150, %parallel_loop3A_201 : i32
        %parallel_loop3A_203 = arith.constant 1 : i32
        %parallel_loop3A_204 = arith.constant 2 : i32
        %parallel_loop3A_205 = arith.index_cast %parallel_loop3A_203 : i32 to index
        %parallel_loop3A_206 = arith.index_cast %parallel_loop3A_204 : i32 to index
        %parallel_loop3A_207 = arith.index_cast %parallel_loop3A_202 : i32 to index
        %parallel_loop3A_208 = tpu.vector_load %arg13[%parallel_loop3A_205, %parallel_loop3A_206, %parallel_loop3A_207] {strides = array<i32>} : memref<2x16x2048xf32, #tpu.memory_space<vmem>>, vector<16xf32>,
        tpu.vector_store %arg13[%parallel_loop3A_205, %parallel_loop3A_206, %parallel_loop3A_207], %parallel_loop3A_199 {strides = array<i32>} : memref<2x16x2048xf32, #tpu.memory_space<vmem>>, vector<16xf32>,
        %parallel_loop3A_209 = arith.constant 16 : i32
        %parallel_loop3A_210 = arith.muli %parallel_loop3A_150, %parallel_loop3A_209 : i32
        %parallel_loop3A_211 = arith.constant 1 : i32
        %parallel_loop3A_212 = arith.constant 3 : i32
        %parallel_loop3A_213 = arith.index_cast %parallel_loop3A_211 : i32 to index
        %parallel_loop3A_214 = arith.index_cast %parallel_loop3A_212 : i32 to index
        %parallel_loop3A_215 = arith.index_cast %parallel_loop3A_210 : i32 to index
        %parallel_loop3A_216 = tpu.vector_load %arg13[%parallel_loop3A_213, %parallel_loop3A_214, %parallel_loop3A_215] {strides = array<i32>} : memref<2x16x2048xf32, #tpu.memory_space<vmem>>, vector<16xf32>,
        tpu.vector_store %arg13[%parallel_loop3A_213, %parallel_loop3A_214, %parallel_loop3A_215], %parallel_loop3A_200 {strides = array<i32>} : memref<2x16x2048xf32, #tpu.memory_space<vmem>>, vector<16xf32>,
        %parallel_loop3A_217 = arith.constant 2050 : i32
        %parallel_loop3A_218 = vector.broadcast %parallel_loop3A_217 : i32 to vector<16xi32>
        %parallel_loop3A_219 = arith.addi %parallel_loop3A_154, %parallel_loop3A_218 : vector<16xi32>
        %parallel_loop3A_220 = tpu.vector_load_idx %arg7[%parallel_loop3A_219] : memref<8200xi32, #tpu.memory_space<vmem>>[vector<16xi32>], vector<16xi32>,
        %parallel_loop3A_221 = arith.constant 2050 : i32
        %parallel_loop3A_222 = vector.broadcast %parallel_loop3A_221 : i32 to vector<16xi32>
        %parallel_loop3A_223 = arith.addi %parallel_loop3A_158, %parallel_loop3A_222 : vector<16xi32>
        %parallel_loop3A_224 = tpu.vector_load_idx %arg8[%parallel_loop3A_223] : memref<8200xi32, #tpu.memory_space<vmem>>[vector<16xi32>], vector<16xi32>,
        %parallel_loop3A_225 = vector.bitcast %parallel_loop3A_220 : vector<16xi32> to vector<32xbf16>
        %parallel_loop3A_226 = vector.bitcast %parallel_loop3A_224 : vector<16xi32> to vector<32xbf16>
        %parallel_loop3A_227 = arith.addf %parallel_loop3A_225, %parallel_loop3A_226 : vector<32xbf16>
        %parallel_loop3A_228 = tpu.unpack_subelements %parallel_loop3A_227, 0 {pack_format = #tpu.pack_format<interleaved>} : vector<32xbf16> -> vector<16xf32>
        %parallel_loop3A_229 = tpu.unpack_subelements %parallel_loop3A_227, 1 {pack_format = #tpu.pack_format<interleaved>} : vector<32xbf16> -> vector<16xf32>
        %parallel_loop3A_230 = arith.constant 16 : i32
        %parallel_loop3A_231 = arith.muli %parallel_loop3A_150, %parallel_loop3A_230 : i32
        %parallel_loop3A_232 = arith.constant 1 : i32
        %parallel_loop3A_233 = arith.constant 4 : i32
        %parallel_loop3A_234 = arith.index_cast %parallel_loop3A_232 : i32 to index
        %parallel_loop3A_235 = arith.index_cast %parallel_loop3A_233 : i32 to index
        %parallel_loop3A_236 = arith.index_cast %parallel_loop3A_231 : i32 to index
        %parallel_loop3A_237 = tpu.vector_load %arg13[%parallel_loop3A_234, %parallel_loop3A_235, %parallel_loop3A_236] {strides = array<i32>} : memref<2x16x2048xf32, #tpu.memory_space<vmem>>, vector<16xf32>,
        tpu.vector_store %arg13[%parallel_loop3A_234, %parallel_loop3A_235, %parallel_loop3A_236], %parallel_loop3A_228 {strides = array<i32>} : memref<2x16x2048xf32, #tpu.memory_space<vmem>>, vector<16xf32>,
        %parallel_loop3A_238 = arith.constant 16 : i32
        %parallel_loop3A_239 = arith.muli %parallel_loop3A_150, %parallel_loop3A_238 : i32
        %parallel_loop3A_240 = arith.constant 1 : i32
        %parallel_loop3A_241 = arith.constant 5 : i32
        %parallel_loop3A_242 = arith.index_cast %parallel_loop3A_240 : i32 to index
        %parallel_loop3A_243 = arith.index_cast %parallel_loop3A_241 : i32 to index
        %parallel_loop3A_244 = arith.index_cast %parallel_loop3A_239 : i32 to index
        %parallel_loop3A_245 = tpu.vector_load %arg13[%parallel_loop3A_242, %parallel_loop3A_243, %parallel_loop3A_244] {strides = array<i32>} : memref<2x16x2048xf32, #tpu.memory_space<vmem>>, vector<16xf32>,
        tpu.vector_store %arg13[%parallel_loop3A_242, %parallel_loop3A_243, %parallel_loop3A_244], %parallel_loop3A_229 {strides = array<i32>} : memref<2x16x2048xf32, #tpu.memory_space<vmem>>, vector<16xf32>,
        %parallel_loop3A_246 = arith.constant 3075 : i32
        %parallel_loop3A_247 = vector.broadcast %parallel_loop3A_246 : i32 to vector<16xi32>
        %parallel_loop3A_248 = arith.addi %parallel_loop3A_154, %parallel_loop3A_247 : vector<16xi32>
        %parallel_loop3A_249 = tpu.vector_load_idx %arg7[%parallel_loop3A_248] : memref<8200xi32, #tpu.memory_space<vmem>>[vector<16xi32>], vector<16xi32>,
        %parallel_loop3A_250 = arith.constant 3075 : i32
        %parallel_loop3A_251 = vector.broadcast %parallel_loop3A_250 : i32 to vector<16xi32>
        %parallel_loop3A_252 = arith.addi %parallel_loop3A_158, %parallel_loop3A_251 : vector<16xi32>
        %parallel_loop3A_253 = tpu.vector_load_idx %arg8[%parallel_loop3A_252] : memref<8200xi32, #tpu.memory_space<vmem>>[vector<16xi32>], vector<16xi32>,
        %parallel_loop3A_254 = vector.bitcast %parallel_loop3A_249 : vector<16xi32> to vector<32xbf16>
        %parallel_loop3A_255 = vector.bitcast %parallel_loop3A_253 : vector<16xi32> to vector<32xbf16>
        %parallel_loop3A_256 = arith.addf %parallel_loop3A_254, %parallel_loop3A_255 : vector<32xbf16>
        %parallel_loop3A_257 = tpu.unpack_subelements %parallel_loop3A_256, 0 {pack_format = #tpu.pack_format<interleaved>} : vector<32xbf16> -> vector<16xf32>
        %parallel_loop3A_258 = tpu.unpack_subelements %parallel_loop3A_256, 1 {pack_format = #tpu.pack_format<interleaved>} : vector<32xbf16> -> vector<16xf32>
        %parallel_loop3A_259 = arith.constant 16 : i32
        %parallel_loop3A_260 = arith.muli %parallel_loop3A_150, %parallel_loop3A_259 : i32
        %parallel_loop3A_261 = arith.constant 1 : i32
        %parallel_loop3A_262 = arith.constant 6 : i32
        %parallel_loop3A_263 = arith.index_cast %parallel_loop3A_261 : i32 to index
        %parallel_loop3A_264 = arith.index_cast %parallel_loop3A_262 : i32 to index
        %parallel_loop3A_265 = arith.index_cast %parallel_loop3A_260 : i32 to index
        %parallel_loop3A_266 = tpu.vector_load %arg13[%parallel_loop3A_263, %parallel_loop3A_264, %parallel_loop3A_265] {strides = array<i32>} : memref<2x16x2048xf32, #tpu.memory_space<vmem>>, vector<16xf32>,
        tpu.vector_store %arg13[%parallel_loop3A_263, %parallel_loop3A_264, %parallel_loop3A_265], %parallel_loop3A_257 {strides = array<i32>} : memref<2x16x2048xf32, #tpu.memory_space<vmem>>, vector<16xf32>,
        %parallel_loop3A_267 = arith.constant 16 : i32
        %parallel_loop3A_268 = arith.muli %parallel_loop3A_150, %parallel_loop3A_267 : i32
        %parallel_loop3A_269 = arith.constant 1 : i32
        %parallel_loop3A_270 = arith.constant 7 : i32
        %parallel_loop3A_271 = arith.index_cast %parallel_loop3A_269 : i32 to index
        %parallel_loop3A_272 = arith.index_cast %parallel_loop3A_270 : i32 to index
        %parallel_loop3A_273 = arith.index_cast %parallel_loop3A_268 : i32 to index
        %parallel_loop3A_274 = tpu.vector_load %arg13[%parallel_loop3A_271, %parallel_loop3A_272, %parallel_loop3A_273] {strides = array<i32>} : memref<2x16x2048xf32, #tpu.memory_space<vmem>>, vector<16xf32>,
        tpu.vector_store %arg13[%parallel_loop3A_271, %parallel_loop3A_272, %parallel_loop3A_273], %parallel_loop3A_258 {strides = array<i32>} : memref<2x16x2048xf32, #tpu.memory_space<vmem>>, vector<16xf32>,
        %parallel_loop3A_275 = arith.constant 4100 : i32
        %parallel_loop3A_276 = vector.broadcast %parallel_loop3A_275 : i32 to vector<16xi32>
        %parallel_loop3A_277 = arith.addi %parallel_loop3A_154, %parallel_loop3A_276 : vector<16xi32>
        %parallel_loop3A_278 = tpu.vector_load_idx %arg7[%parallel_loop3A_277] : memref<8200xi32, #tpu.memory_space<vmem>>[vector<16xi32>], vector<16xi32>,
        %parallel_loop3A_279 = arith.constant 4100 : i32
        %parallel_loop3A_280 = vector.broadcast %parallel_loop3A_279 : i32 to vector<16xi32>
        %parallel_loop3A_281 = arith.addi %parallel_loop3A_158, %parallel_loop3A_280 : vector<16xi32>
        %parallel_loop3A_282 = tpu.vector_load_idx %arg8[%parallel_loop3A_281] : memref<8200xi32, #tpu.memory_space<vmem>>[vector<16xi32>], vector<16xi32>,
        %parallel_loop3A_283 = vector.bitcast %parallel_loop3A_278 : vector<16xi32> to vector<32xbf16>
        %parallel_loop3A_284 = vector.bitcast %parallel_loop3A_282 : vector<16xi32> to vector<32xbf16>
        %parallel_loop3A_285 = arith.addf %parallel_loop3A_283, %parallel_loop3A_284 : vector<32xbf16>
        %parallel_loop3A_286 = tpu.unpack_subelements %parallel_loop3A_285, 0 {pack_format = #tpu.pack_format<interleaved>} : vector<32xbf16> -> vector<16xf32>
        %parallel_loop3A_287 = tpu.unpack_subelements %parallel_loop3A_285, 1 {pack_format = #tpu.pack_format<interleaved>} : vector<32xbf16> -> vector<16xf32>
        %parallel_loop3A_288 = arith.constant 16 : i32
        %parallel_loop3A_289 = arith.muli %parallel_loop3A_150, %parallel_loop3A_288 : i32
        %parallel_loop3A_290 = arith.constant 1 : i32
        %parallel_loop3A_291 = arith.constant 8 : i32
        %parallel_loop3A_292 = arith.index_cast %parallel_loop3A_290 : i32 to index
        %parallel_loop3A_293 = arith.index_cast %parallel_loop3A_291 : i32 to index
        %parallel_loop3A_294 = arith.index_cast %parallel_loop3A_289 : i32 to index
        %parallel_loop3A_295 = tpu.vector_load %arg13[%parallel_loop3A_292, %parallel_loop3A_293, %parallel_loop3A_294] {strides = array<i32>} : memref<2x16x2048xf32, #tpu.memory_space<vmem>>, vector<16xf32>,
        tpu.vector_store %arg13[%parallel_loop3A_292, %parallel_loop3A_293, %parallel_loop3A_294], %parallel_loop3A_286 {strides = array<i32>} : memref<2x16x2048xf32, #tpu.memory_space<vmem>>, vector<16xf32>,
        %parallel_loop3A_296 = arith.constant 16 : i32
        %parallel_loop3A_297 = arith.muli %parallel_loop3A_150, %parallel_loop3A_296 : i32
        %parallel_loop3A_298 = arith.constant 1 : i32
        %parallel_loop3A_299 = arith.constant 9 : i32
        %parallel_loop3A_300 = arith.index_cast %parallel_loop3A_298 : i32 to index
        %parallel_loop3A_301 = arith.index_cast %parallel_loop3A_299 : i32 to index
        %parallel_loop3A_302 = arith.index_cast %parallel_loop3A_297 : i32 to index
        %parallel_loop3A_303 = tpu.vector_load %arg13[%parallel_loop3A_300, %parallel_loop3A_301, %parallel_loop3A_302] {strides = array<i32>} : memref<2x16x2048xf32, #tpu.memory_space<vmem>>, vector<16xf32>,
        tpu.vector_store %arg13[%parallel_loop3A_300, %parallel_loop3A_301, %parallel_loop3A_302], %parallel_loop3A_287 {strides = array<i32>} : memref<2x16x2048xf32, #tpu.memory_space<vmem>>, vector<16xf32>,
        %parallel_loop3A_304 = arith.constant 5125 : i32
        %parallel_loop3A_305 = vector.broadcast %parallel_loop3A_304 : i32 to vector<16xi32>
        %parallel_loop3A_306 = arith.addi %parallel_loop3A_154, %parallel_loop3A_305 : vector<16xi32>
        %parallel_loop3A_307 = tpu.vector_load_idx %arg7[%parallel_loop3A_306] : memref<8200xi32, #tpu.memory_space<vmem>>[vector<16xi32>], vector<16xi32>,
        %parallel_loop3A_308 = arith.constant 5125 : i32
        %parallel_loop3A_309 = vector.broadcast %parallel_loop3A_308 : i32 to vector<16xi32>
        %parallel_loop3A_310 = arith.addi %parallel_loop3A_158, %parallel_loop3A_309 : vector<16xi32>
        %parallel_loop3A_311 = tpu.vector_load_idx %arg8[%parallel_loop3A_310] : memref<8200xi32, #tpu.memory_space<vmem>>[vector<16xi32>], vector<16xi32>,
        %parallel_loop3A_312 = vector.bitcast %parallel_loop3A_307 : vector<16xi32> to vector<32xbf16>
        %parallel_loop3A_313 = vector.bitcast %parallel_loop3A_311 : vector<16xi32> to vector<32xbf16>
        %parallel_loop3A_314 = arith.addf %parallel_loop3A_312, %parallel_loop3A_313 : vector<32xbf16>
        %parallel_loop3A_315 = tpu.unpack_subelements %parallel_loop3A_314, 0 {pack_format = #tpu.pack_format<interleaved>} : vector<32xbf16> -> vector<16xf32>
        %parallel_loop3A_316 = tpu.unpack_subelements %parallel_loop3A_314, 1 {pack_format = #tpu.pack_format<interleaved>} : vector<32xbf16> -> vector<16xf32>
        %parallel_loop3A_317 = arith.constant 16 : i32
        %parallel_loop3A_318 = arith.muli %parallel_loop3A_150, %parallel_loop3A_317 : i32
        %parallel_loop3A_319 = arith.constant 1 : i32
        %parallel_loop3A_320 = arith.constant 10 : i32
        %parallel_loop3A_321 = arith.index_cast %parallel_loop3A_319 : i32 to index
        %parallel_loop3A_322 = arith.index_cast %parallel_loop3A_320 : i32 to index
        %parallel_loop3A_323 = arith.index_cast %parallel_loop3A_318 : i32 to index
        %parallel_loop3A_324 = tpu.vector_load %arg13[%parallel_loop3A_321, %parallel_loop3A_322, %parallel_loop3A_323] {strides = array<i32>} : memref<2x16x2048xf32, #tpu.memory_space<vmem>>, vector<16xf32>,
        tpu.vector_store %arg13[%parallel_loop3A_321, %parallel_loop3A_322, %parallel_loop3A_323], %parallel_loop3A_315 {strides = array<i32>} : memref<2x16x2048xf32, #tpu.memory_space<vmem>>, vector<16xf32>,
        %parallel_loop3A_325 = arith.constant 16 : i32
        %parallel_loop3A_326 = arith.muli %parallel_loop3A_150, %parallel_loop3A_325 : i32
        %parallel_loop3A_327 = arith.constant 1 : i32
        %parallel_loop3A_328 = arith.constant 11 : i32
        %parallel_loop3A_329 = arith.index_cast %parallel_loop3A_327 : i32 to index
        %parallel_loop3A_330 = arith.index_cast %parallel_loop3A_328 : i32 to index
        %parallel_loop3A_331 = arith.index_cast %parallel_loop3A_326 : i32 to index
        %parallel_loop3A_332 = tpu.vector_load %arg13[%parallel_loop3A_329, %parallel_loop3A_330, %parallel_loop3A_331] {strides = array<i32>} : memref<2x16x2048xf32, #tpu.memory_space<vmem>>, vector<16xf32>,
        tpu.vector_store %arg13[%parallel_loop3A_329, %parallel_loop3A_330, %parallel_loop3A_331], %parallel_loop3A_316 {strides = array<i32>} : memref<2x16x2048xf32, #tpu.memory_space<vmem>>, vector<16xf32>,
        %parallel_loop3A_333 = arith.constant 6150 : i32
        %parallel_loop3A_334 = vector.broadcast %parallel_loop3A_333 : i32 to vector<16xi32>
        %parallel_loop3A_335 = arith.addi %parallel_loop3A_154, %parallel_loop3A_334 : vector<16xi32>
        %parallel_loop3A_336 = tpu.vector_load_idx %arg7[%parallel_loop3A_335] : memref<8200xi32, #tpu.memory_space<vmem>>[vector<16xi32>], vector<16xi32>,
        %parallel_loop3A_337 = arith.constant 6150 : i32
        %parallel_loop3A_338 = vector.broadcast %parallel_loop3A_337 : i32 to vector<16xi32>
        %parallel_loop3A_339 = arith.addi %parallel_loop3A_158, %parallel_loop3A_338 : vector<16xi32>
        %parallel_loop3A_340 = tpu.vector_load_idx %arg8[%parallel_loop3A_339] : memref<8200xi32, #tpu.memory_space<vmem>>[vector<16xi32>], vector<16xi32>,
        %parallel_loop3A_341 = vector.bitcast %parallel_loop3A_336 : vector<16xi32> to vector<32xbf16>
        %parallel_loop3A_342 = vector.bitcast %parallel_loop3A_340 : vector<16xi32> to vector<32xbf16>
        %parallel_loop3A_343 = arith.addf %parallel_loop3A_341, %parallel_loop3A_342 : vector<32xbf16>
        %parallel_loop3A_344 = tpu.unpack_subelements %parallel_loop3A_343, 0 {pack_format = #tpu.pack_format<interleaved>} : vector<32xbf16> -> vector<16xf32>
        %parallel_loop3A_345 = tpu.unpack_subelements %parallel_loop3A_343, 1 {pack_format = #tpu.pack_format<interleaved>} : vector<32xbf16> -> vector<16xf32>
        %parallel_loop3A_346 = arith.constant 16 : i32
        %parallel_loop3A_347 = arith.muli %parallel_loop3A_150, %parallel_loop3A_346 : i32
        %parallel_loop3A_348 = arith.constant 1 : i32
        %parallel_loop3A_349 = arith.constant 12 : i32
        %parallel_loop3A_350 = arith.index_cast %parallel_loop3A_348 : i32 to index
        %parallel_loop3A_351 = arith.index_cast %parallel_loop3A_349 : i32 to index
        %parallel_loop3A_352 = arith.index_cast %parallel_loop3A_347 : i32 to index
        %parallel_loop3A_353 = tpu.vector_load %arg13[%parallel_loop3A_350, %parallel_loop3A_351, %parallel_loop3A_352] {strides = array<i32>} : memref<2x16x2048xf32, #tpu.memory_space<vmem>>, vector<16xf32>,
        tpu.vector_store %arg13[%parallel_loop3A_350, %parallel_loop3A_351, %parallel_loop3A_352], %parallel_loop3A_344 {strides = array<i32>} : memref<2x16x2048xf32, #tpu.memory_space<vmem>>, vector<16xf32>,
        %parallel_loop3A_354 = arith.constant 16 : i32
        %parallel_loop3A_355 = arith.muli %parallel_loop3A_150, %parallel_loop3A_354 : i32
        %parallel_loop3A_356 = arith.constant 1 : i32
        %parallel_loop3A_357 = arith.constant 13 : i32
        %parallel_loop3A_358 = arith.index_cast %parallel_loop3A_356 : i32 to index
        %parallel_loop3A_359 = arith.index_cast %parallel_loop3A_357 : i32 to index
        %parallel_loop3A_360 = arith.index_cast %parallel_loop3A_355 : i32 to index
        %parallel_loop3A_361 = tpu.vector_load %arg13[%parallel_loop3A_358, %parallel_loop3A_359, %parallel_loop3A_360] {strides = array<i32>} : memref<2x16x2048xf32, #tpu.memory_space<vmem>>, vector<16xf32>,
        tpu.vector_store %arg13[%parallel_loop3A_358, %parallel_loop3A_359, %parallel_loop3A_360], %parallel_loop3A_345 {strides = array<i32>} : memref<2x16x2048xf32, #tpu.memory_space<vmem>>, vector<16xf32>,
        %parallel_loop3A_362 = arith.constant 7175 : i32
        %parallel_loop3A_363 = vector.broadcast %parallel_loop3A_362 : i32 to vector<16xi32>
        %parallel_loop3A_364 = arith.addi %parallel_loop3A_154, %parallel_loop3A_363 : vector<16xi32>
        %parallel_loop3A_365 = tpu.vector_load_idx %arg7[%parallel_loop3A_364] : memref<8200xi32, #tpu.memory_space<vmem>>[vector<16xi32>], vector<16xi32>,
        %parallel_loop3A_366 = arith.constant 7175 : i32
        %parallel_loop3A_367 = vector.broadcast %parallel_loop3A_366 : i32 to vector<16xi32>
        %parallel_loop3A_368 = arith.addi %parallel_loop3A_158, %parallel_loop3A_367 : vector<16xi32>
        %parallel_loop3A_369 = tpu.vector_load_idx %arg8[%parallel_loop3A_368] : memref<8200xi32, #tpu.memory_space<vmem>>[vector<16xi32>], vector<16xi32>,
        %parallel_loop3A_370 = vector.bitcast %parallel_loop3A_365 : vector<16xi32> to vector<32xbf16>
        %parallel_loop3A_371 = vector.bitcast %parallel_loop3A_369 : vector<16xi32> to vector<32xbf16>
        %parallel_loop3A_372 = arith.addf %parallel_loop3A_370, %parallel_loop3A_371 : vector<32xbf16>
        %parallel_loop3A_373 = tpu.unpack_subelements %parallel_loop3A_372, 0 {pack_format = #tpu.pack_format<interleaved>} : vector<32xbf16> -> vector<16xf32>
        %parallel_loop3A_374 = tpu.unpack_subelements %parallel_loop3A_372, 1 {pack_format = #tpu.pack_format<interleaved>} : vector<32xbf16> -> vector<16xf32>
        %parallel_loop3A_375 = arith.constant 16 : i32
        %parallel_loop3A_376 = arith.muli %parallel_loop3A_150, %parallel_loop3A_375 : i32
        %parallel_loop3A_377 = arith.constant 1 : i32
        %parallel_loop3A_378 = arith.constant 14 : i32
        %parallel_loop3A_379 = arith.index_cast %parallel_loop3A_377 : i32 to index
        %parallel_loop3A_380 = arith.index_cast %parallel_loop3A_378 : i32 to index
        %parallel_loop3A_381 = arith.index_cast %parallel_loop3A_376 : i32 to index
        %parallel_loop3A_382 = tpu.vector_load %arg13[%parallel_loop3A_379, %parallel_loop3A_380, %parallel_loop3A_381] {strides = array<i32>} : memref<2x16x2048xf32, #tpu.memory_space<vmem>>, vector<16xf32>,
        tpu.vector_store %arg13[%parallel_loop3A_379, %parallel_loop3A_380, %parallel_loop3A_381], %parallel_loop3A_373 {strides = array<i32>} : memref<2x16x2048xf32, #tpu.memory_space<vmem>>, vector<16xf32>,
        %parallel_loop3A_383 = arith.constant 16 : i32
        %parallel_loop3A_384 = arith.muli %parallel_loop3A_150, %parallel_loop3A_383 : i32
        %parallel_loop3A_385 = arith.constant 1 : i32
        %parallel_loop3A_386 = arith.constant 15 : i32
        %parallel_loop3A_387 = arith.index_cast %parallel_loop3A_385 : i32 to index
        %parallel_loop3A_388 = arith.index_cast %parallel_loop3A_386 : i32 to index
        %parallel_loop3A_389 = arith.index_cast %parallel_loop3A_384 : i32 to index
        %parallel_loop3A_390 = tpu.vector_load %arg13[%parallel_loop3A_387, %parallel_loop3A_388, %parallel_loop3A_389] {strides = array<i32>} : memref<2x16x2048xf32, #tpu.memory_space<vmem>>, vector<16xf32>,
        tpu.vector_store %arg13[%parallel_loop3A_387, %parallel_loop3A_388, %parallel_loop3A_389], %parallel_loop3A_374 {strides = array<i32>} : memref<2x16x2048xf32, #tpu.memory_space<vmem>>, vector<16xf32>,
      } {sc.loop_unroll_factor = 4 : i64, sc.parallel_access}
      %mul3A_123 = arith.constant 64 : i32
      %mul3A_124 = arith.muli %add3A, %mul3A_123 : i32
      %add3A_125 = arith.addi %mul3A_124, %add3A_106 : i32
      %dma_start3A_126 = arith.constant 1 : i32
      %dma_start3A_127 = arith.constant 0 : i32
      %dma_start3A_128 = arith.constant 0 : i32
      %dma_start3A_129 = tpu.memref_slice %arg13[%dma_start3A_126, %dma_start3A_127, %dma_start3A_128] : memref<2x16x2048xf32, #tpu.memory_space<vmem>> -> memref<1x16x2048xf32, #tpu.memory_space<vmem>>
      %dma_start3A_130 = tpu.memref_squeeze %dma_start3A_129 : memref<1x16x2048xf32, #tpu.memory_space<vmem>> -> memref<16x2048xf32, #tpu.memory_space<vmem>>
      %dma_start3A_131 = arith.constant 0 : i32
      %dma_start3A_132 = arith.constant 0 : i32
      %dma_start3A_133 = tpu.memref_slice %arg6[%add3A_125, %dma_start3A_131, %dma_start3A_132] : memref<2048x16x2048xf32, #tpu.memory_space<hbm>> -> memref<1x16x2048xf32, #tpu.memory_space<hbm>>
      %dma_start3A_134 = tpu.memref_squeeze %dma_start3A_133 : memref<1x16x2048xf32, #tpu.memory_space<hbm>> -> memref<16x2048xf32, #tpu.memory_space<hbm>>
      %dma_start3A_135 = arith.constant 0 : i32
      %dma_start3A_136 = arith.constant 0 : i32
      %dma_start3A_137 = tpu.memref_slice %arg6[%add3A_125, %dma_start3A_135, %dma_start3A_136] : memref<2048x16x2048xf32, #tpu.memory_space<hbm>> -> memref<1x16x2048xf32, #tpu.memory_space<hbm>>
      %dma_start3A_138 = tpu.memref_squeeze %dma_start3A_137 : memref<1x16x2048xf32, #tpu.memory_space<hbm>> -> memref<16x2048xf32, #tpu.memory_space<hbm>>
      %dma_start3A_139 = arith.constant 0 : i32
      %dma_start3A_140 = arith.constant 0 : i32
      %dma_start3A_141 = tpu.memref_slice %arg13[%dma_start3A_126, %dma_start3A_139, %dma_start3A_140] : memref<2x16x2048xf32, #tpu.memory_space<vmem>> -> memref<1x16x2048xf32, #tpu.memory_space<vmem>>
      %dma_start3A_142 = tpu.memref_squeeze %dma_start3A_141 : memref<1x16x2048xf32, #tpu.memory_space<vmem>> -> memref<16x2048xf32, #tpu.memory_space<vmem>>
      tpu.enqueue_dma source(%dma_start3A_142 : memref<16x2048xf32, #tpu.memory_space<vmem>>) target(%dma_start3A_138 : memref<16x2048xf32, #tpu.memory_space<hbm>>) target_semaphore(%arg17 : memref<!tpu.dma_semaphore, #tpu.memory_space<semaphore_mem>>)
      %add3A_143 = arith.constant 2 : i32
      %add3A_144 = arith.addi %add3A_106, %add3A_143 : i32
      %lt3A_145 = arith.constant 64 : i32
      %lt3A_146 = arith.cmpi slt, %add3A_144, %lt3A_145 : i32
      %convert_element_type3A_147 = arith.extui %lt3A_146 : i1 to i32
      %cond3A_148 = arith.constant 0 : i32
      %cond3A_149 = arith.cmpi ne, %convert_element_type3A_147, %cond3A_148 : i32
      scf.if %cond3A_149 {
        %add3A_150 = arith.constant 2 : i32
        %add3A_151 = arith.addi %add3A_106, %add3A_150 : i32
        %mul3A_152 = arith.constant 2048 : i32
        %mul3A_153 = arith.muli %add3A_151, %mul3A_152 : i32
        %add3A_154 = arith.addi %mul3A_2, %mul3A_153 : i32
        %multiple_of3A_155 = tpu.assume_multiple %add3A_154, 2048 : i32
        %dma_start3A_156 = tpu.memref_slice %arg4[%multiple_of3A_155] : memref<4194304xi32, #tpu.memory_space<hbm>> -> memref<2048xi32, #tpu.memory_space<hbm>>
        %dma_start3A_157 = tpu.memref_slice %arg4[%multiple_of3A_155] : memref<4194304xi32, #tpu.memory_space<hbm>> -> memref<2048xi32, #tpu.memory_space<hbm>>
        tpu.enqueue_dma source(%dma_start3A_157 : memref<2048xi32, #tpu.memory_space<hbm>>) target(%arg10 : memref<2048xi32, #tpu.memory_space<vmem>>) target_semaphore(%arg15 : memref<!tpu.dma_semaphore, #tpu.memory_space<semaphore_mem>>)
        %dma_start3A_158 = tpu.memref_slice %arg5[%multiple_of3A_155] : memref<4194304xi32, #tpu.memory_space<hbm>> -> memref<2048xi32, #tpu.memory_space<hbm>>
        %dma_start3A_159 = tpu.memref_slice %arg5[%multiple_of3A_155] : memref<4194304xi32, #tpu.memory_space<hbm>> -> memref<2048xi32, #tpu.memory_space<hbm>>
        tpu.enqueue_dma source(%dma_start3A_159 : memref<2048xi32, #tpu.memory_space<hbm>>) target(%arg12 : memref<2048xi32, #tpu.memory_space<vmem>>) target_semaphore(%arg15 : memref<!tpu.dma_semaphore, #tpu.memory_space<semaphore_mem>>)
      } else {
      }
    }
    %scan3A_18 = arith.constant 32 : i32
    %mul3A_19 = arith.constant 64 : i32
    %mul3A_20 = arith.muli %add3A, %mul3A_19 : i32
    %add3A_21 = arith.constant 62 : i32
    %add3A_22 = arith.addi %mul3A_20, %add3A_21 : i32
    %dma_wait3A = arith.constant 0 : i32
    %dma_wait3A_23 = arith.constant 0 : i32
    %dma_wait3A_24 = arith.constant 0 : i32
    %dma_wait3A_25 = tpu.memref_slice %arg13[%dma_wait3A, %dma_wait3A_23, %dma_wait3A_24] : memref<2x16x2048xf32, #tpu.memory_space<vmem>> -> memref<1x16x2048xf32, #tpu.memory_space<vmem>>
    %dma_wait3A_26 = tpu.memref_squeeze %dma_wait3A_25 : memref<1x16x2048xf32, #tpu.memory_space<vmem>> -> memref<16x2048xf32, #tpu.memory_space<vmem>>
    %dma_wait3A_27 = arith.constant 0 : i32
    %dma_wait3A_28 = arith.constant 0 : i32
    %dma_wait3A_29 = tpu.memref_slice %arg6[%add3A_22, %dma_wait3A_27, %dma_wait3A_28] : memref<2048x16x2048xf32, #tpu.memory_space<hbm>> -> memref<1x16x2048xf32, #tpu.memory_space<hbm>>
    %dma_wait3A_30 = tpu.memref_squeeze %dma_wait3A_29 : memref<1x16x2048xf32, #tpu.memory_space<hbm>> -> memref<16x2048xf32, #tpu.memory_space<hbm>>
    %dma_wait3A_31 = arith.constant 0 : i32
    %dma_wait3A_32 = arith.constant 0 : i32
    %dma_wait3A_33 = tpu.memref_slice %arg6[%add3A_22, %dma_wait3A_31, %dma_wait3A_32] : memref<2048x16x2048xf32, #tpu.memory_space<hbm>> -> memref<1x16x2048xf32, #tpu.memory_space<hbm>>
    %dma_wait3A_34 = tpu.memref_squeeze %dma_wait3A_33 : memref<1x16x2048xf32, #tpu.memory_space<hbm>> -> memref<16x2048xf32, #tpu.memory_space<hbm>>
    %dma_wait3A_35 = arith.constant 0 : i32
    %dma_wait3A_36 = arith.constant 0 : i32
    %dma_wait3A_37 = tpu.memref_slice %arg13[%dma_wait3A, %dma_wait3A_35, %dma_wait3A_36] : memref<2x16x2048xf32, #tpu.memory_space<vmem>> -> memref<1x16x2048xf32, #tpu.memory_space<vmem>>
    %dma_wait3A_38 = tpu.memref_squeeze %dma_wait3A_37 : memref<1x16x2048xf32, #tpu.memory_space<vmem>> -> memref<16x2048xf32, #tpu.memory_space<vmem>>
    tpu.wait_dma2 semaphore(%arg16 : memref<!tpu.dma_semaphore, #tpu.memory_space<semaphore_mem>>) src(%dma_wait3A_38 : memref<16x2048xf32, #tpu.memory_space<vmem>>) dst(%dma_wait3A_34 : memref<16x2048xf32, #tpu.memory_space<hbm>>)
    %mul3A_39 = arith.constant 64 : i32
    %mul3A_40 = arith.muli %add3A, %mul3A_39 : i32
    %add3A_41 = arith.constant 63 : i32
    %add3A_42 = arith.addi %mul3A_40, %add3A_41 : i32
    %dma_wait3A_43 = arith.constant 1 : i32
    %dma_wait3A_44 = arith.constant 0 : i32
    %dma_wait3A_45 = arith.constant 0 : i32
    %dma_wait3A_46 = tpu.memref_slice %arg13[%dma_wait3A_43, %dma_wait3A_44, %dma_wait3A_45] : memref<2x16x2048xf32, #tpu.memory_space<vmem>> -> memref<1x16x2048xf32, #tpu.memory_space<vmem>>
    %dma_wait3A_47 = tpu.memref_squeeze %dma_wait3A_46 : memref<1x16x2048xf32, #tpu.memory_space<vmem>> -> memref<16x2048xf32, #tpu.memory_space<vmem>>
    %dma_wait3A_48 = arith.constant 0 : i32
    %dma_wait3A_49 = arith.constant 0 : i32
    %dma_wait3A_50 = tpu.memref_slice %arg6[%add3A_42, %dma_wait3A_48, %dma_wait3A_49] : memref<2048x16x2048xf32, #tpu.memory_space<hbm>> -> memref<1x16x2048xf32, #tpu.memory_space<hbm>>
    %dma_wait3A_51 = tpu.memref_squeeze %dma_wait3A_50 : memref<1x16x2048xf32, #tpu.memory_space<hbm>> -> memref<16x2048xf32, #tpu.memory_space<hbm>>
    %dma_wait3A_52 = arith.constant 0 : i32
    %dma_wait3A_53 = arith.constant 0 : i32
    %dma_wait3A_54 = tpu.memref_slice %arg6[%add3A_42, %dma_wait3A_52, %dma_wait3A_53] : memref<2048x16x2048xf32, #tpu.memory_space<hbm>> -> memref<1x16x2048xf32, #tpu.memory_space<hbm>>
    %dma_wait3A_55 = tpu.memref_squeeze %dma_wait3A_54 : memref<1x16x2048xf32, #tpu.memory_space<hbm>> -> memref<16x2048xf32, #tpu.memory_space<hbm>>
    %dma_wait3A_56 = arith.constant 0 : i32
    %dma_wait3A_57 = arith.constant 0 : i32
    %dma_wait3A_58 = tpu.memref_slice %arg13[%dma_wait3A_43, %dma_wait3A_56, %dma_wait3A_57] : memref<2x16x2048xf32, #tpu.memory_space<vmem>> -> memref<1x16x2048xf32, #tpu.memory_space<vmem>>
    %dma_wait3A_59 = tpu.memref_squeeze %dma_wait3A_58 : memref<1x16x2048xf32, #tpu.memory_space<vmem>> -> memref<16x2048xf32, #tpu.memory_space<vmem>>
    tpu.wait_dma2 semaphore(%arg17 : memref<!tpu.dma_semaphore, #tpu.memory_space<semaphore_mem>>) src(%dma_wait3A_59 : memref<16x2048xf32, #tpu.memory_space<vmem>>) dst(%dma_wait3A_55 : memref<16x2048xf32, #tpu.memory_space<hbm>>)
    return
  }
}

module attributes {stable_mosaic.version = 14 : i64} {
  func.func @_idx_body(%arg0: i32, %arg1: memref<128x2048xf32, #tpu.memory_space<vmem>>, %arg2: memref<128x2048xf32, #tpu.memory_space<vmem>>, %arg3: memref<262144xi32, #tpu.memory_space<vmem>>, %arg4: memref<262144xi32, #tpu.memory_space<vmem>>) attributes {dimension_semantics = [#tpu.dimension_semantics<arbitrary>], iteration_bounds = array<i64: 16>, scalar_prefetch = 0 : i64, scratch_operands = 0 : i64, tpu.core_type = #tpu.core_type<tc>, window_params = [{transform_indices = @transform_0, window_bounds = array<i64: 128, 2048>}, {transform_indices = @transform_1, window_bounds = array<i64: 128, 2048>}, {transform_indices = @transform_2, window_bounds = array<i64: 262144>}, {transform_indices = @transform_3, window_bounds = array<i64: 262144>}]} {
    %get3A = arith.constant 0 : index
    %get3A_0 = arith.constant 0 : index
    %get3A_1 = vector.load %arg1[%get3A, %get3A_0] : memref<128x2048xf32, #tpu.memory_space<vmem>>, vector<128x2048xf32>
    %sign3A = tpu.bitcast %get3A_1 : vector<128x2048xf32> -> vector<128x2048xi32>
    %sign3A_2 = arith.constant -2147483648 : i32
    %sign3A_3 = vector.broadcast %sign3A_2 : i32 to vector<128x2048xi32>
    %sign3A_4 = arith.andi %sign3A, %sign3A_3 : vector<128x2048xi32>
    %sign3A_5 = arith.constant 1065353216 : i32
    %sign3A_6 = vector.broadcast %sign3A_5 : i32 to vector<128x2048xi32>
    %sign3A_7 = arith.ori %sign3A_6, %sign3A_4 : vector<128x2048xi32>
    %sign3A_8 = tpu.bitcast %sign3A_7 : vector<128x2048xi32> -> vector<128x2048xf32>
    %sign3A_9 = math.absf %get3A_1 : vector<128x2048xf32>
    %sign3A_10 = arith.constant 0.000000e+00 : f32
    %sign3A_11 = vector.broadcast %sign3A_10 : f32 to vector<128x2048xf32>
    %sign3A_12 = arith.cmpf ogt, %sign3A_9, %sign3A_11 : vector<128x2048xf32>
    %sign3A_13 = arith.select %sign3A_12, %sign3A_8, %get3A_1 : vector<128x2048xi1>, vector<128x2048xf32>
    %abs3A = math.absf %get3A_1 : vector<128x2048xf32>
    %log3A = math.log %abs3A : vector<128x2048xf32>
    %jit3A = arith.constant -8.75951194 : f32
    %jit3A_14 = arith.constant -1.85175645 : f32
    %max3A = vector.broadcast %jit3A : f32 to vector<128x2048xf32>
    %max3A_15 = arith.maximumf %max3A, %log3A : vector<128x2048xf32>
    %min3A = vector.broadcast %jit3A_14 : f32 to vector<128x2048xf32>
    %min3A_16 = arith.minimumf %min3A, %max3A_15 : vector<128x2048xf32>
    %sub3A = arith.constant -8.75951194 : f32
    %sub3A_17 = vector.broadcast %sub3A : f32 to vector<128x2048xf32>
    %sub3A_18 = arith.subf %min3A_16, %sub3A_17 : vector<128x2048xf32>
    %div3A = arith.constant 6.90775537 : f32
    %div3A_19 = vector.broadcast %div3A : f32 to vector<128x2048xf32>
    %div3A_20 = arith.divf %sub3A_18, %div3A_19 : vector<128x2048xf32>
    %mul3A = arith.constant 5.120000e+02 : f32
    %mul3A_21 = vector.broadcast %mul3A : f32 to vector<128x2048xf32>
    %mul3A_22 = arith.mulf %div3A_20, %mul3A_21 : vector<128x2048xf32>
    %lt3A = arith.constant 0.000000e+00 : f32
    %lt3A_23 = vector.broadcast %lt3A : f32 to vector<128x2048xf32>
    %lt3A_24 = arith.cmpf olt, %sign3A_13, %lt3A_23 : vector<128x2048xf32>
    %add3A = arith.constant 5.110000e+02 : f32
    %add3A_25 = vector.broadcast %add3A : f32 to vector<128x2048xf32>
    %add3A_26 = arith.addf %mul3A_22, %add3A_25 : vector<128x2048xf32>
    %sub3A_27 = arith.constant 5.110000e+02 : f32
    %sub3A_28 = vector.broadcast %sub3A_27 : f32 to vector<128x2048xf32>
    %sub3A_29 = arith.subf %sub3A_28, %mul3A_22 : vector<128x2048xf32>
    %select_n3A = arith.select %lt3A_24, %add3A_26, %sub3A_29 : vector<128x2048xi1>, vector<128x2048xf32>
    %convert_element_type3A = arith.fptosi %select_n3A : vector<128x2048xf32> to vector<128x2048xi32>
    %lt3A_30 = arith.constant 0 : i32
    %lt3A_31 = vector.broadcast %lt3A_30 : i32 to vector<128x2048xi32>
    %lt3A_32 = arith.cmpi slt, %convert_element_type3A, %lt3A_31 : vector<128x2048xi32>
    %add3A_33 = arith.constant 1025 : i32
    %add3A_34 = vector.broadcast %add3A_33 : i32 to vector<128x2048xi32>
    %add3A_35 = arith.addi %convert_element_type3A, %add3A_34 : vector<128x2048xi32>
    %select_n3A_36 = arith.select %lt3A_32, %add3A_35, %convert_element_type3A : vector<128x2048xi1>, vector<128x2048xi32>
    %reshape3A = vector.shape_cast %select_n3A_36 : vector<128x2048xi32> to vector<262144xi32>
    %swap3A = arith.constant 0 : index
    %swap3A_37 = vector.load %arg3[%swap3A] : memref<262144xi32, #tpu.memory_space<vmem>>, vector<262144xi32>
    tpu.vector_store %arg3[%swap3A], %reshape3A {strides = array<i32>} : memref<262144xi32, #tpu.memory_space<vmem>>, vector<262144xi32>,
    %get3A_38 = arith.constant 0 : index
    %get3A_39 = arith.constant 0 : index
    %get3A_40 = vector.load %arg2[%get3A_38, %get3A_39] : memref<128x2048xf32, #tpu.memory_space<vmem>>, vector<128x2048xf32>
    %sign3A_41 = tpu.bitcast %get3A_40 : vector<128x2048xf32> -> vector<128x2048xi32>
    %sign3A_42 = arith.constant -2147483648 : i32
    %sign3A_43 = vector.broadcast %sign3A_42 : i32 to vector<128x2048xi32>
    %sign3A_44 = arith.andi %sign3A_41, %sign3A_43 : vector<128x2048xi32>
    %sign3A_45 = arith.constant 1065353216 : i32
    %sign3A_46 = vector.broadcast %sign3A_45 : i32 to vector<128x2048xi32>
    %sign3A_47 = arith.ori %sign3A_46, %sign3A_44 : vector<128x2048xi32>
    %sign3A_48 = tpu.bitcast %sign3A_47 : vector<128x2048xi32> -> vector<128x2048xf32>
    %sign3A_49 = math.absf %get3A_40 : vector<128x2048xf32>
    %sign3A_50 = arith.constant 0.000000e+00 : f32
    %sign3A_51 = vector.broadcast %sign3A_50 : f32 to vector<128x2048xf32>
    %sign3A_52 = arith.cmpf ogt, %sign3A_49, %sign3A_51 : vector<128x2048xf32>
    %sign3A_53 = arith.select %sign3A_52, %sign3A_48, %get3A_40 : vector<128x2048xi1>, vector<128x2048xf32>
    %abs3A_54 = math.absf %get3A_40 : vector<128x2048xf32>
    %log3A_55 = math.log %abs3A_54 : vector<128x2048xf32>
    %jit3A_56 = arith.constant -8.75951194 : f32
    %jit3A_57 = arith.constant -1.85175645 : f32
    %max3A_58 = vector.broadcast %jit3A_56 : f32 to vector<128x2048xf32>
    %max3A_59 = arith.maximumf %max3A_58, %log3A_55 : vector<128x2048xf32>
    %min3A_60 = vector.broadcast %jit3A_57 : f32 to vector<128x2048xf32>
    %min3A_61 = arith.minimumf %min3A_60, %max3A_59 : vector<128x2048xf32>
    %sub3A_62 = arith.constant -8.75951194 : f32
    %sub3A_63 = vector.broadcast %sub3A_62 : f32 to vector<128x2048xf32>
    %sub3A_64 = arith.subf %min3A_61, %sub3A_63 : vector<128x2048xf32>
    %div3A_65 = arith.constant 6.90775537 : f32
    %div3A_66 = vector.broadcast %div3A_65 : f32 to vector<128x2048xf32>
    %div3A_67 = arith.divf %sub3A_64, %div3A_66 : vector<128x2048xf32>
    %mul3A_68 = arith.constant 5.120000e+02 : f32
    %mul3A_69 = vector.broadcast %mul3A_68 : f32 to vector<128x2048xf32>
    %mul3A_70 = arith.mulf %div3A_67, %mul3A_69 : vector<128x2048xf32>
    %lt3A_71 = arith.constant 0.000000e+00 : f32
    %lt3A_72 = vector.broadcast %lt3A_71 : f32 to vector<128x2048xf32>
    %lt3A_73 = arith.cmpf olt, %sign3A_53, %lt3A_72 : vector<128x2048xf32>
    %add3A_74 = arith.constant 5.110000e+02 : f32
    %add3A_75 = vector.broadcast %add3A_74 : f32 to vector<128x2048xf32>
    %add3A_76 = arith.addf %mul3A_70, %add3A_75 : vector<128x2048xf32>
    %sub3A_77 = arith.constant 5.110000e+02 : f32
    %sub3A_78 = vector.broadcast %sub3A_77 : f32 to vector<128x2048xf32>
    %sub3A_79 = arith.subf %sub3A_78, %mul3A_70 : vector<128x2048xf32>
    %select_n3A_80 = arith.select %lt3A_73, %add3A_76, %sub3A_79 : vector<128x2048xi1>, vector<128x2048xf32>
    %convert_element_type3A_81 = arith.fptosi %select_n3A_80 : vector<128x2048xf32> to vector<128x2048xi32>
    %lt3A_82 = arith.constant 0 : i32
    %lt3A_83 = vector.broadcast %lt3A_82 : i32 to vector<128x2048xi32>
    %lt3A_84 = arith.cmpi slt, %convert_element_type3A_81, %lt3A_83 : vector<128x2048xi32>
    %add3A_85 = arith.constant 1025 : i32
    %add3A_86 = vector.broadcast %add3A_85 : i32 to vector<128x2048xi32>
    %add3A_87 = arith.addi %convert_element_type3A_81, %add3A_86 : vector<128x2048xi32>
    %select_n3A_88 = arith.select %lt3A_84, %add3A_87, %convert_element_type3A_81 : vector<128x2048xi1>, vector<128x2048xi32>
    %reshape3A_89 = vector.shape_cast %select_n3A_88 : vector<128x2048xi32> to vector<262144xi32>
    %swap3A_90 = arith.constant 0 : index
    %swap3A_91 = vector.load %arg4[%swap3A_90] : memref<262144xi32, #tpu.memory_space<vmem>>, vector<262144xi32>
    tpu.vector_store %arg4[%swap3A_90], %reshape3A_89 {strides = array<i32>} : memref<262144xi32, #tpu.memory_space<vmem>>, vector<262144xi32>,
    return
  }
  func.func @transform_0(%arg0: i32) -> (i32, i32) {
    %c0_i32 = arith.constant 0 : i32
    %c0_i32_0 = arith.constant 0 : i32
    return %arg0, %c0_i32 : i32, i32
  }
  func.func @transform_1(%arg0: i32) -> (i32, i32) {
    %c0_i32 = arith.constant 0 : i32
    %c0_i32_0 = arith.constant 0 : i32
    return %arg0, %c0_i32 : i32, i32
  }
  func.func @transform_2(%arg0: i32) -> i32 {
    %c0_i32 = arith.constant 0 : i32
    return %arg0 : i32
  }
  func.func @transform_3(%arg0: i32) -> i32 {
    %c0_i32 = arith.constant 0 : i32
    return %arg0 : i32
  }
}

</mosaic_0001>

<sc_bundles>
// kernel: kernel.4.cloned.1.call-start
scs
__scs_entry_jumppad:
0x0: {  	(pc) =	sbr.rel $0x88, $3  }
0x1: {  	(tag) =	ssettag $0x0;
	lr =	simm.s32 $0x1  }
0x2: {  	[smem:$0x3F9D] =	sst lr;
	_ =	strace $0xD0000000  }
0x3: {  	_ = 	snop  }
0x4: {  	_ = 	snop  }
0x5: {  	_ = 	snop  }
0x6: {  	_ = 	snop  }
0x7: {  	_ = 	snop  }
__scs_overlays_trampoline_lowered:
0x8: {  	[smem:$0x3FAC] =	sst s0  }
0x9: {  	[smem:$0x3FAD] =	sst s1  }
0xa: {  	[smem:$0x3FAE] =	sst s2  }
0xb: {  	[smem:$0x3FAF] =	sst s3  }
0xc: {  	[smem:$0x3FB0] =	sst s4  }
0xd: {  	[smem:$0x3FB1] =	sst s5  }
0xe: {  	[smem:$0x3FB2] =	sst s6  }
0xf: {  	[smem:$0x3FB3] =	sst s7  }
0x10: {  	[smem:$0x3FB4] =	sst s8  }
0x11: {  	[smem:$0x3FB5] =	sst s9;
	s0 =	simm.s32 @!p0 $0x0  }
0x12: {  	s1 =	sld [smem:$0x3F9B];
	s0 =	simm.s32 @p0 $0x1  }
0x13: {  	[smem:$0x3FB6] =	sst s0;
	s0 =	simm.s32 @!p1 $0x0  }
0x14: {  	s2 =	sld [smem:$0x3F9A];
	s0 =	simm.s32 @p1 $0x1  }
0x15: {  	[smem:$0x3FB7] =	sst s0;
	s0 =	simm.s32 @!p2 $0x0  }
0x16: {  	s3 =	sld [smem:$0x3FDB];
	s0 =	simm.s32 @p2 $0x1  }
0x17: {  	s4 =	simm.s32 $0x1BF5;
	[smem:$0x3FB9] =	sst s0  }
0x18: {  	s0 =	sld [smem:$0x3F9C];
	_ =	swait.ge [sflag:s4], $0x0  }
0x19: {  	s7 =	sld [smem:$0x3F9D]  }
0x1a: {  	s8 =	sadd.s32 $0xFFFFE003, lr  }
0x1b: {  	s9 =	sadd.s32 $0xFFFFFEF7, lr;
	s5 =	simm.s32 $0xFFFFFFFF;
	p2 =	slt.u32 s8, $0xFFFFF086  }
0x1c: {  	p1 =	slt.u32 s9, $0xF7A;
	s5 =	simm.s32 @!p2 $0x0  }
0x1d: {  	s5 =	simm.s32 @p1 $0x1;
	p0 =	seq.s32 s7, s2  }
0x1e: {  	s7 =	smul.u32 @!p0 $0xF7A, s2;
	p2 =	seq.s32 @!p0 s5, $0x0  }
0x1f: {  	s9 =	smul.u32 $0xF7A, s1;
	s8 =	simm.s32 @!p0 $0x1BF5;
	p2 =	por !p2, p0  }
0x20: {  	[sflag:s8] =	ssyncset.s32 @!p0 $0xFFFFF086;
	s6 =	sadd.s32 @!p0 s3, s7;
	s7 =	simm.s32 @!p0 $0x108  }
0x21: {  	s3 =	sadd.s32 s3, s9;
	s6 =	sadd.s32 @!p0 $0x88, s6;
	s7 =	simm.s32 @p2 $0x1082  }
0x22: {  	[simem:s7], [sflag:s8] =	dma.local @!p0 [hbm:s6], $0xF7A  }
0x23: {  	s9 =	sor.u32 $0xD0000000, s2;
	s6 =	simm.s32 $0x108;
	_ =	swait.ge @!p0 [sflag:s8], $0x0  }
0x24: {  	s3 =	sadd.s32 $0x88, s3;
	s6 =	simm.s32 @!p1 $0x1082;
	[sflag:s4] =	ssyncset.s32 $0xFFFFF086  }
0x25: {  	[simem:s6], [sflag:s4] =	dma.local [hbm:s3], $0xF7A  }
0x26: {  	[smem:$0x3F9D] =	sst s1;
	(tag) =	ssettag s2;
	_ =	strace s9  }
0x27: {  	s1 =	sld [smem:$0x3FAD]  }
0x28: {  	s2 =	sld [smem:$0x3FAE]  }
0x29: {  	s4 =	sld [smem:$0x3FB0]  }
0x2a: {  	p0 =	seq.s32 s5, $0x0;
	s5 =	sld [smem:$0x3FB1]  }
0x2b: {  	s6 =	sld [smem:$0x3FB2]  }
0x2c: {  	s7 =	sld [smem:$0x3FB3]  }
0x2d: {  	s3 =	simm.s32 $0x108;
	s8 =	sld [smem:$0x3FB4]  }
0x2e: {  	s3 =	simm.s32 @!p0 $0x1082;
	s9 =	sld [smem:$0x3FB5]  }
0x2f: {  	lr =	sadd.s32 s0, s3;
	s0 =	sld [smem:$0x3FAC]  }
0x30: {  	s3 =	sld [smem:$0x3FAF]  }
0x31: {  	[smem:$0x3FB8] =	sst s10  }
0x32: {  	s10 =	sld [smem:$0x3FB6];
	_ =	sdelay $0x3  }
0x33: {  	p0 =	seq.s32 s10, $0x1;
	s10 =	sld [smem:$0x3FB8];
	_ =	sdelay $0x3  }
0x34: {  	[smem:$0x3FB8] =	sst s10  }
0x35: {  	s10 =	sld [smem:$0x3FB7];
	_ =	sdelay $0x3  }
0x36: {  	p1 =	seq.s32 s10, $0x1;
	s10 =	sld [smem:$0x3FB8];
	_ =	sdelay $0x3  }
0x37: {  	[smem:$0x3FB8] =	sst s10  }
0x38: {  	s10 =	sld [smem:$0x3FB9]  }
0x39: {  	_ = 	snop;
	(pc) =	sbr.ind lr, $3  }
0x3a: {  	_ = 	snop  }
0x3b: {  	_ = 	snop  }
0x3c: {  	p2 =	seq.s32 s10, $0x1;
	s10 =	sld [smem:$0x3FB8]  }
0x3d: {  	_ =	shalt  }
0x3e: {  	_ =	shalt  }
0x3f: {  	_ =	shalt  }
0x40: {  	_ =	shalt  }
0x41: {  	_ =	shalt  }
0x42: {  	_ =	shalt  }
0x43: {  	_ =	shalt  }
0x44: {  	_ =	shalt  }
0x45: {  	_ =	shalt  }
0x46: {  	_ =	shalt  }
0x47: {  	_ =	shalt  }
0x48: {  	_ =	shalt  }
0x49: {  	_ =	shalt  }
0x4a: {  	_ =	shalt  }
0x4b: {  	_ =	shalt  }
0x4c: {  	_ =	shalt  }
0x4d: {  	_ =	shalt  }
0x4e: {  	_ =	shalt  }
0x4f: {  	_ =	shalt  }
0x50: {  	_ =	shalt  }
0x51: {  	_ =	shalt  }
0x52: {  	_ =	shalt  }
0x53: {  	_ =	shalt  }
0x54: {  	_ =	shalt  }
0x55: {  	_ =	shalt  }
0x56: {  	_ =	shalt  }
0x57: {  	_ =	shalt  }
0x58: {  	_ =	shalt  }
0x59: {  	_ =	shalt  }
0x5a: {  	_ =	shalt  }
0x5b: {  	_ =	shalt  }
0x5c: {  	_ =	shalt  }
0x5d: {  	_ =	shalt  }
0x5e: {  	_ =	shalt  }
0x5f: {  	_ =	shalt  }
0x60: {  	_ =	shalt  }
0x61: {  	_ =	shalt  }
0x62: {  	_ =	shalt  }
0x63: {  	_ =	shalt  }
0x64: {  	_ =	shalt  }
0x65: {  	_ =	shalt  }
0x66: {  	_ =	shalt  }
0x67: {  	_ =	shalt  }
0x68: {  	_ =	shalt  }
0x69: {  	_ =	shalt  }
0x6a: {  	_ =	shalt  }
0x6b: {  	_ =	shalt  }
0x6c: {  	_ =	shalt  }
0x6d: {  	_ =	shalt  }
0x6e: {  	_ =	shalt  }
0x6f: {  	_ =	shalt  }
0x70: {  	_ =	shalt  }
0x71: {  	_ =	shalt  }
0x72: {  	_ =	shalt  }
0x73: {  	_ =	shalt  }
0x74: {  	_ =	shalt  }
0x75: {  	_ =	shalt  }
0x76: {  	_ =	shalt  }
0x77: {  	_ =	shalt  }
0x78: {  	_ =	shalt  }
0x79: {  	_ =	shalt  }
0x7a: {  	_ =	shalt  }
0x7b: {  	_ =	shalt  }
0x7c: {  	_ =	shalt  }
0x7d: {  	_ =	shalt  }
0x7e: {  	_ =	shalt  }
0x7f: {  	_ =	shalt  }
0x80: {  	_ =	shalt  }
0x81: {  	_ =	shalt  }
0x82: {  	_ =	shalt  }
0x83: {  	_ =	shalt  }
0x84: {  	_ =	shalt  }
0x85: {  	_ =	shalt  }
0x86: {  	_ =	shalt  }
0x87: {  	_ =	shalt  }
.Lfunc_end0:
.L_simem_size_0:
called_computation_lowered:
.L_overlay_start_0:
0x88: {  	s2 =	sld [smem:$0x3FD9]  }
0x89: {  	s3 =	sld [smem:$0x3FFE];
	_ =	sdelay $0x1  }
0x8a: {  	s1 =	srdreg.scid  }
0x8b: {  	s0 =	sand.u32 $0x1, s1  }
0x8c: {  	s17 =	sshll.u32 s0, $0xA;
	s2 =	sadd.s32 s3, s2  }
0x8d: {  	s2 =	sadd.s32 s2, s17  }
0x8e: {  	[smem:$0x3FC4] =	sst s2  }
0x8f: {  	_ = 	snop  }
0x90: {  	s2 =	sld [smem:$0x3FD0];
	(tm) =	ssettm $0x1  }
0x91: {  	s18 =	sld [smem:$0x3FFB];
	_ =	sdelay $0x3  }
0x92: {  	_ =	strace s18  }
0x93: {  	s3 =	sld [smem:$0x3FFC];
	_ =	sdelay $0x3  }
0x94: {  	_ =	strace s3  }
0x95: {  	s3 =	sld [smem:$0x3FFD];
	_ =	sdelay $0x3  }
0x96: {  	_ =	strace s3  }
0x97: {  	_ =	strace $0x8FFFFFFF  }
0x98: {  	s19 =	sld [smem:$0x3FDB];
	_ =	sdelay $0x1  }
0x99: {  	s4 =	simm.s32 $_scs_section_size  }
0x9a: {  	s5 =	simm.s32 $_size__tile_overlayer_lowered;
	s6 =	simm.s32 $_tile_overlayer_lowered  }
0x9b: {  	s22 =	simm.s32 $0x1BFF;
	s21 =	sshll.u32 s6, $0x1;
	s3 =	sadd.s32 s4, s19  }
0x9c: {  	s7 =	simm.s32 $0x0;
	s20 =	sshll.u32 s5, $0x1;
	s5 =	sadd.s32 s21, s3  }
0x9d: {  	[timem:s7], [sflag:s22] =	dma.local [hbm:s5], s20  }
0x9e: {  	_ =	swait.ge [sflag:s22], s20  }
0x9f: {  	s4 =	ssub.s32 $0x0, s20;
	[sflag:s22] =	ssyncset.done $0x0  }
0xa0: {  	[sflag:s22] =	ssyncadd.s32 s4;
	_ =	sdelay $0x1  }
0xa1: {  	s23 =	simm.s32 $0x1B8B  }
0xa2: {  	_ =	swait.ge [sflag:s23], $0x1  }
0xa3: {  	[sflag:s23] =	ssyncset.done $0x0  }
0xa4: {  	s25 =	simm.s32 $0x1B8E;
	s24 =	sld [smem:$0x3FFE];
	[sflag:s23] =	ssyncadd.s32 $0xFFFFFFFF  }
0xa5: {  	s26 =	simm.s32 $execute0_lowered;
	[smem:$0x3FD2] =	sst s25  }
0xa6: {  	s5 =	sshll.u32 s26, $0x1;
	_ =	strace $0x80000046;
	[dreg:$0x1] =	wrdreg $0xFFFFFFFF  }
0xa7: {  	s28 =	simm.s32 $_size_execute0_lowered;
	s3 =	sadd.s32 s3, s5;
	[dreg:$0x0] =	wrdreg $0x0  }
0xa8: {  	s5 =	sshll.u32 s28, $0x1;
	[dreg:$0x2] =	wrdreg s3  }
0xa9: {  	[dreg:$0x3] =	wrdreg s5  }
0xaa: {  	[dreg:$0x4] =	wrdreg $0xC0  }
0xab: {  	_ =	task [dreg:s7], $0x5FFFF  }
0xac: {  	[dreg:$0x1] =	wrdreg $0xFFFFFFFF  }
0xad: {  	[dreg:$0x0] =	wrdreg $0x60  }
0xae: {  	[dreg:$0x2] =	wrdreg s24  }
0xaf: {  	[dreg:$0x3] =	wrdreg s2  }
0xb0: {  	[dreg:$0x4] =	wrdreg $0x9  }
0xb1: {  	_ =	task.clear_ibuf [dreg:s7], $0x5FFFF;
	_ =	strace $0x90000046  }
0xb2: {  	s29 =	simm.s32 $0x9;
	_ =	strace $0x80000048  }
0xb3: {  	_ =	swait.ge [sflag:s29], $0x1  }
0xb4: {  	[sflag:s29] =	ssyncadd.s32 $0xFFFFFFFF  }
0xb5: {  	_ =	strace $0x90000048  }
0xb6: {  	_ =	sfence  }
0xb7: {  	s30 =	sld [smem:$0x0];
	_ =	sdelay $0x2  }
0xb8: {  	s31 =	sshll.u32 s1, $0xD;
	s1 =	sshrl.u32 s1, $0x2  }
0xb9: {  	s3 =	sand.u32 $0x4000, s31;
	s1 =	sadd.s32 s1, s30  }
0xba: {  	s0 =	sor.u32 s3, s0;
	s1 =	sshll.u32 s1, $0x11  }
0xbb: {  	s0 =	sor.u32 s1, s0  }
0xbc: {  	s0 =	sadd.s32 $0x8F2B, s0  }
0xbd: {  	[sflag:s0] =	ssyncadd.remote.s32 $0x1  }
0xbe: {  	_ =	sfence.sel $0xFFFF  }
0xbf: {  	[dreg:$0x0] =	wrdreg $0xFFFFFFFF;
	(pc) =	sbr.abs _section_cstart, $3  }
0xc0: {  	[dreg:$0x1] =	wrdreg $0xFFFFFFFF  }
0xc1: {  	_ =	task.clear_ibuf [dreg:s7], $0x2FFFF;
	_ =	strace $0x9FFFFFFF  }
0xc2: {  	(tm) =	ssettm $0x7FFFFFFF  }
0xc3: {  	_ =	shalt  }
tec
execute0_lowered:
.L_overlay_start_1:
0x0: {  	(tag) =	ssettag $0x1  }
0x1: {  	s0 =	rddreg [dreg:$0x0];
	s2 =	simm.s32 $0x0;
	s23 =	srdreg.scid  }
0x2: {  	s3 =	stileid.u32;
	[smem:$0x7FF] =	sst s2;
	s1 =	sadd.s32 $0x800, s0  }
0x3: {  	s4 =	sadd.s32 $0xE00, s0;
	_ =	strace $0x80000047;
	[dreg:$0xe] =	wrdreg s1  }
0x4: {  	s3 =	sshll.u32 s3, $0x1;
	s6 =	sadd.s32 $0x81400, s0;
	[dreg:$0xf] =	wrdreg s4  }
0x5: {  	s7 =	sadd.s32 $0x1400, s0;
	s1 =	sand.u32 $0x1, s23;
	[dreg:$0x10] =	wrdreg s6  }
0x6: {  	[dreg:$0x11] =	wrdreg s7;
	s24 =	ssub.s32 $0x2, s1;
	s1 =	sor.u32 s1, s3  }
0x7: {  	s3 =	sshll.u32 s1, $0xE;
	s26 =	sshll.u32 s1, $0x11;
	s1 =	sshll.u32 s1, $0x6  }
0x8: {  	s8 =	sadd.s32 s6, s3;
	[dreg:$0x16] =	wrdreg s1  }
0x9: {  	s5 =	sor.u32 $0x100, s3;
	s3 =	sadd.s32 s7, s3;
	[dreg:$0x12] =	wrdreg s8  }
0xa: {  	s30 =	sor.u32 $0x1000, s26;
	[dreg:$0x13] =	wrdreg s3  }
.Ltmp0:
0xb: {  	s31 =	sor.u32 $0x1800, s26;
	[dreg:$0x17] =	wrdreg s30;
	(pc) =	sbr.rel .LBB2_1-.Ltmp0, $4  }
0xc: {  	s25 =	sshrl.u32 s24, $0x1;
	s28 =	sadd.s32 s6, s5;
	[dreg:$0x18] =	wrdreg s31  }
0xd: {  	s0 =	ssub.s32 s24, s25;
	s29 =	sadd.s32 s7, s5;
	[dreg:$0x14] =	wrdreg s28  }
0xe: {  	s0 =	smax.u32 s0, $0x1;
	[dreg:$0x15] =	wrdreg s29  }
0xf: {  	s17 =	simm.s32 $0x2080;
	s3 =	simm.s32 $0x0;
	[dreg:$0x19] =	wrdreg s0  }
.LBB2_8:
0x10: {  	s0 =	simm.s32 $0x3  }
0x11: {  	_ =	swait.ge [sflag:s0], $0x8000  }
0x12: {  	[sflag:s0] =	ssyncset.done $0x0  }
0x13: {  	s1 =	simm.s32 $0x4;
	[sflag:s0] =	ssyncadd.s32 $0xFFFF8000  }
0x14: {  	_ =	swait.ge [sflag:s1], $0x8000  }
0x15: {  	s3 =	rddreg [dreg:$0x1a]  }
0x16: {  	s31 =	rddreg [dreg:$0x19];
	s3 =	sadd.s32 $0x1, s3  }
0x17: {  	p0 =	sne.s32 s3, s31  }
.Ltmp1:
0x18: {  	_ = 	snop;
	(pc) =	sbr.rel @!p0 .LBB2_9-.Ltmp1, $3  }
0x19: {  	_ =	sdelay $0x1  }
0x1a: {  	[sflag:s1] =	ssyncset.done $0x0  }
0x1b: {  	[sflag:s1] =	ssyncadd.s32 $0xFFFF8000  }
.LBB2_1:
0x1c: {  	[dreg:$0x1a] =	wrdreg s3  }
0x1d: {  	s0 =	rddreg [dreg:$0xe];
	s1 =	simm.s32 $0x5  }
0x1e: {  	[tilespmem:s2], [sflag:$0x5] =	stream.linear.gather [hbm4b:s0+s2], $0x2080, $0x38;
	[tilespmem:$0x16100] =	vst v63  }
0x1f: {  	_ =	swait.ge [sflag:s1], $0x2080  }
0x20: {  	[sflag:s1] =	ssyncset.done $0x0  }
0x21: {  	s22 =	rddreg [dreg:$0xf];
	[sflag:s1] =	ssyncadd.s32 $0xFFFFDF80  }
0x22: {  	[tilespmem:s17], [sflag:$0x5] =	stream.linear.gather [hbm4b:s22+s2], $0x2080, $0x38;
	[tilespmem:$0x16100] =	vst v63  }
0x23: {  	_ =	swait.ge [sflag:s1], $0x2080  }
0x24: {  	[sflag:s1] =	ssyncset.done $0x0  }
0x25: {  	s24 =	simm.s32 $0x4100;
	s23 =	rddreg [dreg:$0x12];
	[sflag:s1] =	ssyncadd.s32 $0xFFFFDF80  }
0x26: {  	[tilespmem:s24], [sflag:$0x1] =	stream.linear.gather [hbm4b:s23+s2], $0x800, $0x38;
	[tilespmem:$0x16100] =	vst v63  }
0x27: {  	s26 =	simm.s32 $0x5100;
	s25 =	rddreg [dreg:$0x13]  }
0x28: {  	[tilespmem:s26], [sflag:$0x1] =	stream.linear.gather [hbm4b:s25+s2], $0x800, $0x38;
	[tilespmem:$0x16100] =	vst v63  }
0x29: {  	s29 =	simm.s32 $0x4900;
	s28 =	rddreg [dreg:$0x14]  }
0x2a: {  	[tilespmem:s29], [sflag:$0x2] =	stream.linear.gather [hbm4b:s28+s2], $0x800, $0x38;
	[tilespmem:$0x16100] =	vst v63  }
0x2b: {  	s31 =	simm.s32 $0x5900;
	s21 =	simm.s32 $0x0;
	s30 =	rddreg [dreg:$0x15]  }
0x2c: {  	[tilespmem:s31], [sflag:$0x2] =	stream.linear.gather [hbm4b:s30+s2], $0x800, $0x38;
	[tilespmem:$0x16100] =	vst v63  }
.LBB2_2:
0x2d: {  	s0 =	simm.s32 $0x1  }
0x2e: {  	_ =	swait.ge [sflag:s0], $0x800  }
0x2f: {  	[sflag:s0] =	ssyncset.done $0x0  }
0x30: {  	[sflag:s0] =	ssyncadd.s32 $0xFFFFF800  }
0x31: {  	_ =	swait.ge [sflag:s0], $0x800  }
0x32: {  	p1 =	seq.s32 s21, $0x0;
	[sflag:s0] =	ssyncset.done $0x0  }
0x33: {  	s1 =	simm.s32 $0x0;
	[sflag:s0] =	ssyncadd.s32 $0xFFFFF800;
	s0 =	simm.s32 @!p1 $0x3  }
0x34: {  	s3 =	sand.u32 $0x40, s1;
	_ =	swait.ge @!p1 [sflag:s0], $0x8000  }
0x35: {  	s4 =	sand.u32 $0x780, s1;
	s19 =	sor.u32 $0x30, s3;
	[sflag:s0] =	ssyncset.done @!p1 $0x0  }
0x36: {  	s26 =	sor.u32 s4, s19;
	[sflag:s0] =	ssyncadd.s32 @!p1 $0xFFFF8000  }
0x37: {  	v11 =	vld [tilespmem:s26+$0x4100]  }
0x38: {  	s5 =	simm.s32 $0x4100;
	s18 =	sor.u32 $0x10, s3;
	v10 =	vld [tilespmem:s26+$0x5100]  }
0x39: {  	s28 =	sor.u32 s4, s18;
	v0 =	vld [tilespmem:s5+$0x0]  }
0x3a: {  	s31 =	sor.u32 $0x20, s3;
	v6 =	vld [tilespmem:s28+$0x4100]  }
0x3b: {  	s4 =	sor.u32 s4, s31;
	v14 =	vld [tilespmem:s28+$0x5100]  }
0x3c: {  	v7 =	vld [tilespmem:s4+$0x4100]  }
0x3d: {  	s5 =	simm.s32 $0x5100;
	v8 =	vld [tilespmem:s4+$0x5100]  }
0x3e: {  	v1 =	vld [tilespmem:s5+$0x0]  }
0x3f: {  	v2 =	vld.idx.msk [tilespmem:v11+s2+$0x0], $0xffff  }
0x40: {  	v3 =	vld.idx.msk [tilespmem:v10+s17+$0x0], $0xffff;
	_ =	sdelay $0x1  }
0x41: {  	v4 =	vld.idx.msk [tilespmem:v6+s2+$0x0], $0xffff  }
0x42: {  	v5 =	vld.idx.msk [tilespmem:v14+s17+$0x0], $0xffff  }
0x43: {  	v9 =	vld.idx.msk [tilespmem:v7+s2+$0x0], $0xffff  }
0x44: {  	s7 =	sand.u32 $0x3C00, s1;
	v15 =	vadd.s32 $0x401, v10;
	v12 =	vld.idx.msk [tilespmem:v8+s17+$0x0], $0xffff;
	v2 =	vadd.bf16 v3, v2  }
0x45: {  	s6 =	sadd.s32 $0x6100, s7;
	v13 =	vld.idx.msk [tilespmem:v0+s2+$0x0], $0xffff;
	v3 =	vadd.s32 $0x401, v11  }
0x46: {  	s8 =	sor.u32 s19, s6;
	v16 =	vld.idx.msk [tilespmem:v1+s17+$0x0], $0xffff;
	v17 =	vunpack.i.l.bf16.f32 v2  }
0x47: {  	v18 =	vadd.s32 $0x401, v6;
	v4 =	vadd.bf16 v5, v4;
	v2 =	vunpack.i.u.bf16.f32 v2;
	[tilespmem:s8+$0x0] =	vst v17  }
0x48: {  	v5 =	vadd.s32 $0x401, v14;
	[tilespmem:s8+$0x80] =	vst v2  }
0x49: {  	s9 =	sor.u32 s18, s6;
	v9 =	vadd.bf16 v12, v9;
	v12 =	vadd.s32 $0x401, v8;
	v17 =	vunpack.i.l.bf16.f32 v4;
	v15 =	vld.idx.msk [tilespmem:v15+s17+$0x0], $0xffff  }
0x4a: {  	v2 =	vadd.s32 $0x401, v7;
	v4 =	vunpack.i.u.bf16.f32 v4;
	[tilespmem:s9+$0x0] =	vst v17;
	v3 =	vld.idx.msk [tilespmem:v3+s2+$0x0], $0xffff  }
0x4b: {  	s10 =	sor.u32 s31, s6;
	v13 =	vadd.bf16 v16, v13;
	v17 =	vadd.s32 $0x401, v0;
	[tilespmem:s9+$0x80] =	vst v4;
	v4 =	vunpack.i.l.bf16.f32 v9  }
0x4c: {  	v16 =	vadd.s32 $0x401, v1;
	v9 =	vunpack.i.u.bf16.f32 v9;
	v18 =	vld.idx.msk [tilespmem:v18+s2+$0x0], $0xffff;
	[tilespmem:s10+$0x0] =	vst v4  }
0x4d: {  	s0 =	sor.u32 s3, s6;
	v4 =	vunpack.i.l.bf16.f32 v13;
	v5 =	vld.idx.msk [tilespmem:v5+s17+$0x0], $0xffff;
	[tilespmem:s10+$0x80] =	vst v9  }
0x4e: {  	v9 =	vunpack.i.u.bf16.f32 v13;
	[tilespmem:s0+$0x0] =	vst v4;
	v4 =	vld.idx.msk [tilespmem:v12+s17+$0x0], $0xffff  }
0x4f: {  	[tilespmem:s0+$0x80] =	vst v9;
	v9 =	vadd.s32 $0x802, v11;
	v2 =	vld.idx.msk [tilespmem:v2+s2+$0x0], $0xffff;
	v3 =	vadd.bf16 v15, v3  }
0x50: {  	v13 =	vadd.s32 $0x802, v10;
	v12 =	vld.idx.msk [tilespmem:v17+s2+$0x0], $0xffff  }
0x51: {  	v15 =	vld.idx.msk [tilespmem:v16+s17+$0x0], $0xffff;
	v16 =	vunpack.i.l.bf16.f32 v3  }
0x52: {  	v17 =	vadd.s32 $0x802, v6;
	v5 =	vadd.bf16 v5, v18;
	v3 =	vunpack.i.u.bf16.f32 v3;
	[tilespmem:s8+$0x100] =	vst v16  }
0x53: {  	v16 =	vadd.s32 $0x802, v14;
	[tilespmem:s8+$0x180] =	vst v3  }
0x54: {  	v18 =	vunpack.i.l.bf16.f32 v5;
	v3 =	vadd.s32 $0x802, v7;
	v2 =	vadd.bf16 v4, v2;
	v4 =	vld.idx.msk [tilespmem:v9+s2+$0x0], $0xffff  }
0x55: {  	v5 =	vunpack.i.u.bf16.f32 v5;
	[tilespmem:s9+$0x100] =	vst v18;
	v9 =	vadd.s32 $0x802, v8;
	v13 =	vld.idx.msk [tilespmem:v13+s17+$0x0], $0xffff  }
0x56: {  	v18 =	vadd.s32 $0x802, v0;
	[tilespmem:s9+$0x180] =	vst v5;
	v12 =	vadd.bf16 v15, v12;
	v5 =	vunpack.i.l.bf16.f32 v2  }
0x57: {  	p0 =	por $0x0, $0x0;
	s1 =	simm.s32 $0x1;
	v17 =	vld.idx.msk [tilespmem:v17+s2+$0x0], $0xffff;
	v2 =	vunpack.i.u.bf16.f32 v2;
	v15 =	vadd.s32 $0x802, v1;
	[tilespmem:s10+$0x100] =	vst v5  }
0x58: {  	s1 =	simm.s32 @!p0 $0x0;
	[tilespmem:s10+$0x180] =	vst v2;
	v5 =	vunpack.i.l.bf16.f32 v12;
	v16 =	vld.idx.msk [tilespmem:v16+s17+$0x0], $0xffff  }
0x59: {  	s1 =	sshll.u32 s1, $0x6;
	v2 =	vunpack.i.u.bf16.f32 v12;
	[tilespmem:s0+$0x100] =	vst v5;
	v3 =	vld.idx.msk [tilespmem:v3+s2+$0x0], $0xffff  }
0x5a: {  	s11 =	sadd.s32 $0x0, s1;
	[tilespmem:s0+$0x180] =	vst v2;
	v5 =	vadd.s32 $0xC03, v11;
	v2 =	vld.idx.msk [tilespmem:v9+s17+$0x0], $0xffff;
	v4 =	vadd.bf16 v13, v4  }
0x5b: {  	s1 =	sadd.s32 $0x30, s11;
	v12 =	vadd.s32 $0xC03, v10;
	v9 =	vld.idx.msk [tilespmem:v18+s2+$0x0], $0xffff  }
0x5c: {  	s12 =	sor.u32 $0x200, s1;
	v13 =	vld.idx.msk [tilespmem:v15+s17+$0x0], $0xffff;
	v15 =	vunpack.i.l.bf16.f32 v4  }
0x5d: {  	s13 =	sor.u32 $0x280, s1;
	v18 =	vadd.s32 $0xC03, v6;
	v4 =	vunpack.i.u.bf16.f32 v4;
	[tilespmem:s12+$0x6100] =	vst v15;
	v16 =	vadd.bf16 v16, v17  }
0x5e: {  	s14 =	sadd.s32 $0x10, s11;
	v15 =	vadd.s32 $0xC03, v14;
	[tilespmem:s13+$0x6100] =	vst v4  }
0x5f: {  	s15 =	sor.u32 $0x200, s14;
	v4 =	vadd.s32 $0xC03, v7;
	v2 =	vadd.bf16 v2, v3;
	v3 =	vld.idx.msk [tilespmem:v5+s2+$0x0], $0xffff;
	v17 =	vunpack.i.l.bf16.f32 v16  }
0x60: {  	s6 =	sadd.s32 $0x20, s11;
	s8 =	sor.u32 $0x280, s14;
	v5 =	vadd.s32 $0xC03, v8;
	v12 =	vld.idx.msk [tilespmem:v12+s17+$0x0], $0xffff;
	v16 =	vunpack.i.u.bf16.f32 v16;
	[tilespmem:s15+$0x6100] =	vst v17  }
0x61: {  	s16 =	sor.u32 $0x200, s6;
	v9 =	vadd.bf16 v13, v9;
	v17 =	vadd.s32 $0xC03, v0;
	v13 =	vunpack.i.l.bf16.f32 v2;
	[tilespmem:s8+$0x6100] =	vst v16  }
0x62: {  	s20 =	sor.u32 $0x280, s6;
	v2 =	vunpack.i.u.bf16.f32 v2;
	v16 =	vadd.s32 $0xC03, v1;
	[tilespmem:s16+$0x6100] =	vst v13;
	v18 =	vld.idx.msk [tilespmem:v18+s2+$0x0], $0xffff  }
0x63: {  	s22 =	sor.u32 $0x200, s11;
	v13 =	vunpack.i.l.bf16.f32 v9;
	v15 =	vld.idx.msk [tilespmem:v15+s17+$0x0], $0xffff;
	[tilespmem:s20+$0x6100] =	vst v2  }
0x64: {  	s23 =	sor.u32 $0x280, s11;
	v2 =	vunpack.i.u.bf16.f32 v9;
	[tilespmem:s22+$0x6100] =	vst v13;
	v4 =	vld.idx.msk [tilespmem:v4+s2+$0x0], $0xffff  }
0x65: {  	[tilespmem:s23+$0x6100] =	vst v2;
	v5 =	vld.idx.msk [tilespmem:v5+s17+$0x0], $0xffff;
	v2 =	vadd.bf16 v12, v3;
	v3 =	vadd.s32 $0x1004, v11  }
0x66: {  	v12 =	vadd.s32 $0x1004, v10;
	v9 =	vld.idx.msk [tilespmem:v17+s2+$0x0], $0xffff  }
0x67: {  	s24 =	sor.u32 $0x300, s1;
	v13 =	vld.idx.msk [tilespmem:v16+s17+$0x0], $0xffff;
	v16 =	vunpack.i.l.bf16.f32 v2  }
0x68: {  	s25 =	simm.s32 $0x4140;
	s1 =	sor.u32 $0x380, s1;
	v17 =	vadd.s32 $0x1004, v6;
	v15 =	vadd.bf16 v15, v18;
	v18 =	vunpack.i.u.bf16.f32 v2;
	[tilespmem:s24+$0x6100] =	vst v16  }
0x69: {  	v16 =	vadd.s32 $0x1004, v14;
	v2 =	vld [tilespmem:s25+$0x0];
	[tilespmem:s1+$0x6100] =	vst v18  }
0x6a: {  	s26 =	sor.u32 $0x300, s14;
	v18 =	vadd.s32 $0x1004, v7;
	v4 =	vadd.bf16 v5, v4;
	v19 =	vunpack.i.l.bf16.f32 v15;
	v5 =	vld.idx.msk [tilespmem:v3+s2+$0x0], $0xffff  }
0x6b: {  	s28 =	simm.s32 $0x5140;
	s5 =	sor.u32 $0x380, s14;
	v20 =	vadd.s32 $0x1004, v8;
	v15 =	vunpack.i.u.bf16.f32 v15;
	v12 =	vld.idx.msk [tilespmem:v12+s17+$0x0], $0xffff;
	[tilespmem:s26+$0x6100] =	vst v19  }
0x6c: {  	s4 =	sor.u32 $0x300, s6;
	v3 =	vld [tilespmem:s28+$0x0];
	v9 =	vadd.bf16 v13, v9;
	[tilespmem:s5+$0x6100] =	vst v15;
	v13 =	vunpack.i.l.bf16.f32 v4  }
0x6d: {  	s5 =	sor.u32 $0x380, s6;
	v4 =	vunpack.i.u.bf16.f32 v4;
	v17 =	vld.idx.msk [tilespmem:v17+s2+$0x0], $0xffff;
	[tilespmem:s4+$0x6100] =	vst v13  }
0x6e: {  	s10 =	simm.s32 $0x40;
	v16 =	vld.idx.msk [tilespmem:v16+s17+$0x0], $0xffff;
	[tilespmem:s5+$0x6100] =	vst v4  }
0x6f: {  	v19 =	vadd.s32 $0x1004, v0;
	s4 =	sand.u32 $0x40, s10;
	v18 =	vld.idx.msk [tilespmem:v18+s2+$0x0], $0xffff  }
0x70: {  	s23 =	sand.u32 $0x780, s10;
	v15 =	vadd.s32 $0x1004, v1;
	s6 =	sor.u32 $0x300, s11;
	v13 =	vunpack.i.l.bf16.f32 v9;
	s13 =	sor.u32 $0x10, s4;
	v20 =	vld.idx.msk [tilespmem:v20+s17+$0x0], $0xffff  }
0x71: {  	s0 =	sor.u32 $0x380, s11;
	v4 =	vunpack.i.u.bf16.f32 v9;
	[tilespmem:s6+$0x6100] =	vst v13;
	s11 =	sor.u32 s23, s13;
	v21 =	vld.idx.msk [tilespmem:v2+s2+$0x0], $0xffff  }
0x72: {  	[tilespmem:s0+$0x6100] =	vst v4;
	v4 =	vadd.bf16 v12, v5;
	v5 =	vadd.s32 $0x1405, v11;
	v37 =	vld [tilespmem:s11+$0x4100]  }
0x73: {  	s8 =	sadd.s32 $0xA100, s7;
	v9 =	vadd.s32 $0x1405, v10;
	v36 =	vld [tilespmem:s11+$0x5100]  }
0x74: {  	s9 =	sadd.s32 $0xA180, s7;
	s20 =	sor.u32 s19, s8;
	s24 =	sor.u32 $0x30, s4;
	v19 =	vld.idx.msk [tilespmem:v19+s2+$0x0], $0xffff;
	v12 =	vunpack.i.l.bf16.f32 v4  }
0x75: {  	s22 =	sor.u32 s19, s9;
	s25 =	sor.u32 s23, s24;
	v15 =	vld.idx.msk [tilespmem:v15+s17+$0x0], $0xffff;
	v4 =	vunpack.i.u.bf16.f32 v4;
	[tilespmem:s20+$0x0] =	vst v12  }
0x76: {  	[tilespmem:s22+$0x0] =	vst v4;
	v4 =	vld [tilespmem:s25+$0x5100]  }
0x77: {  	v27 =	vadd.s32 $0x1405, v6;
	v16 =	vadd.bf16 v16, v17;
	v22 =	vld.idx.msk [tilespmem:v5+s2+$0x0], $0xffff  }
0x78: {  	v28 =	vadd.s32 $0x1405, v14;
	s14 =	sor.u32 $0x20, s4;
	v26 =	vld.idx.msk [tilespmem:v9+s17+$0x0], $0xffff  }
0x79: {  	v40 =	vadd.s32 $0x1806, v6;
	v39 =	vadd.s32 $0x1806, v14;
	s26 =	sor.u32 s18, s8;
	s1 =	sor.u32 s23, s14;
	v24 =	vunpack.i.l.bf16.f32 v16;
	v5 =	vld [tilespmem:s25+$0x4100]  }
0x7a: {  	s28 =	sor.u32 s18, s9;
	v25 =	vld [tilespmem:s1+$0x5100];
	v9 =	vadd.s32 $0x1C07, v6;
	v6 =	vadd.s32 $0x1C07, v14;
	v14 =	vunpack.i.u.bf16.f32 v16;
	[tilespmem:s26+$0x0] =	vst v24  }
0x7b: {  	v24 =	vld [tilespmem:s1+$0x4100];
	[tilespmem:s28+$0x0] =	vst v14  }
0x7c: {  	v16 =	vadd.bf16 v20, v18;
	v15 =	vadd.bf16 v15, v19;
	v19 =	vld.idx.msk [tilespmem:v27+s2+$0x0], $0xffff  }
0x7d: {  	v18 =	vadd.s32 $0x1806, v11;
	v31 =	vld.idx.msk [tilespmem:v28+s17+$0x0], $0xffff  }
0x7e: {  	s20 =	sor.u32 s31, s8;
	v49 =	vld.idx.msk [tilespmem:v37+s2+$0x0], $0xffff;
	v14 =	vadd.bf16 v26, v22;
	v22 =	vunpack.i.u.bf16.f32 v16;
	v16 =	vunpack.i.l.bf16.f32 v16  }
0x7f: {  	s1 =	sadd.s32 $0xA200, s7;
	v20 =	vadd.s32 $0x1806, v10;
	[tilespmem:s20+$0x0] =	vst v16;
	v16 =	vld.idx.msk [tilespmem:v36+s17+$0x0], $0xffff  }
0x80: {  	s28 =	sadd.s32 $0xA280, s7;
	s15 =	sor.u32 s19, s1;
	v26 =	vunpack.i.l.bf16.f32 v14;
	v43 =	vld.idx.msk [tilespmem:v4+s17+$0x0], $0xffff  }
0x81: {  	v30 =	vadd.s32 $0x1405, v7;
	s16 =	sor.u32 s19, s28;
	v14 =	vunpack.i.u.bf16.f32 v14;
	v41 =	vld.idx.msk [tilespmem:v5+s2+$0x0], $0xffff;
	[tilespmem:s15+$0x0] =	vst v26  }
0x82: {  	v42 =	vadd.s32 $0x1405, v0;
	v54 =	vadd.s32 $0x1C07, v11;
	v44 =	vadd.s32 $0x401, v2;
	v23 =	vld.idx.msk [tilespmem:v3+s17+$0x0], $0xffff;
	[tilespmem:s16+$0x0] =	vst v14  }
0x83: {  	s6 =	sor.u32 s3, s8;
	v17 =	vadd.s32 $0x1405, v8;
	v38 =	vunpack.i.u.bf16.f32 v15;
	v15 =	vunpack.i.l.bf16.f32 v15;
	v46 =	vld.idx.msk [tilespmem:v18+s2+$0x0], $0xffff  }
0x84: {  	v13 =	vadd.s32 $0x1806, v7;
	s11 =	simm.s32 $0x200;
	s0 =	sor.u32 s3, s9;
	[tilespmem:s6+$0x0] =	vst v15;
	v31 =	vadd.bf16 v31, v19;
	v14 =	vadd.s32 $0x1405, v1;
	v20 =	vld.idx.msk [tilespmem:v20+s17+$0x0], $0xffff  }
0x85: {  	s12 =	sor.u32 s31, s9;
	v7 =	vadd.s32 $0x1C07, v7;
	v56 =	vadd.s32 $0x401, v3;
	s22 =	sand.u32 $0x3C00, s11;
	v15 =	vld.idx.msk [tilespmem:v25+s17+$0x0], $0xffff;
	[tilespmem:s0+$0x0] =	vst v38;
	v58 =	vadd.bf16 v16, v49  }
0x86: {  	s23 =	sor.u32 s18, s1;
	s6 =	sadd.s32 $0x6100, s22;
	v63 =	vadd.s32 $0x401, v5;
	[tilespmem:s12+$0x0] =	vst v22;
	v51 =	vld.idx.msk [tilespmem:v24+s2+$0x0], $0xffff;
	v52 =	vunpack.i.l.bf16.f32 v31;
	v41 =	vadd.bf16 v43, v41  }
0x87: {  	v12 =	vadd.s32 $0x1806, v8;
	v57 =	vadd.s32 $0x401, v4;
	v53 =	vld.idx.msk [tilespmem:v30+s2+$0x0], $0xffff;
	s15 =	sor.u32 s13, s6;
	[tilespmem:s23+$0x0] =	vst v52;
	v59 =	vunpack.i.l.bf16.f32 v58  }
0x88: {  	v8 =	vadd.s32 $0x1C07, v8;
	v45 =	vadd.s32 $0x401, v37;
	s20 =	sor.u32 s24, s6;
	v52 =	vld.idx.msk [tilespmem:v17+s17+$0x0], $0xffff;
	[tilespmem:s15+$0x0] =	vst v59;
	v30 =	vunpack.i.l.bf16.f32 v41  }
0x89: {  	v47 =	vadd.s32 $0x401, v36;
	v49 =	vld.idx.msk [tilespmem:v14+s17+$0x0], $0xffff;
	v46 =	vadd.bf16 v20, v46;
	v11 =	vunpack.i.u.bf16.f32 v41;
	[tilespmem:s20+$0x0] =	vst v30  }
0x8a: {  	v32 =	vadd.s32 $0x802, v37;
	v48 =	vadd.s32 $0x401, v24;
	s16 =	sadd.s32 $0xA300, s7;
	v41 =	vld.idx.msk [tilespmem:v42+s2+$0x0], $0xffff;
	v42 =	vunpack.i.u.bf16.f32 v58;
	[tilespmem:s20+$0x80] =	vst v11  }
0x8b: {  	s9 =	smov.u32 s24;
	s23 =	sadd.s32 $0xA380, s7;
	s24 =	sor.u32 s19, s16;
	v60 =	vadd.bf16 v15, v51;
	v30 =	vadd.s32 $0x1C07, v10;
	[tilespmem:s15+$0x80] =	vst v42;
	v10 =	vunpack.i.l.bf16.f32 v46;
	v55 =	vld.idx.msk [tilespmem:v63+s2+$0x0], $0xffff  }
0x8c: {  	v33 =	vadd.s32 $0x802, v36;
	v50 =	vadd.s32 $0x401, v25;
	s26 =	sor.u32 s19, s23;
	v11 =	vunpack.i.u.bf16.f32 v46;
	v38 =	vld.idx.msk [tilespmem:v57+s17+$0x0], $0xffff;
	[tilespmem:s24+$0x0] =	vst v10  }
0x8d: {  	v35 =	vadd.s32 $0x802, v25;
	v62 =	vadd.bf16 v23, v21;
	v21 =	vunpack.i.l.bf16.f32 v60;
	v57 =	vld.idx.msk [tilespmem:v45+s2+$0x0], $0xffff;
	s24 =	sor.u32 s14, s6;
	[tilespmem:s26+$0x0] =	vst v11  }
0x8e: {  	v27 =	vadd.s32 $0xC03, v36;
	v28 =	vadd.s32 $0xC03, v25;
	v46 =	vunpack.i.u.bf16.f32 v60;
	v58 =	vld.idx.msk [tilespmem:v47+s17+$0x0], $0xffff;
	[tilespmem:s24+$0x0] =	vst v21  }
0x8f: {  	s8 =	smov.u32 s13;
	v23 =	vadd.s32 $0x1C07, v37;
	v34 =	vadd.s32 $0x802, v24;
	s0 =	sor.u32 s4, s6;
	s12 =	sor.u32 s31, s28;
	v63 =	vunpack.i.l.bf16.f32 v62;
	[tilespmem:s24+$0x80] =	vst v46;
	v51 =	vld.idx.msk [tilespmem:v54+s2+$0x0], $0xffff  }
0x90: {  	v29 =	vadd.s32 $0xC03, v24;
	v22 =	vadd.s32 $0x1004, v36;
	v19 =	vadd.s32 $0x1004, v24;
	s13 =	sor.u32 s3, s28;
	s6 =	sor.u32 s18, s28;
	[tilespmem:s0+$0x0] =	vst v63;
	s28 =	sor.u32 s3, s16;
	v43 =	vld.idx.msk [tilespmem:v48+s2+$0x0], $0xffff  }
0x91: {  	s25 =	smov.u32 s22;
	v26 =	vadd.s32 $0xC03, v37;
	v61 =	vunpack.i.u.bf16.f32 v31;
	v31 =	vadd.s32 $0x1806, v25;
	s22 =	sor.u32 s3, s23;
	v42 =	vld.idx.msk [tilespmem:v30+s17+$0x0], $0xffff;
	[dreg:$0x5] =	wrdreg s28  }
0x92: {  	v18 =	vadd.s32 $0x1004, v37;
	v17 =	vadd.s32 $0x1405, v37;
	v59 =	vunpack.i.u.bf16.f32 v62;
	[dreg:$0x4] =	wrdreg s22  }
0x93: {  	v16 =	vadd.s32 $0x1405, v36;
	v15 =	vadd.s32 $0x1405, v25;
	v53 =	vadd.bf16 v52, v53;
	[tilespmem:s0+$0x80] =	vst v59  }
0x94: {  	v14 =	vadd.s32 $0x1405, v24;
	v20 =	vadd.s32 $0x1004, v25;
	v45 =	vld.idx.msk [tilespmem:v50+s17+$0x0], $0xffff;
	v60 =	vadd.bf16 v38, v55;
	[tilespmem:s6+$0x0] =	vst v61;
	s6 =	sor.u32 s18, s23;
	s23 =	sor.u32 s31, s23  }
0x95: {  	s5 =	sor.u32 s31, s1;
	v25 =	vadd.s32 $0x1C07, v25;
	v10 =	vadd.s32 $0x1806, v37;
	v61 =	vunpack.i.l.bf16.f32 v53;
	v44 =	vld.idx.msk [tilespmem:v44+s2+$0x0], $0xffff;
	[dreg:$0x7] =	wrdreg s23  }
0x96: {  	s29 =	simm.s32 $0x4180;
	s30 =	sadd.s32 $0xA400, s7;
	v37 =	vunpack.i.u.bf16.f32 v53;
	v41 =	vadd.bf16 v49, v41;
	v62 =	vunpack.i.l.bf16.f32 v60;
	[tilespmem:s5+$0x0] =	vst v61  }
0x97: {  	s7 =	sadd.s32 $0xA480, s7;
	v11 =	vadd.s32 $0x1806, v36;
	s26 =	smov.u32 s14;
	s14 =	sor.u32 s3, s1;
	v21 =	vadd.s32 $0x1C07, v36;
	v48 =	vadd.s32 $0x802, v5;
	v46 =	vld.idx.msk [tilespmem:v56+s17+$0x0], $0xffff;
	[tilespmem:s20+$0x100] =	vst v62  }
0x98: {  	s1 =	sor.u32 s31, s16;
	s28 =	sshll.u32 s21, $0x1;
	v36 =	vunpack.i.u.bf16.f32 v41;
	v38 =	vunpack.i.l.bf16.f32 v41;
	v41 =	vld.idx.msk [tilespmem:v40+s2+$0x0], $0xffff;
	v47 =	vadd.bf16 v42, v51;
	[dreg:$0x1b] =	wrdreg s21  }
0x99: {  	v49 =	vadd.s32 $0x802, v4;
	v30 =	vadd.s32 $0x1806, v24;
	s22 =	sor.u32 s18, s16;
	s16 =	simm.s32 $0x4;
	v63 =	vunpack.i.u.bf16.f32 v60;
	[dreg:$0x1c] =	wrdreg s28  }
0x9a: {  	v24 =	vadd.s32 $0x1C07, v24;
	v50 =	vadd.bf16 v58, v57;
	s5 =	sor.u32 s19, s30;
	s21 =	sor.u32 s3, s30;
	[tilespmem:s20+$0x180] =	vst v63;
	v42 =	vld.idx.msk [tilespmem:v39+s17+$0x0], $0xffff;
	s20 =	simm.s32 $0x5180;
	v39 =	vunpack.i.l.bf16.f32 v47  }
.LBB2_3:
0x9b: {  	_ = 	snop  }
0x9c: {  	v40 =	vld [tilespmem:s29+$0x0];
	v47 =	vunpack.i.u.bf16.f32 v47;
	[tilespmem:s5+$0x0] =	vst v39;
	s19 =	sor.u32 s19, s7  }
0x9d: {  	v39 =	vld [tilespmem:s20+$0x0];
	v59 =	vunpack.i.l.bf16.f32 v50;
	[tilespmem:s19+$0x0] =	vst v47;
	v43 =	vadd.bf16 v45, v43  }
0x9e: {  	v60 =	vadd.s32 $0x802, v2;
	v51 =	vunpack.i.u.bf16.f32 v50;
	[tilespmem:s15+$0x100] =	vst v59;
	v47 =	vld.idx.msk [tilespmem:v48+s2+$0x0], $0xffff  }
0x9f: {  	[tilespmem:s15+$0x180] =	vst v51;
	v62 =	vld.idx.msk [tilespmem:v49+s17+$0x0], $0xffff;
	v44 =	vadd.bf16 v46, v44;
	v61 =	vunpack.i.u.bf16.f32 v43;
	v43 =	vunpack.i.l.bf16.f32 v43  }
0xa0: {  	v63 =	vadd.s32 $0x802, v3;
	v32 =	vld.idx.msk [tilespmem:v32+s2+$0x0], $0xffff;
	[tilespmem:s24+$0x100] =	vst v43  }
0xa1: {  	s3 =	sor.u32 s3, s7;
	p0 =	por !p0, !p0;
	v33 =	vld.idx.msk [tilespmem:v33+s17+$0x0], $0xffff;
	v41 =	vadd.bf16 v42, v41;
	v51 =	vunpack.i.u.bf16.f32 v44;
	v44 =	vunpack.i.l.bf16.f32 v44;
	[tilespmem:s24+$0x180] =	vst v61  }
0xa2: {  	[dreg:$0xa] =	wrdreg s3;
	s3 =	smov.u32 s4;
	s4 =	simm.s32 $0x1;
	[tilespmem:s0+$0x100] =	vst v44;
	v34 =	vld.idx.msk [tilespmem:v34+s2+$0x0], $0xffff  }
0xa3: {  	v52 =	vadd.s32 $0x1806, v0;
	s4 =	simm.s32 @!p0 $0x0;
	v53 =	vunpack.i.u.bf16.f32 v41;
	v41 =	vunpack.i.l.bf16.f32 v41;
	[tilespmem:s0+$0x180] =	vst v51;
	v35 =	vld.idx.msk [tilespmem:v35+s17+$0x0], $0xffff  }
0xa4: {  	v54 =	vadd.s32 $0x1806, v1;
	s19 =	smov.u32 s9;
	s9 =	sshll.u32 s4, $0x6;
	[tilespmem:s22+$0x0] =	vst v41;
	v44 =	vld.idx.msk [tilespmem:v60+s2+$0x0], $0xffff  }
0xa5: {  	v57 =	vadd.s32 $0xC03, v5;
	s0 =	sadd.s32 s9, s11;
	v56 =	vadd.bf16 v62, v47;
	[tilespmem:s12+$0x0] =	vst v37;
	v55 =	vld.idx.msk [tilespmem:v63+s17+$0x0], $0xffff  }
0xa6: {  	v58 =	vadd.s32 $0xC03, v4;
	[tilespmem:s14+$0x0] =	vst v38;
	s4 =	sadd.s32 $0x30, s0;
	v59 =	vld.idx.msk [tilespmem:v13+s2+$0x0], $0xffff  }
0xa7: {  	s28 =	sor.u32 s18, s30;
	s5 =	sor.u32 s18, s7;
	[tilespmem:s13+$0x0] =	vst v36;
	v13 =	vmov v30;
	v30 =	vadd.bf16 v33, v32;
	v60 =	vunpack.i.l.bf16.f32 v56;
	s14 =	sor.u32 $0x200, s4;
	v61 =	vld.idx.msk [tilespmem:v12+s17+$0x0], $0xffff  }
0xa8: {  	s18 =	smov.u32 s8;
	s8 =	sadd.s32 $0x10, s0;
	v12 =	vmov v31;
	v31 =	vunpack.i.u.bf16.f32 v56;
	[tilespmem:s14+$0x6100] =	vst v60;
	s14 =	sor.u32 $0x280, s4;
	v62 =	vld.idx.msk [tilespmem:v52+s2+$0x0], $0xffff  }
0xa9: {  	s12 =	sor.u32 $0x200, s8;
	v63 =	vunpack.i.u.bf16.f32 v30;
	v30 =	vunpack.i.l.bf16.f32 v30;
	[tilespmem:s14+$0x6100] =	vst v31;
	v31 =	vld.idx.msk [tilespmem:v54+s17+$0x0], $0xffff  }
0xaa: {  	s15 =	sor.u32 $0x280, s8;
	[tilespmem:s12+$0x6100] =	vst v30;
	v30 =	vld.idx.msk [tilespmem:v57+s2+$0x0], $0xffff  }
0xab: {  	v38 =	vld.idx.msk [tilespmem:v58+s17+$0x0], $0xffff;
	v34 =	vadd.bf16 v35, v34;
	[tilespmem:s15+$0x6100] =	vst v63  }
0xac: {  	v46 =	vadd.s32 $0xC03, v2;
	s9 =	sadd.s32 $0x20, s0;
	v26 =	vld.idx.msk [tilespmem:v26+s2+$0x0], $0xffff  }
0xad: {  	s22 =	sor.u32 $0x200, s9;
	v37 =	vadd.bf16 v55, v44;
	v27 =	vld.idx.msk [tilespmem:v27+s17+$0x0], $0xffff;
	[tilespmem:s6+$0x0] =	vst v53;
	v48 =	vunpack.i.u.bf16.f32 v34;
	v34 =	vunpack.i.l.bf16.f32 v34  }
0xae: {  	s30 =	sor.u32 s31, s30;
	v49 =	vadd.s32 $0xC03, v3;
	s24 =	sor.u32 $0x280, s9;
	[tilespmem:s22+$0x6100] =	vst v34  }
0xaf: {  	s23 =	sor.u32 s31, s7;
	s31 =	smov.u32 s26;
	s26 =	sor.u32 $0x200, s0;
	v33 =	vadd.bf16 v61, v59;
	v50 =	vunpack.i.u.bf16.f32 v37;
	v37 =	vunpack.i.l.bf16.f32 v37;
	v56 =	vld.idx.msk [tilespmem:v9+s2+$0x0], $0xffff;
	[tilespmem:s24+$0x6100] =	vst v48  }
0xb0: {  	[dreg:$0xd] =	wrdreg s23;
	s23 =	smov.u32 s25;
	s25 =	sor.u32 $0x280, s0;
	[tilespmem:s26+$0x6100] =	vst v37;
	v29 =	vld.idx.msk [tilespmem:v29+s2+$0x0], $0xffff  }
0xb1: {  	v31 =	vadd.bf16 v31, v62;
	v51 =	vunpack.i.u.bf16.f32 v33;
	v33 =	vunpack.i.l.bf16.f32 v33;
	[tilespmem:s25+$0x6100] =	vst v50;
	v28 =	vld.idx.msk [tilespmem:v28+s17+$0x0], $0xffff  }
0xb2: {  	v53 =	vadd.s32 $0x1004, v5;
	v30 =	vadd.bf16 v38, v30;
	s24 =	rddreg [dreg:$0x7];
	v34 =	vld.idx.msk [tilespmem:v46+s2+$0x0], $0xffff;
	[tilespmem:s1+$0x0] =	vst v33  }
0xb3: {  	v55 =	vadd.s32 $0x1004, v4;
	s26 =	rddreg [dreg:$0x5];
	v52 =	vld.idx.msk [tilespmem:v49+s17+$0x0], $0xffff;
	v54 =	vunpack.i.u.bf16.f32 v31;
	v31 =	vunpack.i.l.bf16.f32 v31;
	[tilespmem:s24+$0x0] =	vst v51  }
0xb4: {  	v9 =	vmov v23;
	s25 =	sor.u32 $0x300, s4;
	v23 =	vadd.bf16 v27, v26;
	v26 =	vunpack.i.l.bf16.f32 v30;
	[tilespmem:s26+$0x0] =	vst v31;
	v27 =	vld.idx.msk [tilespmem:v6+s17+$0x0], $0xffff  }
0xb5: {  	s6 =	sor.u32 $0x380, s4;
	v6 =	vmov v21;
	v21 =	vunpack.i.u.bf16.f32 v30;
	[tilespmem:s25+$0x6100] =	vst v26;
	v26 =	vld.idx.msk [tilespmem:v7+s2+$0x0], $0xffff  }
0xb6: {  	s13 =	sor.u32 $0x300, s8;
	v7 =	vmovc v24;
	v24 =	vunpack.i.u.bf16.f32 v23;
	v23 =	vunpack.i.l.bf16.f32 v23;
	[tilespmem:s6+$0x6100] =	vst v21;
	v21 =	vld.idx.msk [tilespmem:v8+s17+$0x0], $0xffff;
	v28 =	vadd.bf16 v28, v29  }
0xb7: {  	s14 =	sor.u32 $0x380, s8;
	v8 =	vmov v25;
	v25 =	vadd.s32 $0x1004, v2;
	[tilespmem:s13+$0x6100] =	vst v23;
	v23 =	vld.idx.msk [tilespmem:v53+s2+$0x0], $0xffff  }
0xb8: {  	s12 =	sor.u32 $0x300, s9;
	v30 =	vld.idx.msk [tilespmem:v55+s17+$0x0], $0xffff;
	v29 =	vadd.bf16 v52, v34;
	[tilespmem:s14+$0x6100] =	vst v24;
	v24 =	vunpack.i.u.bf16.f32 v28;
	v28 =	vunpack.i.l.bf16.f32 v28  }
0xb9: {  	s8 =	sor.u32 $0x380, s9;
	v31 =	vadd.s32 $0x1004, v3;
	v18 =	vld.idx.msk [tilespmem:v18+s2+$0x0], $0xffff;
	[tilespmem:s12+$0x6100] =	vst v28  }
0xba: {  	s9 =	sor.u32 $0x300, s0;
	v22 =	vld.idx.msk [tilespmem:v22+s17+$0x0], $0xffff;
	v57 =	vunpack.i.u.bf16.f32 v29;
	v29 =	vunpack.i.l.bf16.f32 v29;
	[tilespmem:s8+$0x6100] =	vst v24  }
0xbb: {  	s0 =	sor.u32 $0x380, s0;
	[tilespmem:s9+$0x6100] =	vst v29;
	v21 =	vadd.bf16 v21, v26;
	v19 =	vld.idx.msk [tilespmem:v19+s2+$0x0], $0xffff  }
0xbc: {  	v28 =	vadd.s32 $0x1C07, v0;
	v24 =	vadd.bf16 v27, v56;
	v27 =	vadd.s32 $0x1C07, v1;
	[tilespmem:s0+$0x6100] =	vst v57;
	s8 =	rddreg [dreg:$0x4];
	v20 =	vld.idx.msk [tilespmem:v20+s17+$0x0], $0xffff  }
0xbd: {  	v23 =	vadd.bf16 v30, v23;
	v26 =	vld.idx.msk [tilespmem:v25+s2+$0x0], $0xffff;
	[tilespmem:s8+$0x0] =	vst v54;
	v58 =	vunpack.i.u.bf16.f32 v21;
	v21 =	vunpack.i.l.bf16.f32 v21  }
0xbe: {  	v30 =	vadd.s32 $0x1405, v5;
	v29 =	vunpack.i.u.bf16.f32 v24;
	v24 =	vunpack.i.l.bf16.f32 v24;
	v31 =	vld.idx.msk [tilespmem:v31+s17+$0x0], $0xffff;
	[tilespmem:s30+$0x0] =	vst v21  }
0xbf: {  	v59 =	vadd.s32 $0x1405, v4;
	s0 =	sadd.s32 $0xA100, s23;
	v25 =	vld.idx.msk [tilespmem:v39+s17+$0x0], $0xffff;
	[tilespmem:s28+$0x0] =	vst v24  }
0xc0: {  	s9 =	sor.u32 s19, s0;
	v18 =	vadd.bf16 v22, v18;
	v22 =	vunpack.i.l.bf16.f32 v23;
	v24 =	vld.idx.msk [tilespmem:v40+s2+$0x0], $0xffff;
	[tilespmem:s5+$0x0] =	vst v29;
	s5 =	sadd.s32 $0xA180, s23  }
0xc1: {  	s10 =	sadd.s32 $0x40, s10;
	v21 =	vunpack.i.u.bf16.f32 v23;
	[tilespmem:s9+$0x0] =	vst v22;
	v28 =	vld.idx.msk [tilespmem:v28+s2+$0x0], $0xffff;
	s12 =	sor.u32 s19, s5  }
0xc2: {  	s4 =	sand.u32 $0x40, s10;
	s13 =	sor.u32 s18, s0;
	v22 =	vunpack.i.u.bf16.f32 v18;
	v18 =	vunpack.i.l.bf16.f32 v18;
	v27 =	vld.idx.msk [tilespmem:v27+s17+$0x0], $0xffff;
	[tilespmem:s12+$0x0] =	vst v21  }
0xc3: {  	s15 =	sand.u32 $0x780, s10;
	s22 =	sor.u32 $0x30, s4;
	s14 =	sor.u32 s18, s5;
	[tilespmem:s13+$0x0] =	vst v18;
	v18 =	vld.idx.msk [tilespmem:v30+s2+$0x0], $0xffff  }
0xc4: {  	s26 =	sor.u32 s15, s22;
	[tilespmem:s14+$0x0] =	vst v22;
	v22 =	vld.idx.msk [tilespmem:v59+s17+$0x0], $0xffff  }
0xc5: {  	s7 =	smov.u32 s21;
	s21 =	sor.u32 $0x10, s4;
	v23 =	vld [tilespmem:s26+$0x4100]  }
0xc6: {  	s25 =	sor.u32 s15, s21;
	v19 =	vadd.bf16 v20, v19;
	v20 =	vadd.bf16 v31, v26;
	v31 =	vld [tilespmem:s26+$0x5100]  }
0xc7: {  	s9 =	rddreg [dreg:$0xd];
	v38 =	vld [tilespmem:s25+$0x4100]  }
0xc8: {  	s1 =	sor.u32 s3, s0;
	s0 =	sor.u32 s31, s0;
	[tilespmem:s9+$0x0] =	vst v58;
	v30 =	vld.idx.msk [tilespmem:v17+s2+$0x0], $0xffff;
	v21 =	vunpack.i.u.bf16.f32 v19;
	v19 =	vunpack.i.l.bf16.f32 v19  }
0xc9: {  	s24 =	sor.u32 $0x20, s4;
	s6 =	sor.u32 s3, s5;
	s5 =	sor.u32 s31, s5;
	v43 =	vld.idx.msk [tilespmem:v16+s17+$0x0], $0xffff;
	[tilespmem:s0+$0x0] =	vst v19  }
0xca: {  	s28 =	sor.u32 s15, s24;
	[tilespmem:s5+$0x0] =	vst v21;
	v21 =	vld [tilespmem:s25+$0x5100];
	v18 =	vadd.bf16 v22, v18;
	v22 =	vadd.s32 $0x1806, v5  }
0xcb: {  	s12 =	sadd.s32 $0xA200, s23;
	v17 =	vadd.s32 $0x1806, v4;
	v26 =	vunpack.i.u.bf16.f32 v20;
	v20 =	vunpack.i.l.bf16.f32 v20;
	v36 =	vld [tilespmem:s28+$0x4100]  }
0xcc: {  	v1 =	vmov v3;
	s15 =	sadd.s32 $0xA280, s23;
	v19 =	vadd.bf16 v27, v28;
	[tilespmem:s1+$0x0] =	vst v20;
	s25 =	sor.u32 s19, s12;
	v37 =	vld [tilespmem:s28+$0x5100];
	v16 =	vunpack.i.l.bf16.f32 v18  }
0xcd: {  	v0 =	vmovc v2;
	v2 =	vmov v40;
	v41 =	vadd.s32 $0x1405, v1;
	s9 =	sor.u32 s19, s15;
	v18 =	vunpack.i.u.bf16.f32 v18;
	v60 =	vld.idx.msk [tilespmem:v23+s2+$0x0], $0xffff;
	[tilespmem:s25+$0x0] =	vst v16  }
0xce: {  	v3 =	vmovc v39;
	v39 =	vadd.s32 $0x401, v2;
	v40 =	vadd.s32 $0x1405, v0;
	v20 =	vunpack.i.u.bf16.f32 v19;
	v61 =	vld.idx.msk [tilespmem:v31+s17+$0x0], $0xffff;
	[tilespmem:s9+$0x0] =	vst v18  }
0xcf: {  	v19 =	vunpack.i.l.bf16.f32 v19;
	v42 =	vadd.s32 $0x401, v38;
	v30 =	vadd.bf16 v43, v30;
	v49 =	vld.idx.msk [tilespmem:v22+s2+$0x0], $0xffff  }
0xd0: {  	[tilespmem:s6+$0x0] =	vst v26;
	v32 =	vadd.s32 $0x802, v38;
	v26 =	vadd.s32 $0xC03, v38;
	v54 =	vadd.s32 $0x1806, v38;
	v50 =	vld.idx.msk [tilespmem:v17+s17+$0x0], $0xffff  }
0xd1: {  	s11 =	sadd.s32 $0x200, s11;
	s13 =	sor.u32 s3, s15;
	s14 =	rddreg [dreg:$0xa];
	v47 =	vadd.s32 $0x401, v23;
	v58 =	vadd.s32 $0x401, v31;
	v59 =	vunpack.i.u.bf16.f32 v30;
	v51 =	vld.idx.msk [tilespmem:v38+s2+$0x0], $0xffff  }
0xd2: {  	s26 =	sor.u32 s18, s12;
	s5 =	sor.u32 s31, s12;
	[tilespmem:s7+$0x0] =	vst v19;
	s7 =	sor.u32 s18, s15;
	v30 =	vunpack.i.l.bf16.f32 v30;
	v44 =	vadd.s32 $0x401, v21;
	v33 =	vadd.s32 $0x802, v21;
	v52 =	vld.idx.msk [tilespmem:v21+s17+$0x0], $0xffff  }
0xd3: {  	[tilespmem:s14+$0x0] =	vst v20;
	s14 =	sor.u32 s3, s12;
	s12 =	sor.u32 s31, s15;
	s15 =	sand.u32 $0x3C00, s11;
	v27 =	vadd.s32 $0xC03, v21;
	v16 =	vadd.s32 $0x1405, v21;
	v55 =	vld.idx.msk [tilespmem:v36+s2+$0x0], $0xffff;
	v45 =	vadd.bf16 v61, v60  }
0xd4: {  	v57 =	vadd.s32 $0x1806, v21;
	s25 =	smov.u32 s15;
	s1 =	sadd.s32 $0x6100, s15;
	v46 =	vadd.s32 $0x401, v36;
	v53 =	vadd.s32 $0x1405, v36;
	v43 =	vld.idx.msk [tilespmem:v37+s17+$0x0], $0xffff  }
0xd5: {  	v18 =	vadd.s32 $0x1004, v38;
	s0 =	sor.u32 s4, s1;
	s15 =	sor.u32 s21, s1;
	s28 =	sor.u32 s22, s1;
	[tilespmem:s26+$0x0] =	vst v30;
	v60 =	vld.idx.msk [tilespmem:v14+s2+$0x0], $0xffff;
	v14 =	vmovc v53;
	v49 =	vadd.bf16 v50, v49;
	v53 =	vunpack.i.l.bf16.f32 v45  }
0xd6: {  	v40 =	vld.idx.msk [tilespmem:v40+s2+$0x0], $0xffff;
	v56 =	vadd.s32 $0x1405, v37;
	s26 =	smov.u32 s24;
	s24 =	sor.u32 s24, s1;
	s1 =	sadd.s32 $0xA300, s23;
	v50 =	vadd.s32 $0x1C07, v5;
	v5 =	vmovc v23;
	v23 =	vunpack.i.u.bf16.f32 v45;
	[tilespmem:s28+$0x0] =	vst v53  }
0xd7: {  	s8 =	smov.u32 s21;
	s21 =	sadd.s32 $0xA380, s23;
	v17 =	vadd.s32 $0x1405, v38;
	s6 =	sor.u32 s19, s1;
	v61 =	vld.idx.msk [tilespmem:v15+s17+$0x0], $0xffff;
	v51 =	vadd.bf16 v52, v51;
	[tilespmem:s28+$0x80] =	vst v23;
	v62 =	vunpack.i.l.bf16.f32 v49  }
0xd8: {  	s30 =	sor.u32 s19, s21;
	v45 =	vadd.s32 $0x1C07, v4;
	v23 =	vadd.s32 $0x1C07, v38;
	v63 =	vunpack.i.u.bf16.f32 v49;
	v38 =	vld.idx.msk [tilespmem:v47+s2+$0x0], $0xffff;
	[tilespmem:s6+$0x0] =	vst v62  }
0xd9: {  	v34 =	vadd.s32 $0x802, v36;
	v15 =	vmovc v56;
	v56 =	vunpack.i.u.bf16.f32 v51;
	v51 =	vunpack.i.l.bf16.f32 v51;
	v52 =	vld.idx.msk [tilespmem:v58+s17+$0x0], $0xffff;
	[tilespmem:s30+$0x0] =	vst v63  }
0xda: {  	v41 =	vld.idx.msk [tilespmem:v41+s17+$0x0], $0xffff;
	v48 =	vadd.s32 $0x401, v37;
	v35 =	vadd.s32 $0x802, v37;
	v43 =	vadd.bf16 v43, v55;
	[tilespmem:s15+$0x0] =	vst v51  }
0xdb: {  	v29 =	vadd.s32 $0xC03, v36;
	v28 =	vadd.s32 $0xC03, v37;
	v19 =	vadd.s32 $0x1004, v36;
	[tilespmem:s15+$0x80] =	vst v56;
	v50 =	vld.idx.msk [tilespmem:v50+s2+$0x0], $0xffff  }
0xdc: {  	v20 =	vadd.s32 $0x1004, v37;
	v30 =	vadd.s32 $0x1806, v36;
	v58 =	vunpack.i.l.bf16.f32 v43;
	v42 =	vld.idx.msk [tilespmem:v42+s2+$0x0], $0xffff  }
0xdd: {  	v47 =	vadd.bf16 v25, v24;
	v24 =	vadd.s32 $0x1C07, v36;
	v36 =	vunpack.i.u.bf16.f32 v43;
	[tilespmem:s24+$0x0] =	vst v58;
	v49 =	vld.idx.msk [tilespmem:v45+s17+$0x0], $0xffff  }
0xde: {  	s16 =	sadd.s32 $0x4, s16;
	v22 =	vadd.s32 $0x1004, v21;
	v21 =	vadd.s32 $0x1C07, v21;
	v56 =	vadd.s32 $0x401, v3;
	v58 =	vld.idx.msk [tilespmem:v44+s17+$0x0], $0xffff;
	[tilespmem:s24+$0x80] =	vst v36  }
0xdf: {  	p2 =	slt.u32 s16, $0x7C;
	s9 =	smov.u32 s22;
	s22 =	sor.u32 s3, s1;
	v40 =	vadd.bf16 v41, v40;
	v62 =	vadd.bf16 v61, v60;
	v63 =	vunpack.i.l.bf16.f32 v47;
	[tilespmem:s7+$0x0] =	vst v59;
	v43 =	vld.idx.msk [tilespmem:v46+s2+$0x0], $0xffff  }
.Ltmp2:
0xe0: {  	[dreg:$0x5] =	wrdreg s22;
	s22 =	sor.u32 s3, s21;
	v4 =	vmovc v31;
	v31 =	vadd.s32 $0x1806, v37;
	v61 =	vunpack.i.u.bf16.f32 v47;
	[tilespmem:s0+$0x0] =	vst v63;
	v45 =	vld.idx.msk [tilespmem:v48+s17+$0x0], $0xffff;
	v52 =	vadd.bf16 v52, v38;
	(pc) =	sbr.rel @p2 .LBB2_3-.Ltmp2, $4  }
0xe1: {  	s29 =	sadd.s32 $0x40, s29;
	s20 =	sadd.s32 $0x40, s20;
	[dreg:$0x4] =	wrdreg s22;
	v25 =	vadd.s32 $0x1C07, v37;
	v36 =	vunpack.i.u.bf16.f32 v40;
	v60 =	vunpack.i.l.bf16.f32 v62;
	[tilespmem:s0+$0x80] =	vst v61;
	v41 =	vld.idx.msk [tilespmem:v10+s2+$0x0], $0xffff  }
0xe2: {  	s22 =	sor.u32 s18, s1;
	s6 =	sor.u32 s18, s21;
	s21 =	sor.u32 s31, s21;
	v37 =	vunpack.i.u.bf16.f32 v62;
	v44 =	vld.idx.msk [tilespmem:v39+s2+$0x0], $0xffff;
	[tilespmem:s5+$0x0] =	vst v60;
	v62 =	vunpack.i.l.bf16.f32 v52;
	v47 =	vadd.bf16 v49, v50  }
0xe3: {  	s1 =	sor.u32 s31, s1;
	[dreg:$0x7] =	wrdreg s21;
	s30 =	sadd.s32 $0xA400, s23;
	v48 =	vadd.s32 $0x802, v5;
	v10 =	vmovc v54;
	v38 =	vunpack.i.l.bf16.f32 v40;
	v46 =	vld.idx.msk [tilespmem:v56+s17+$0x0], $0xffff;
	v63 =	vunpack.i.u.bf16.f32 v52;
	[tilespmem:s28+$0x100] =	vst v62  }
0xe4: {  	s21 =	sor.u32 s3, s30;
	s7 =	sadd.s32 $0xA480, s23;
	s5 =	sor.u32 s19, s30;
	v49 =	vadd.s32 $0x802, v4;
	v50 =	vadd.bf16 v58, v42;
	v42 =	vld.idx.msk [tilespmem:v11+s17+$0x0], $0xffff;
	v11 =	vmovc v57;
	[tilespmem:s28+$0x180] =	vst v63;
	v39 =	vunpack.i.l.bf16.f32 v47  }
0xe5: {  	_ =	sdelay $0x2  }
0xe6: {  	v43 =	vadd.bf16 v45, v43;
	v40 =	vunpack.i.l.bf16.f32 v50  }
0xe7: {  	v59 =	vld.idx.msk [tilespmem:v48+s2+$0x0], $0xffff;
	v58 =	vunpack.i.u.bf16.f32 v50;
	[tilespmem:s15+$0x100] =	vst v40  }
0xe8: {  	v60 =	vadd.s32 $0x802, v2;
	v62 =	vld.idx.msk [tilespmem:v49+s17+$0x0], $0xffff;
	[tilespmem:s15+$0x180] =	vst v58;
	v61 =	vunpack.i.l.bf16.f32 v43;
	v44 =	vadd.bf16 v46, v44  }
0xe9: {  	v63 =	vadd.s32 $0x802, v3;
	v43 =	vunpack.i.u.bf16.f32 v43;
	v32 =	vld.idx.msk [tilespmem:v32+s2+$0x0], $0xffff;
	[tilespmem:s24+$0x100] =	vst v61  }
0xea: {  	p0 =	por !p0, !p0;
	s10 =	simm.s32 $0x1;
	v33 =	vld.idx.msk [tilespmem:v33+s17+$0x0], $0xffff;
	[tilespmem:s24+$0x180] =	vst v43;
	v52 =	vunpack.i.l.bf16.f32 v44  }
0xeb: {  	s10 =	simm.s32 @!p0 $0x0;
	v34 =	vld.idx.msk [tilespmem:v34+s2+$0x0], $0xffff;
	v53 =	vunpack.i.u.bf16.f32 v44;
	[tilespmem:s0+$0x100] =	vst v52  }
0xec: {  	s20 =	sshll.u32 s10, $0x6;
	v35 =	vld.idx.msk [tilespmem:v35+s17+$0x0], $0xffff;
	[tilespmem:s0+$0x180] =	vst v53  }
0xed: {  	v54 =	vadd.s32 $0xC03, v5;
	v40 =	vadd.bf16 v62, v59;
	s0 =	sadd.s32 s20, s11;
	v43 =	vld.idx.msk [tilespmem:v60+s2+$0x0], $0xffff  }
0xee: {  	v55 =	vunpack.i.u.bf16.f32 v47;
	[tilespmem:s5+$0x0] =	vst v39;
	s23 =	sor.u32 s19, s7;
	v57 =	vadd.s32 $0xC03, v4;
	v56 =	vld.idx.msk [tilespmem:v63+s17+$0x0], $0xffff;
	s10 =	sadd.s32 $0x30, s0  }
0xef: {  	[tilespmem:s23+$0x0] =	vst v55;
	v58 =	vunpack.i.l.bf16.f32 v40;
	v32 =	vadd.bf16 v33, v32;
	s24 =	sor.u32 $0x200, s10  }
0xf0: {  	s11 =	sadd.s32 $0x10, s0;
	v40 =	vunpack.i.u.bf16.f32 v40;
	s15 =	sor.u32 $0x280, s10;
	[tilespmem:s24+$0x6100] =	vst v58  }
0xf1: {  	s16 =	sor.u32 $0x200, s11;
	v34 =	vadd.bf16 v35, v34;
	v59 =	vunpack.i.l.bf16.f32 v32;
	[tilespmem:s15+$0x6100] =	vst v40  }
0xf2: {  	s5 =	sadd.s32 $0x20, s0;
	s19 =	sor.u32 $0x280, s11;
	v32 =	vunpack.i.u.bf16.f32 v32;
	[tilespmem:s16+$0x6100] =	vst v59;
	v60 =	vld.idx.msk [tilespmem:v54+s2+$0x0], $0xffff  }
0xf3: {  	v61 =	vadd.s32 $0xC03, v2;
	s20 =	sor.u32 $0x200, s5;
	v63 =	vunpack.i.l.bf16.f32 v34;
	v40 =	vld.idx.msk [tilespmem:v57+s17+$0x0], $0xffff;
	[tilespmem:s19+$0x6100] =	vst v32;
	v62 =	vadd.bf16 v56, v43  }
0xf4: {  	v44 =	vadd.s32 $0xC03, v3;
	s23 =	sor.u32 $0x280, s5;
	v34 =	vunpack.i.u.bf16.f32 v34;
	[tilespmem:s20+$0x6100] =	vst v63;
	v26 =	vld.idx.msk [tilespmem:v26+s2+$0x0], $0xffff  }
0xf5: {  	s24 =	sor.u32 $0x200, s0;
	[tilespmem:s23+$0x6100] =	vst v34;
	v27 =	vld.idx.msk [tilespmem:v27+s17+$0x0], $0xffff;
	v45 =	vunpack.i.l.bf16.f32 v62  }
0xf6: {  	s16 =	sor.u32 $0x280, s0;
	v46 =	vunpack.i.u.bf16.f32 v62;
	v29 =	vld.idx.msk [tilespmem:v29+s2+$0x0], $0xffff;
	[tilespmem:s24+$0x6100] =	vst v45  }
0xf7: {  	v28 =	vld.idx.msk [tilespmem:v28+s17+$0x0], $0xffff;
	[tilespmem:s16+$0x6100] =	vst v46  }
0xf8: {  	[tilespmem:s12+$0x0] =	vst v37;
	v47 =	vadd.s32 $0x1004, v5;
	v33 =	vadd.bf16 v40, v60;
	v32 =	vld.idx.msk [tilespmem:v61+s2+$0x0], $0xffff  }
0xf9: {  	[tilespmem:s14+$0x0] =	vst v38;
	v49 =	vadd.s32 $0x1004, v4;
	v48 =	vld.idx.msk [tilespmem:v44+s17+$0x0], $0xffff  }
0xfa: {  	[tilespmem:s13+$0x0] =	vst v36;
	s19 =	sor.u32 $0x300, s10;
	v26 =	vadd.bf16 v27, v26;
	v27 =	vunpack.i.l.bf16.f32 v33  }
0xfb: {  	v13 =	vld.idx.msk [tilespmem:v13+s2+$0x0], $0xffff;
	s10 =	sor.u32 $0x380, s10;
	v33 =	vunpack.i.u.bf16.f32 v33;
	[tilespmem:s19+$0x6100] =	vst v27  }
0xfc: {  	v12 =	vld.idx.msk [tilespmem:v12+s17+$0x0], $0xffff;
	s20 =	sor.u32 $0x300, s11;
	v28 =	vadd.bf16 v28, v29;
	v27 =	vunpack.i.l.bf16.f32 v26;
	[tilespmem:s10+$0x6100] =	vst v33  }
0xfd: {  	s23 =	sor.u32 $0x380, s11;
	v26 =	vunpack.i.u.bf16.f32 v26;
	[tilespmem:s20+$0x6100] =	vst v27;
	v27 =	vld.idx.msk [tilespmem:v47+s2+$0x0], $0xffff  }
0xfe: {  	s24 =	sor.u32 $0x300, s5;
	v29 =	vadd.s32 $0x1004, v2;
	v33 =	vld.idx.msk [tilespmem:v49+s17+$0x0], $0xffff;
	v32 =	vadd.bf16 v48, v32;
	[tilespmem:s23+$0x6100] =	vst v26;
	v26 =	vunpack.i.l.bf16.f32 v28  }
0xff: {  	v50 =	vadd.s32 $0x1004, v3;
	s5 =	sor.u32 $0x380, s5;
	v28 =	vunpack.i.u.bf16.f32 v28;
	v18 =	vld.idx.msk [tilespmem:v18+s2+$0x0], $0xffff;
	[tilespmem:s24+$0x6100] =	vst v26  }
0x100: {  	s12 =	sor.u32 $0x300, s0;
	v26 =	vadd.bf16 v42, v41;
	v22 =	vld.idx.msk [tilespmem:v22+s17+$0x0], $0xffff;
	v52 =	vunpack.i.l.bf16.f32 v32;
	[tilespmem:s5+$0x6100] =	vst v28  }
0x101: {  	s0 =	sor.u32 $0x380, s0;
	v32 =	vunpack.i.u.bf16.f32 v32;
	[tilespmem:s12+$0x6100] =	vst v52;
	v19 =	vld.idx.msk [tilespmem:v19+s2+$0x0], $0xffff  }
0x102: {  	v12 =	vadd.bf16 v12, v13;
	v53 =	vunpack.i.l.bf16.f32 v26;
	v13 =	vld.idx.msk [tilespmem:v20+s17+$0x0], $0xffff;
	[tilespmem:s0+$0x6100] =	vst v32  }
0x103: {  	v51 =	vadd.s32 $0x1806, v0;
	v20 =	vunpack.i.u.bf16.f32 v26;
	[tilespmem:s22+$0x0] =	vst v53;
	v27 =	vadd.bf16 v33, v27;
	v26 =	vld.idx.msk [tilespmem:v29+s2+$0x0], $0xffff  }
0x104: {  	s13 =	sadd.s32 $0xA100, s25;
	v54 =	vunpack.i.l.bf16.f32 v12;
	v28 =	vadd.s32 $0x1806, v1;
	[tilespmem:s6+$0x0] =	vst v20;
	v20 =	vld.idx.msk [tilespmem:v50+s17+$0x0], $0xffff  }
0x105: {  	s14 =	sadd.s32 $0xA180, s25;
	s15 =	sor.u32 s9, s13;
	[tilespmem:s1+$0x0] =	vst v54;
	v18 =	vadd.bf16 v22, v18;
	v22 =	vunpack.i.l.bf16.f32 v27  }
0x106: {  	v55 =	vadd.s32 $0x1405, v4;
	s16 =	sor.u32 s9, s14;
	v27 =	vunpack.i.u.bf16.f32 v27;
	[tilespmem:s15+$0x0] =	vst v22  }
0x107: {  	s19 =	sor.u32 s8, s13;
	v29 =	vadd.s32 $0x1405, v5;
	v22 =	vunpack.i.l.bf16.f32 v18;
	v13 =	vadd.bf16 v13, v19;
	[tilespmem:s16+$0x0] =	vst v27  }
0x108: {  	v56 =	vld.idx.msk [tilespmem:v51+s2+$0x0], $0xffff;
	s20 =	sor.u32 s8, s14;
	v18 =	vunpack.i.u.bf16.f32 v18;
	[tilespmem:s19+$0x0] =	vst v22  }
0x109: {  	s22 =	sor.u32 s26, s13;
	v28 =	vld.idx.msk [tilespmem:v28+s17+$0x0], $0xffff;
	v20 =	vadd.bf16 v20, v26;
	[tilespmem:s20+$0x0] =	vst v18;
	v18 =	vunpack.i.l.bf16.f32 v13  }
0x10a: {  	s23 =	sor.u32 s26, s14;
	v9 =	vld.idx.msk [tilespmem:v9+s2+$0x0], $0xffff;
	v13 =	vunpack.i.u.bf16.f32 v13;
	[tilespmem:s22+$0x0] =	vst v18  }
0x10b: {  	s0 =	sor.u32 s4, s13;
	v22 =	vld.idx.msk [tilespmem:v55+s17+$0x0], $0xffff;
	v27 =	vunpack.i.l.bf16.f32 v20;
	[tilespmem:s23+$0x0] =	vst v13  }
0x10c: {  	s1 =	sor.u32 s4, s14;
	v19 =	vld.idx.msk [tilespmem:v29+s2+$0x0], $0xffff;
	v26 =	vadd.s32 $0x1405, v2;
	v20 =	vunpack.i.u.bf16.f32 v20;
	[tilespmem:s0+$0x0] =	vst v27  }
0x10d: {  	v18 =	vadd.s32 $0x1405, v3;
	v17 =	vld.idx.msk [tilespmem:v17+s2+$0x0], $0xffff;
	[tilespmem:s1+$0x0] =	vst v20  }
0x10e: {  	v12 =	vunpack.i.u.bf16.f32 v12;
	v13 =	vld.idx.msk [tilespmem:v16+s17+$0x0], $0xffff;
	v16 =	vadd.bf16 v28, v56;
	s0 =	rddreg [dreg:$0x7]  }
0x10f: {  	v14 =	vld.idx.msk [tilespmem:v14+s2+$0x0], $0xffff;
	[tilespmem:s0+$0x0] =	vst v12  }
0x110: {  	v15 =	vld.idx.msk [tilespmem:v15+s17+$0x0], $0xffff;
	v20 =	vunpack.i.l.bf16.f32 v16;
	s0 =	rddreg [dreg:$0x5]  }
0x111: {  	v12 =	vadd.bf16 v22, v19;
	v19 =	vadd.s32 $0x1806, v5;
	v22 =	vld.idx.msk [tilespmem:v26+s2+$0x0], $0xffff;
	[tilespmem:s0+$0x0] =	vst v20  }
0x112: {  	s24 =	sadd.s32 $0xA200, s25;
	v16 =	vunpack.i.u.bf16.f32 v16;
	v18 =	vld.idx.msk [tilespmem:v18+s17+$0x0], $0xffff;
	v20 =	vadd.s32 $0x1806, v4;
	s1 =	rddreg [dreg:$0x4]  }
0x113: {  	s10 =	sadd.s32 $0xA280, s25;
	s11 =	sor.u32 s9, s24;
	v6 =	vld.idx.msk [tilespmem:v6+s17+$0x0], $0xffff;
	v13 =	vadd.bf16 v13, v17;
	[tilespmem:s1+$0x0] =	vst v16;
	v16 =	vunpack.i.l.bf16.f32 v12  }
0x114: {  	s12 =	sor.u32 s9, s10;
	v7 =	vld.idx.msk [tilespmem:v7+s2+$0x0], $0xffff;
	v12 =	vunpack.i.u.bf16.f32 v12;
	[tilespmem:s11+$0x0] =	vst v16  }
0x115: {  	s13 =	sor.u32 s8, s24;
	v8 =	vld.idx.msk [tilespmem:v8+s17+$0x0], $0xffff;
	v14 =	vadd.bf16 v15, v14;
	[tilespmem:s12+$0x0] =	vst v12;
	v12 =	vunpack.i.l.bf16.f32 v13  }
0x116: {  	s14 =	sor.u32 s8, s10;
	v13 =	vunpack.i.u.bf16.f32 v13;
	v15 =	vld.idx.msk [tilespmem:v19+s2+$0x0], $0xffff;
	[tilespmem:s13+$0x0] =	vst v12  }
0x117: {  	s15 =	sor.u32 s26, s24;
	v17 =	vunpack.i.l.bf16.f32 v14;
	v16 =	vadd.bf16 v18, v22;
	v12 =	vld.idx.msk [tilespmem:v20+s17+$0x0], $0xffff;
	[tilespmem:s14+$0x0] =	vst v13  }
0x118: {  	s16 =	sor.u32 s26, s10;
	v6 =	vadd.bf16 v6, v9;
	v14 =	vunpack.i.u.bf16.f32 v14;
	[tilespmem:s15+$0x0] =	vst v17;
	v17 =	vadd.s32 $0x1806, v3;
	v10 =	vld.idx.msk [tilespmem:v10+s2+$0x0], $0xffff  }
0x119: {  	v0 =	vadd.s32 $0x1C07, v0;
	s0 =	sor.u32 s4, s24;
	[tilespmem:s16+$0x0] =	vst v14;
	v9 =	vunpack.i.l.bf16.f32 v16;
	v13 =	vadd.s32 $0x1806, v2;
	v11 =	vld.idx.msk [tilespmem:v11+s17+$0x0], $0xffff  }
0x11a: {  	s19 =	sor.u32 s18, s30;
	v7 =	vadd.bf16 v8, v7;
	v14 =	vunpack.i.u.bf16.f32 v16;
	v16 =	vunpack.i.l.bf16.f32 v6;
	v8 =	vld.idx.msk [tilespmem:v31+s17+$0x0], $0xffff;
	[tilespmem:s0+$0x0] =	vst v9  }
0x11b: {  	v1 =	vadd.s32 $0x1C07, v1;
	s1 =	sor.u32 s4, s10;
	v9 =	vld.idx.msk [tilespmem:v30+s2+$0x0], $0xffff;
	[tilespmem:s19+$0x0] =	vst v16  }
0x11c: {  	s20 =	sor.u32 s18, s7;
	v5 =	vadd.s32 $0x1C07, v5;
	v6 =	vunpack.i.u.bf16.f32 v6;
	[tilespmem:s1+$0x0] =	vst v14;
	v12 =	vadd.bf16 v12, v15  }
0x11d: {  	s22 =	sor.u32 s31, s30;
	s23 =	sadd.s32 $0xA300, s25;
	v4 =	vadd.s32 $0x1C07, v4;
	[tilespmem:s20+$0x0] =	vst v6;
	v6 =	vunpack.i.l.bf16.f32 v7;
	v14 =	vld.idx.msk [tilespmem:v17+s17+$0x0], $0xffff  }
0x11e: {  	s24 =	sadd.s32 $0xA380, s25;
	s10 =	sor.u32 s9, s23;
	[tilespmem:s22+$0x0] =	vst v6;
	v13 =	vld.idx.msk [tilespmem:v13+s2+$0x0], $0xffff;
	v6 =	vunpack.i.l.bf16.f32 v12;
	v10 =	vadd.bf16 v11, v10  }
0x11f: {  	v0 =	vld.idx.msk [tilespmem:v0+s2+$0x0], $0xffff;
	s11 =	sor.u32 s9, s24;
	v11 =	vunpack.i.u.bf16.f32 v12;
	[tilespmem:s10+$0x0] =	vst v6  }
0x120: {  	v1 =	vld.idx.msk [tilespmem:v1+s17+$0x0], $0xffff;
	s12 =	sor.u32 s8, s23;
	v8 =	vadd.bf16 v8, v9;
	[tilespmem:s11+$0x0] =	vst v11;
	v6 =	vunpack.i.l.bf16.f32 v10  }
0x121: {  	s13 =	sor.u32 s8, s24;
	v9 =	vunpack.i.u.bf16.f32 v10;
	v5 =	vld.idx.msk [tilespmem:v5+s2+$0x0], $0xffff;
	[tilespmem:s12+$0x0] =	vst v6  }
0x122: {  	s14 =	sor.u32 s26, s23;
	v10 =	vunpack.i.l.bf16.f32 v8;
	v4 =	vld.idx.msk [tilespmem:v4+s17+$0x0], $0xffff;
	[tilespmem:s13+$0x0] =	vst v9  }
0x123: {  	s15 =	sor.u32 s26, s24;
	v2 =	vadd.s32 $0x1C07, v2;
	v8 =	vunpack.i.u.bf16.f32 v8;
	[tilespmem:s14+$0x0] =	vst v10;
	v6 =	vadd.bf16 v14, v13;
	v9 =	vld.idx.msk [tilespmem:v23+s2+$0x0], $0xffff  }
0x124: {  	v3 =	vadd.s32 $0x1C07, v3;
	s16 =	sor.u32 s31, s7;
	v7 =	vunpack.i.u.bf16.f32 v7;
	[tilespmem:s15+$0x0] =	vst v8;
	v8 =	vld.idx.msk [tilespmem:v21+s17+$0x0], $0xffff  }
0x125: {  	s1 =	sor.u32 s4, s23;
	v0 =	vadd.bf16 v1, v0;
	[tilespmem:s16+$0x0] =	vst v7;
	v10 =	vunpack.i.l.bf16.f32 v6;
	v1 =	vunpack.i.u.bf16.f32 v6;
	v6 =	vld.idx.msk [tilespmem:v24+s2+$0x0], $0xffff  }
0x126: {  	s0 =	sor.u32 s4, s24;
	[tilespmem:s1+$0x0] =	vst v10;
	v10 =	vld.idx.msk [tilespmem:v25+s17+$0x0], $0xffff  }
0x127: {  	[tilespmem:s0+$0x0] =	vst v1;
	v1 =	vunpack.i.l.bf16.f32 v0;
	v4 =	vadd.bf16 v4, v5  }
0x128: {  	s18 =	sor.u32 s3, s7;
	s19 =	sadd.s32 $0xA400, s25;
	v0 =	vunpack.i.u.bf16.f32 v0;
	v2 =	vld.idx.msk [tilespmem:v2+s2+$0x0], $0xffff;
	[tilespmem:s21+$0x0] =	vst v1  }
0x129: {  	s20 =	sadd.s32 $0xA480, s25;
	v1 =	vld.idx.msk [tilespmem:v3+s17+$0x0], $0xffff;
	s21 =	sor.u32 s9, s19;
	[tilespmem:s18+$0x0] =	vst v0;
	v0 =	vunpack.i.l.bf16.f32 v4;
	v3 =	vadd.bf16 v8, v9  }
0x12a: {  	s22 =	sor.u32 s9, s20;
	v4 =	vunpack.i.u.bf16.f32 v4;
	[tilespmem:s21+$0x0] =	vst v0  }
0x12b: {  	s23 =	sor.u32 s8, s19;
	[tilespmem:s22+$0x0] =	vst v4;
	v0 =	vunpack.i.l.bf16.f32 v3;
	v4 =	vadd.bf16 v10, v6  }
0x12c: {  	s24 =	sor.u32 s8, s20;
	v3 =	vunpack.i.u.bf16.f32 v3;
	[tilespmem:s23+$0x0] =	vst v0  }
0x12d: {  	s25 =	sor.u32 s26, s19;
	[tilespmem:s24+$0x0] =	vst v3;
	v0 =	vunpack.i.l.bf16.f32 v4  }
0x12e: {  	s26 =	sor.u32 s26, s20;
	v1 =	vadd.bf16 v1, v2;
	v2 =	vunpack.i.u.bf16.f32 v4;
	[tilespmem:s25+$0x0] =	vst v0  }
0x12f: {  	[tilespmem:s26+$0x0] =	vst v2  }
0x130: {  	s3 =	rddreg [dreg:$0x16]  }
0x131: {  	s14 =	rddreg [dreg:$0x1c]  }
0x132: {  	s1 =	sor.u32 s4, s19;
	v0 =	vunpack.i.l.bf16.f32 v1;
	s3 =	sadd.s32 s3, s14  }
0x133: {  	s6 =	rddreg [dreg:$0x1];
	s0 =	sor.u32 s4, s20;
	v1 =	vunpack.i.u.bf16.f32 v1;
	[tilespmem:s1+$0x0] =	vst v0;
	s5 =	sshll.u32 s3, $0xC  }
0x134: {  	s7 =	simm.s32 $0x6100;
	[tilespmem:s0+$0x0] =	vst v1;
	s0 =	sadd.s32 s6, s5  }
0x135: {  	[hbm4b:s0+s2] =	stream.linear.scatter [tilespmem:s7], [sflag:$0x3], $0x8000, $0x38;
	[tilespmem:$0x16100] =	vst v63  }
0x136: {  	s0 =	rddreg [dreg:$0x1b]  }
0x137: {  	p0 =	seq.s32 s0, $0x1F  }
0x138: {  	s1 =	rddreg [dreg:$0x17];
	s0 =	sshll.u32 @!p0 s0, $0xC  }
0x139: {  	s0 =	sadd.s32 @!p0 s0, s1  }
0x13a: {  	s1 =	rddreg [dreg:$0x10];
	s0 =	sshrl.u32 @!p0 s0, $0x3  }
0x13b: {  	s3 =	simm.s32 @!p0 $0x0;
	s4 =	simm.s32 @!p0 $0x4100;
	s1 =	sadd.s32 @!p0 s1, s0  }
0x13c: {  	[tilespmem:s4], [sflag:$0x1] =	stream.linear.gather @!p0 [hbm4b:s1+s3], $0x800, $0x38;
	[tilespmem:$0x16100] =	vst v63  }
0x13d: {  	s1 =	rddreg [dreg:$0x11]  }
0x13e: {  	s8 =	simm.s32 $0x2;
	s0 =	sadd.s32 @!p0 s1, s0;
	s1 =	simm.s32 @!p0 $0x5100  }
0x13f: {  	[tilespmem:s1], [sflag:$0x1] =	stream.linear.gather @!p0 [hbm4b:s0+s3], $0x800, $0x38;
	[tilespmem:$0x16100] =	vst v63  }
0x140: {  	_ =	swait.ge [sflag:s8], $0x800  }
0x141: {  	[sflag:s8] =	ssyncset.done $0x0  }
0x142: {  	[sflag:s8] =	ssyncadd.s32 $0xFFFFF800  }
0x143: {  	_ =	swait.ge [sflag:s8], $0x800  }
0x144: {  	[sflag:s8] =	ssyncset.done $0x0  }
0x145: {  	s9 =	simm.s32 $0x0;
	s0 =	simm.s32 @!p1 $0x4;
	[sflag:s8] =	ssyncadd.s32 $0xFFFFF800  }
0x146: {  	s31 =	sand.u32 $0x40, s9;
	_ =	swait.ge @!p1 [sflag:s0], $0x8000  }
0x147: {  	s10 =	sand.u32 $0x780, s9;
	s19 =	sor.u32 $0x30, s31;
	[sflag:s0] =	ssyncset.done @!p1 $0x0  }
0x148: {  	s11 =	sor.u32 s10, s19;
	[sflag:s0] =	ssyncadd.s32 @!p1 $0xFFFF8000  }
0x149: {  	v11 =	vld [tilespmem:s11+$0x4900]  }
0x14a: {  	s12 =	simm.s32 $0x4900;
	s18 =	sor.u32 $0x10, s31;
	v10 =	vld [tilespmem:s11+$0x5900]  }
0x14b: {  	s13 =	sor.u32 s10, s18;
	v0 =	vld [tilespmem:s12+$0x0]  }
0x14c: {  	s3 =	sor.u32 $0x20, s31;
	v6 =	vld [tilespmem:s13+$0x4900]  }
0x14d: {  	s4 =	sor.u32 s10, s3;
	v14 =	vld [tilespmem:s13+$0x5900]  }
0x14e: {  	v7 =	vld [tilespmem:s4+$0x4900]  }
0x14f: {  	s15 =	simm.s32 $0x5900;
	v8 =	vld [tilespmem:s4+$0x5900]  }
0x150: {  	v1 =	vld [tilespmem:s15+$0x0]  }
0x151: {  	v2 =	vld.idx.msk [tilespmem:v11+s2+$0x0], $0xffff  }
0x152: {  	v3 =	vld.idx.msk [tilespmem:v10+s17+$0x0], $0xffff;
	_ =	sdelay $0x1  }
0x153: {  	v4 =	vld.idx.msk [tilespmem:v6+s2+$0x0], $0xffff  }
0x154: {  	v5 =	vld.idx.msk [tilespmem:v14+s17+$0x0], $0xffff  }
0x155: {  	v9 =	vld.idx.msk [tilespmem:v7+s2+$0x0], $0xffff  }
0x156: {  	s21 =	sand.u32 $0x3C00, s9;
	v12 =	vld.idx.msk [tilespmem:v8+s17+$0x0], $0xffff;
	v2 =	vadd.bf16 v3, v2;
	v3 =	vadd.s32 $0x401, v11  }
0x157: {  	s16 =	sadd.s32 $0xE100, s21;
	v15 =	vadd.s32 $0x401, v10;
	v13 =	vld.idx.msk [tilespmem:v0+s2+$0x0], $0xffff  }
0x158: {  	s20 =	sor.u32 s19, s16;
	s1 =	sadd.s32 $0xE180, s21;
	v16 =	vld.idx.msk [tilespmem:v1+s17+$0x0], $0xffff;
	v17 =	vunpack.i.l.bf16.f32 v2  }
0x159: {  	s22 =	sor.u32 s19, s1;
	v18 =	vadd.s32 $0x401, v6;
	v4 =	vadd.bf16 v5, v4;
	v2 =	vunpack.i.u.bf16.f32 v2;
	[tilespmem:s20+$0x0] =	vst v17  }
0x15a: {  	v5 =	vadd.s32 $0x401, v14;
	[tilespmem:s22+$0x0] =	vst v2  }
0x15b: {  	s23 =	sor.u32 s18, s16;
	v9 =	vadd.bf16 v12, v9;
	v12 =	vadd.s32 $0x401, v8;
	v17 =	vunpack.i.l.bf16.f32 v4;
	v3 =	vld.idx.msk [tilespmem:v3+s2+$0x0], $0xffff  }
0x15c: {  	s24 =	sor.u32 s18, s1;
	v4 =	vunpack.i.u.bf16.f32 v4;
	v2 =	vadd.s32 $0x401, v7;
	[tilespmem:s23+$0x0] =	vst v17;
	v15 =	vld.idx.msk [tilespmem:v15+s17+$0x0], $0xffff  }
0x15d: {  	s25 =	sor.u32 s3, s16;
	v13 =	vadd.bf16 v16, v13;
	v17 =	vadd.s32 $0x401, v0;
	[tilespmem:s24+$0x0] =	vst v4;
	v4 =	vunpack.i.l.bf16.f32 v9  }
0x15e: {  	s26 =	sor.u32 s3, s1;
	v16 =	vadd.s32 $0x401, v1;
	v9 =	vunpack.i.u.bf16.f32 v9;
	v18 =	vld.idx.msk [tilespmem:v18+s2+$0x0], $0xffff;
	[tilespmem:s25+$0x0] =	vst v4  }
0x15f: {  	s0 =	sor.u32 s31, s16;
	v4 =	vunpack.i.l.bf16.f32 v13;
	v5 =	vld.idx.msk [tilespmem:v5+s17+$0x0], $0xffff;
	[tilespmem:s26+$0x0] =	vst v9  }
0x160: {  	s1 =	sor.u32 s31, s1;
	v9 =	vunpack.i.u.bf16.f32 v13;
	[tilespmem:s0+$0x0] =	vst v4;
	v4 =	vld.idx.msk [tilespmem:v12+s17+$0x0], $0xffff  }
0x161: {  	[tilespmem:s1+$0x0] =	vst v9;
	v9 =	vadd.s32 $0x802, v11;
	v2 =	vld.idx.msk [tilespmem:v2+s2+$0x0], $0xffff;
	v3 =	vadd.bf16 v15, v3  }
0x162: {  	s6 =	sadd.s32 $0xE200, s21;
	v13 =	vadd.s32 $0x802, v10;
	v12 =	vld.idx.msk [tilespmem:v17+s2+$0x0], $0xffff  }
0x163: {  	s7 =	sadd.s32 $0xE280, s21;
	s8 =	sor.u32 s19, s6;
	v15 =	vld.idx.msk [tilespmem:v16+s17+$0x0], $0xffff;
	v16 =	vunpack.i.l.bf16.f32 v3  }
0x164: {  	s9 =	sor.u32 s19, s7;
	v17 =	vadd.s32 $0x802, v6;
	v5 =	vadd.bf16 v5, v18;
	v3 =	vunpack.i.u.bf16.f32 v3;
	[tilespmem:s8+$0x0] =	vst v16  }
0x165: {  	v16 =	vadd.s32 $0x802, v14;
	[tilespmem:s9+$0x0] =	vst v3  }
0x166: {  	s10 =	sor.u32 s18, s6;
	v18 =	vunpack.i.l.bf16.f32 v5;
	v3 =	vadd.s32 $0x802, v7;
	v2 =	vadd.bf16 v4, v2;
	v4 =	vld.idx.msk [tilespmem:v9+s2+$0x0], $0xffff  }
0x167: {  	s11 =	sor.u32 s18, s7;
	v5 =	vunpack.i.u.bf16.f32 v5;
	[tilespmem:s10+$0x0] =	vst v18;
	v9 =	vadd.s32 $0x802, v8;
	v13 =	vld.idx.msk [tilespmem:v13+s17+$0x0], $0xffff  }
0x168: {  	s12 =	sor.u32 s3, s6;
	v18 =	vadd.s32 $0x802, v0;
	v12 =	vadd.bf16 v15, v12;
	[tilespmem:s11+$0x0] =	vst v5;
	v5 =	vunpack.i.l.bf16.f32 v2  }
0x169: {  	s13 =	sor.u32 s3, s7;
	v15 =	vadd.s32 $0x802, v1;
	v2 =	vunpack.i.u.bf16.f32 v2;
	v17 =	vld.idx.msk [tilespmem:v17+s2+$0x0], $0xffff;
	[tilespmem:s12+$0x0] =	vst v5  }
0x16a: {  	s0 =	sor.u32 s31, s6;
	v5 =	vunpack.i.l.bf16.f32 v12;
	v16 =	vld.idx.msk [tilespmem:v16+s17+$0x0], $0xffff;
	[tilespmem:s13+$0x0] =	vst v2  }
0x16b: {  	s1 =	sor.u32 s31, s7;
	v2 =	vunpack.i.u.bf16.f32 v12;
	[tilespmem:s0+$0x0] =	vst v5;
	v3 =	vld.idx.msk [tilespmem:v3+s2+$0x0], $0xffff  }
0x16c: {  	v5 =	vadd.s32 $0xC03, v11;
	[tilespmem:s1+$0x0] =	vst v2;
	v2 =	vld.idx.msk [tilespmem:v9+s17+$0x0], $0xffff;
	v4 =	vadd.bf16 v13, v4  }
0x16d: {  	s15 =	sadd.s32 $0xE300, s21;
	v12 =	vadd.s32 $0xC03, v10;
	v9 =	vld.idx.msk [tilespmem:v18+s2+$0x0], $0xffff  }
0x16e: {  	s16 =	sadd.s32 $0xE380, s21;
	s20 =	sor.u32 s19, s15;
	v13 =	vld.idx.msk [tilespmem:v15+s17+$0x0], $0xffff;
	v15 =	vunpack.i.l.bf16.f32 v4  }
0x16f: {  	s22 =	sor.u32 s19, s16;
	v18 =	vadd.s32 $0xC03, v6;
	v4 =	vunpack.i.u.bf16.f32 v4;
	v16 =	vadd.bf16 v16, v17;
	[tilespmem:s20+$0x0] =	vst v15  }
0x170: {  	v15 =	vadd.s32 $0xC03, v14;
	[tilespmem:s22+$0x0] =	vst v4  }
0x171: {  	s23 =	sor.u32 s18, s15;
	v4 =	vadd.s32 $0xC03, v7;
	v17 =	vunpack.i.l.bf16.f32 v16;
	v2 =	vadd.bf16 v2, v3;
	v3 =	vld.idx.msk [tilespmem:v5+s2+$0x0], $0xffff  }
0x172: {  	s24 =	sor.u32 s18, s16;
	v5 =	vadd.s32 $0xC03, v8;
	v16 =	vunpack.i.u.bf16.f32 v16;
	v12 =	vld.idx.msk [tilespmem:v12+s17+$0x0], $0xffff;
	[tilespmem:s23+$0x0] =	vst v17  }
0x173: {  	s25 =	sor.u32 s3, s15;
	v9 =	vadd.bf16 v13, v9;
	[tilespmem:s24+$0x0] =	vst v16;
	v13 =	vunpack.i.l.bf16.f32 v2  }
0x174: {  	s26 =	sor.u32 s3, s16;
	v2 =	vunpack.i.u.bf16.f32 v2;
	v16 =	vadd.s32 $0xC03, v1;
	v18 =	vld.idx.msk [tilespmem:v18+s2+$0x0], $0xffff;
	[tilespmem:s25+$0x0] =	vst v13  }
0x175: {  	s0 =	sor.u32 s31, s15;
	v17 =	vadd.s32 $0xC03, v0;
	v13 =	vunpack.i.l.bf16.f32 v9;
	v15 =	vld.idx.msk [tilespmem:v15+s17+$0x0], $0xffff;
	[tilespmem:s26+$0x0] =	vst v2  }
0x176: {  	s1 =	sor.u32 s31, s16;
	v2 =	vunpack.i.u.bf16.f32 v9;
	[tilespmem:s0+$0x0] =	vst v13;
	v4 =	vld.idx.msk [tilespmem:v4+s2+$0x0], $0xffff  }
0x177: {  	[tilespmem:s1+$0x0] =	vst v2;
	v5 =	vld.idx.msk [tilespmem:v5+s17+$0x0], $0xffff;
	v2 =	vadd.bf16 v12, v3;
	v3 =	vadd.s32 $0x1004, v11  }
0x178: {  	s1 =	sadd.s32 $0xE400, s21;
	v12 =	vadd.s32 $0x1004, v10  }
0x179: {  	s7 =	sadd.s32 $0xE480, s21;
	s8 =	sor.u32 s19, s1;
	v13 =	vld.idx.msk [tilespmem:v16+s17+$0x0], $0xffff;
	v16 =	vunpack.i.l.bf16.f32 v2  }
0x17a: {  	s9 =	simm.s32 $0x4940;
	s10 =	sor.u32 s19, s7;
	v9 =	vld.idx.msk [tilespmem:v17+s2+$0x0], $0xffff;
	v17 =	vadd.s32 $0x1004, v6;
	v15 =	vadd.bf16 v15, v18;
	v18 =	vunpack.i.u.bf16.f32 v2;
	[tilespmem:s8+$0x0] =	vst v16  }
0x17b: {  	v16 =	vadd.s32 $0x1004, v14;
	v2 =	vld [tilespmem:s9+$0x0];
	[tilespmem:s10+$0x0] =	vst v18  }
0x17c: {  	s11 =	sor.u32 s18, s1;
	v19 =	vunpack.i.l.bf16.f32 v15;
	v4 =	vadd.bf16 v5, v4;
	v5 =	vld.idx.msk [tilespmem:v3+s2+$0x0], $0xffff  }
0x17d: {  	s12 =	simm.s32 $0x5940;
	s13 =	sor.u32 s18, s7;
	s10 =	simm.s32 $0x40;
	v15 =	vunpack.i.u.bf16.f32 v15;
	v12 =	vld.idx.msk [tilespmem:v12+s17+$0x0], $0xffff;
	[tilespmem:s11+$0x0] =	vst v19  }
0x17e: {  	v18 =	vadd.s32 $0x1004, v7;
	v3 =	vld [tilespmem:s12+$0x0];
	s4 =	sand.u32 $0x40, s10;
	[tilespmem:s13+$0x0] =	vst v15  }
0x17f: {  	v20 =	vadd.s32 $0x1004, v8;
	s15 =	sor.u32 s3, s1;
	s23 =	sand.u32 $0x780, s10;
	s8 =	sor.u32 $0x10, s4;
	v9 =	vadd.bf16 v13, v9;
	v13 =	vunpack.i.l.bf16.f32 v4;
	v17 =	vld.idx.msk [tilespmem:v17+s2+$0x0], $0xffff  }
0x180: {  	s16 =	sor.u32 s3, s7;
	v19 =	vadd.s32 $0x1004, v0;
	v4 =	vunpack.i.u.bf16.f32 v4;
	s25 =	sor.u32 s23, s8;
	[tilespmem:s15+$0x0] =	vst v13;
	v16 =	vld.idx.msk [tilespmem:v16+s17+$0x0], $0xffff  }
0x181: {  	s0 =	sor.u32 s31, s1;
	v15 =	vadd.s32 $0x1004, v1;
	v25 =	vld [tilespmem:s25+$0x4900];
	v13 =	vunpack.i.l.bf16.f32 v9;
	[tilespmem:s16+$0x0] =	vst v4  }
0x182: {  	s1 =	sor.u32 s31, s7;
	v37 =	vld [tilespmem:s25+$0x5900];
	v4 =	vunpack.i.u.bf16.f32 v9;
	[tilespmem:s0+$0x0] =	vst v13  }
0x183: {  	v18 =	vld.idx.msk [tilespmem:v18+s2+$0x0], $0xffff;
	[tilespmem:s1+$0x0] =	vst v4;
	v4 =	vadd.bf16 v12, v5;
	v5 =	vadd.s32 $0x1405, v11  }
0x184: {  	s7 =	sadd.s32 $0x12100, s21;
	v9 =	vadd.s32 $0x1405, v10;
	v20 =	vld.idx.msk [tilespmem:v20+s17+$0x0], $0xffff  }
0x185: {  	s6 =	sadd.s32 $0x12180, s21;
	s20 =	sor.u32 s19, s7;
	s5 =	sor.u32 $0x30, s4;
	v19 =	vld.idx.msk [tilespmem:v19+s2+$0x0], $0xffff;
	v12 =	vunpack.i.l.bf16.f32 v4  }
0x186: {  	s22 =	sor.u32 s19, s6;
	s24 =	sor.u32 s23, s5;
	v15 =	vld.idx.msk [tilespmem:v15+s17+$0x0], $0xffff;
	v4 =	vunpack.i.u.bf16.f32 v4;
	[tilespmem:s20+$0x0] =	vst v12  }
0x187: {  	[tilespmem:s22+$0x0] =	vst v4;
	v4 =	vld [tilespmem:s24+$0x5900]  }
0x188: {  	v21 =	vld.idx.msk [tilespmem:v5+s2+$0x0], $0xffff  }
0x189: {  	v26 =	vld.idx.msk [tilespmem:v9+s17+$0x0], $0xffff  }
0x18a: {  	v27 =	vadd.s32 $0x1405, v6;
	s9 =	sor.u32 $0x20, s4;
	v16 =	vadd.bf16 v16, v17;
	v5 =	vld [tilespmem:s24+$0x4900]  }
0x18b: {  	v28 =	vadd.s32 $0x1405, v14;
	s0 =	sor.u32 s23, s9;
	v22 =	vld.idx.msk [tilespmem:v2+s2+$0x0], $0xffff  }
0x18c: {  	v40 =	vadd.s32 $0x1806, v6;
	v38 =	vadd.s32 $0x1806, v14;
	s26 =	sor.u32 s18, s7;
	v36 =	vld [tilespmem:s0+$0x4900];
	v23 =	vunpack.i.l.bf16.f32 v16  }
0x18d: {  	s12 =	sor.u32 s18, s6;
	v24 =	vld.idx.msk [tilespmem:v3+s17+$0x0], $0xffff;
	v9 =	vadd.s32 $0x1C07, v6;
	v6 =	vadd.s32 $0x1C07, v14;
	v14 =	vunpack.i.u.bf16.f32 v16;
	[tilespmem:s26+$0x0] =	vst v23  }
0x18e: {  	v16 =	vadd.bf16 v20, v18;
	v23 =	vld [tilespmem:s0+$0x5900];
	v18 =	vadd.s32 $0x1806, v11;
	[tilespmem:s12+$0x0] =	vst v14;
	v14 =	vadd.bf16 v26, v21  }
0x18f: {  	s0 =	sadd.s32 $0x12200, s21;
	v20 =	vadd.s32 $0x1806, v10;
	v15 =	vadd.bf16 v15, v19;
	v19 =	vld.idx.msk [tilespmem:v27+s2+$0x0], $0xffff  }
0x190: {  	s1 =	sadd.s32 $0x12280, s21;
	s13 =	sor.u32 s19, s0;
	v31 =	vld.idx.msk [tilespmem:v28+s17+$0x0], $0xffff;
	v26 =	vunpack.i.l.bf16.f32 v14  }
0x191: {  	s15 =	sor.u32 s19, s1;
	v14 =	vunpack.i.u.bf16.f32 v14;
	v59 =	vld.idx.msk [tilespmem:v4+s17+$0x0], $0xffff;
	[tilespmem:s13+$0x0] =	vst v26  }
0x192: {  	v58 =	vld.idx.msk [tilespmem:v5+s2+$0x0], $0xffff;
	[tilespmem:s15+$0x0] =	vst v14  }
0x193: {  	s16 =	sor.u32 s3, s7;
	s7 =	sor.u32 s31, s7;
	v57 =	vunpack.i.u.bf16.f32 v15;
	v15 =	vunpack.i.l.bf16.f32 v15;
	v60 =	vld.idx.msk [tilespmem:v18+s2+$0x0], $0xffff  }
0x194: {  	v30 =	vadd.s32 $0x1405, v7;
	[tilespmem:s7+$0x0] =	vst v15;
	v21 =	vunpack.i.u.bf16.f32 v16;
	v16 =	vunpack.i.l.bf16.f32 v16;
	v61 =	vld.idx.msk [tilespmem:v20+s17+$0x0], $0xffff  }
0x195: {  	v17 =	vadd.s32 $0x1405, v8;
	s20 =	sor.u32 s3, s6;
	v62 =	vld.idx.msk [tilespmem:v25+s2+$0x0], $0xffff;
	[tilespmem:s16+$0x0] =	vst v16  }
0x196: {  	v42 =	vadd.s32 $0x1405, v0;
	s23 =	simm.s32 $0x200;
	s22 =	simm.s32 $0x200;
	v52 =	vld.idx.msk [tilespmem:v36+s2+$0x0], $0xffff;
	[tilespmem:s20+$0x0] =	vst v21;
	v31 =	vadd.bf16 v31, v19;
	v14 =	vadd.s32 $0x1405, v1  }
0x197: {  	v43 =	vadd.s32 $0x401, v2;
	v13 =	vadd.s32 $0x1806, v7;
	s6 =	sor.u32 s31, s6;
	v16 =	vld.idx.msk [tilespmem:v37+s17+$0x0], $0xffff;
	s15 =	sand.u32 $0x3C00, s22;
	[dreg:$0x8] =	wrdreg s23;
	v41 =	vadd.bf16 v59, v58  }
0x198: {  	v7 =	vadd.s32 $0x1C07, v7;
	s24 =	sor.u32 s18, s0;
	v63 =	vadd.s32 $0x401, v5;
	v21 =	vunpack.i.l.bf16.f32 v31;
	s12 =	sadd.s32 $0xE100, s15;
	v15 =	vld.idx.msk [tilespmem:v23+s17+$0x0], $0xffff;
	[tilespmem:s6+$0x0] =	vst v57  }
0x199: {  	s16 =	sadd.s32 $0xE180, s15;
	v57 =	vadd.s32 $0x401, v4;
	v53 =	vld.idx.msk [tilespmem:v30+s2+$0x0], $0xffff;
	s25 =	sor.u32 s5, s12;
	[tilespmem:s24+$0x0] =	vst v21;
	v30 =	vunpack.i.l.bf16.f32 v41;
	v46 =	vadd.bf16 v61, v60  }
0x19a: {  	v56 =	vadd.s32 $0x401, v3;
	s7 =	sadd.s32 $0x12300, s21;
	v54 =	vld.idx.msk [tilespmem:v17+s17+$0x0], $0xffff;
	s26 =	sor.u32 s5, s16;
	v58 =	vadd.s32 $0x1C07, v11;
	v11 =	vunpack.i.u.bf16.f32 v41;
	[tilespmem:s25+$0x0] =	vst v30  }
0x19b: {  	v45 =	vadd.s32 $0x401, v25;
	s11 =	sor.u32 s19, s7;
	s20 =	sadd.s32 $0x12380, s21;
	v50 =	vld.idx.msk [tilespmem:v14+s17+$0x0], $0xffff;
	v30 =	vadd.s32 $0x1C07, v10;
	[tilespmem:s26+$0x0] =	vst v11;
	v10 =	vunpack.i.l.bf16.f32 v46  }
0x19c: {  	v32 =	vadd.s32 $0x802, v25;
	s13 =	sor.u32 s19, s20;
	v59 =	vadd.bf16 v16, v62;
	v41 =	vld.idx.msk [tilespmem:v42+s2+$0x0], $0xffff;
	v11 =	vunpack.i.u.bf16.f32 v46;
	[tilespmem:s11+$0x0] =	vst v10  }
0x19d: {  	v47 =	vadd.s32 $0x401, v37;
	v33 =	vadd.s32 $0x802, v37;
	v12 =	vadd.s32 $0x1806, v8;
	s23 =	sor.u32 $0x1, s14;
	v55 =	vld.idx.msk [tilespmem:v63+s2+$0x0], $0xffff;
	[tilespmem:s13+$0x0] =	vst v11  }
0x19e: {  	v8 =	vadd.s32 $0x1C07, v8;
	v49 =	vadd.s32 $0x401, v36;
	s22 =	sor.u32 s8, s12;
	v60 =	vunpack.i.l.bf16.f32 v59;
	v39 =	vld.idx.msk [tilespmem:v57+s17+$0x0], $0xffff;
	[dreg:$0x1d] =	wrdreg s23  }
0x19f: {  	v34 =	vadd.s32 $0x802, v36;
	s24 =	sor.u32 s8, s16;
	v42 =	vunpack.i.u.bf16.f32 v59;
	v61 =	vadd.bf16 v15, v52;
	[tilespmem:s22+$0x0] =	vst v60  }
0x1a0: {  	v29 =	vadd.s32 $0xC03, v36;
	v27 =	vadd.s32 $0xC03, v37;
	v51 =	vadd.s32 $0x401, v23;
	s25 =	sor.u32 s18, s1;
	s13 =	sor.u32 s31, s1;
	s1 =	sor.u32 s3, s1;
	v48 =	vld.idx.msk [tilespmem:v58+s2+$0x0], $0xffff;
	[tilespmem:s24+$0x0] =	vst v42  }
0x1a1: {  	v35 =	vadd.s32 $0x802, v23;
	v62 =	vadd.bf16 v24, v22;
	v22 =	vunpack.i.l.bf16.f32 v61;
	s23 =	sor.u32 s9, s12;
	v63 =	vld.idx.msk [tilespmem:v30+s17+$0x0], $0xffff;
	[dreg:$0x9] =	wrdreg s1  }
0x1a2: {  	v28 =	vadd.s32 $0xC03, v23;
	v19 =	vadd.s32 $0x1004, v36;
	s6 =	sor.u32 s9, s16;
	v46 =	vunpack.i.u.bf16.f32 v61;
	[tilespmem:s23+$0x0] =	vst v22  }
0x1a3: {  	v26 =	vadd.s32 $0xC03, v25;
	v18 =	vadd.s32 $0x1004, v25;
	v20 =	vadd.s32 $0x1004, v37;
	s11 =	sor.u32 s4, s12;
	s12 =	sor.u32 s31, s7;
	v57 =	vld.idx.msk [tilespmem:v45+s2+$0x0], $0xffff;
	[tilespmem:s6+$0x0] =	vst v46  }
0x1a4: {  	v17 =	vadd.s32 $0x1405, v25;
	v16 =	vadd.s32 $0x1405, v37;
	v24 =	vadd.s32 $0x1C07, v25;
	v58 =	vld.idx.msk [tilespmem:v47+s17+$0x0], $0xffff;
	s23 =	sor.u32 s31, s20;
	[dreg:$0x6] =	wrdreg s12  }
0x1a5: {  	v10 =	vadd.s32 $0x1806, v25;
	v25 =	vunpack.i.l.bf16.f32 v62;
	v60 =	vadd.bf16 v54, v53;
	[dreg:$0x3] =	wrdreg s23  }
0x1a6: {  	v52 =	vunpack.i.u.bf16.f32 v31;
	v61 =	vunpack.i.u.bf16.f32 v62;
	v62 =	vadd.bf16 v39, v55;
	[tilespmem:s11+$0x0] =	vst v25  }
0x1a7: {  	s14 =	sor.u32 s31, s0;
	s0 =	sor.u32 s3, s0;
	s28 =	sadd.s32 $0xE200, s15;
	v11 =	vadd.s32 $0x1806, v37;
	v22 =	vadd.s32 $0x1C07, v37;
	v37 =	vunpack.i.l.bf16.f32 v60;
	[tilespmem:s25+$0x0] =	vst v52  }
0x1a8: {  	s29 =	simm.s32 $0x5980;
	v21 =	vadd.s32 $0x1004, v23;
	v41 =	vadd.bf16 v50, v41;
	s24 =	sor.u32 s5, s28;
	v39 =	vunpack.i.l.bf16.f32 v62;
	v44 =	vld.idx.msk [tilespmem:v49+s2+$0x0], $0xffff;
	[tilespmem:s0+$0x0] =	vst v37  }
0x1a9: {  	s30 =	sadd.s32 $0xE280, s15;
	s16 =	sor.u32 s4, s16;
	v14 =	vadd.s32 $0x1405, v36;
	v15 =	vadd.s32 $0x1405, v23;
	v31 =	vadd.s32 $0x1806, v23;
	s26 =	simm.s32 $0x4;
	v45 =	vld.idx.msk [tilespmem:v51+s17+$0x0], $0xffff;
	[tilespmem:s24+$0x0] =	vst v39  }
0x1aa: {  	v23 =	vadd.s32 $0x1C07, v23;
	s22 =	sor.u32 s4, s30;
	s1 =	sor.u32 s18, s20;
	s6 =	sor.u32 s3, s7;
	v37 =	vunpack.i.u.bf16.f32 v41;
	v39 =	vunpack.i.l.bf16.f32 v41;
	[tilespmem:s16+$0x0] =	vst v61;
	v41 =	vld.idx.msk [tilespmem:v40+s2+$0x0], $0xffff  }
0x1ab: {  	v30 =	vadd.s32 $0x1806, v36;
	s12 =	sor.u32 s18, s7;
	s23 =	sor.u32 s3, s20;
	s7 =	sadd.s32 $0x12400, s21;
	v47 =	vadd.bf16 v63, v48;
	v49 =	vadd.s32 $0x802, v5;
	v43 =	vld.idx.msk [tilespmem:v43+s2+$0x0], $0xffff  }
0x1ac: {  	s21 =	sadd.s32 $0x12480, s21;
	v63 =	vunpack.i.u.bf16.f32 v62;
	v48 =	vadd.s32 $0x802, v4;
	s20 =	sor.u32 s8, s28;
	v25 =	vadd.s32 $0x1C07, v36;
	s25 =	sor.u32 s5, s30;
	v46 =	vld.idx.msk [tilespmem:v56+s17+$0x0], $0xffff  }
0x1ad: {  	v36 =	vunpack.i.u.bf16.f32 v60;
	s24 =	sor.u32 s4, s28;
	s0 =	sor.u32 s19, s7;
	s16 =	simm.s32 $0x4980;
	[tilespmem:s25+$0x0] =	vst v63;
	v42 =	vld.idx.msk [tilespmem:v38+s17+$0x0], $0xffff;
	v38 =	vunpack.i.l.bf16.f32 v47;
	v50 =	vadd.bf16 v58, v57  }
.LBB2_5:
0x1ae: {  	v40 =	vld [tilespmem:s16+$0x0];
	v47 =	vunpack.i.u.bf16.f32 v47;
	[tilespmem:s0+$0x0] =	vst v38;
	s0 =	sor.u32 s19, s21  }
0x1af: {  	v38 =	vld [tilespmem:s29+$0x0];
	v60 =	vunpack.i.l.bf16.f32 v50;
	[tilespmem:s0+$0x0] =	vst v47;
	v44 =	vadd.bf16 v45, v44  }
0x1b0: {  	s11 =	smov.u32 s6;
	s6 =	smov.u32 s23;
	s23 =	sor.u32 s8, s30;
	v51 =	vunpack.i.u.bf16.f32 v50;
	[tilespmem:s20+$0x0] =	vst v60;
	v47 =	vld.idx.msk [tilespmem:v49+s2+$0x0], $0xffff  }
0x1b1: {  	s25 =	sor.u32 s9, s28;
	s19 =	sor.u32 s31, s7;
	v48 =	vld.idx.msk [tilespmem:v48+s17+$0x0], $0xffff;
	[tilespmem:s23+$0x0] =	vst v51;
	v43 =	vadd.bf16 v46, v43;
	v62 =	vunpack.i.u.bf16.f32 v44;
	v44 =	vunpack.i.l.bf16.f32 v44  }
0x1b2: {  	s30 =	sor.u32 s9, s30;
	v61 =	vadd.s32 $0x802, v2;
	[dreg:$0xc] =	wrdreg s19;
	s19 =	sor.u32 s31, s21;
	v32 =	vld.idx.msk [tilespmem:v32+s2+$0x0], $0xffff;
	[tilespmem:s25+$0x0] =	vst v44  }
0x1b3: {  	v63 =	vadd.s32 $0x802, v3;
	[dreg:$0xb] =	wrdreg s19;
	v33 =	vld.idx.msk [tilespmem:v33+s17+$0x0], $0xffff;
	v52 =	vunpack.i.u.bf16.f32 v43;
	v43 =	vunpack.i.l.bf16.f32 v43;
	[tilespmem:s30+$0x0] =	vst v62  }
0x1b4: {  	s19 =	smov.u32 s5;
	s5 =	rddreg [dreg:$0x9];
	v41 =	vadd.bf16 v42, v41;
	[tilespmem:s24+$0x0] =	vst v43;
	v34 =	vld.idx.msk [tilespmem:v34+s2+$0x0], $0xffff  }
0x1b5: {  	v53 =	vadd.s32 $0x1806, v0;
	v35 =	vld.idx.msk [tilespmem:v35+s17+$0x0], $0xffff;
	[tilespmem:s5+$0x0] =	vst v36  }
0x1b6: {  	s28 =	sor.u32 s18, s7;
	v55 =	vadd.s32 $0x1806, v1;
	s0 =	sor.u32 s18, s21;
	v54 =	vunpack.i.u.bf16.f32 v41;
	v41 =	vunpack.i.l.bf16.f32 v41;
	[tilespmem:s22+$0x0] =	vst v52;
	v60 =	vld.idx.msk [tilespmem:v13+s2+$0x0], $0xffff  }
0x1b7: {  	v58 =	vadd.s32 $0xC03, v5;
	s20 =	sor.u32 s3, s7;
	s7 =	sor.u32 s3, s21;
	s21 =	smov.u32 s15;
	v57 =	vadd.bf16 v48, v47;
	[tilespmem:s12+$0x0] =	vst v41;
	v44 =	vld.idx.msk [tilespmem:v61+s2+$0x0], $0xffff  }
0x1b8: {  	v59 =	vadd.s32 $0xC03, v4;
	s18 =	smov.u32 s8;
	s8 =	sadd.s32 $0xE300, s21;
	v56 =	vld.idx.msk [tilespmem:v63+s17+$0x0], $0xffff;
	[tilespmem:s14+$0x0] =	vst v39  }
0x1b9: {  	s15 =	sor.u32 s19, s8;
	v13 =	vmov v30;
	v62 =	vld.idx.msk [tilespmem:v12+s17+$0x0], $0xffff;
	s14 =	sadd.s32 $0xE380, s21;
	v30 =	vadd.bf16 v33, v32;
	v61 =	vunpack.i.l.bf16.f32 v57;
	[tilespmem:s13+$0x0] =	vst v37  }
0x1ba: {  	v12 =	vmov v31;
	v31 =	vunpack.i.u.bf16.f32 v57;
	[tilespmem:s15+$0x0] =	vst v61;
	s24 =	sor.u32 s19, s14;
	v63 =	vld.idx.msk [tilespmem:v53+s2+$0x0], $0xffff  }
0x1bb: {  	s23 =	sor.u32 s18, s8;
	v46 =	vunpack.i.u.bf16.f32 v30;
	v30 =	vunpack.i.l.bf16.f32 v30;
	[tilespmem:s24+$0x0] =	vst v31;
	v31 =	vld.idx.msk [tilespmem:v55+s17+$0x0], $0xffff  }
0x1bc: {  	s25 =	sor.u32 s18, s14;
	[tilespmem:s23+$0x0] =	vst v30;
	v30 =	vld.idx.msk [tilespmem:v58+s2+$0x0], $0xffff  }
0x1bd: {  	v34 =	vadd.bf16 v35, v34;
	v39 =	vld.idx.msk [tilespmem:v59+s17+$0x0], $0xffff;
	[tilespmem:s25+$0x0] =	vst v46  }
0x1be: {  	s3 =	smov.u32 s9;
	v48 =	vadd.s32 $0xC03, v2;
	v26 =	vld.idx.msk [tilespmem:v26+s2+$0x0], $0xffff  }
0x1bf: {  	s31 =	smov.u32 s4;
	s4 =	sor.u32 s3, s8;
	v36 =	vadd.bf16 v56, v44;
	v49 =	vunpack.i.u.bf16.f32 v34;
	v34 =	vunpack.i.l.bf16.f32 v34;
	v27 =	vld.idx.msk [tilespmem:v27+s17+$0x0], $0xffff;
	[tilespmem:s1+$0x0] =	vst v54  }
0x1c0: {  	v50 =	vadd.s32 $0xC03, v3;
	s5 =	sor.u32 s31, s8;
	s8 =	sor.u32 s3, s14;
	[tilespmem:s4+$0x0] =	vst v34  }
0x1c1: {  	v33 =	vadd.bf16 v62, v60;
	v57 =	vld.idx.msk [tilespmem:v9+s2+$0x0], $0xffff;
	v51 =	vunpack.i.u.bf16.f32 v36;
	v36 =	vunpack.i.l.bf16.f32 v36;
	[tilespmem:s8+$0x0] =	vst v49  }
0x1c2: {  	s22 =	sor.u32 s31, s14;
	[tilespmem:s5+$0x0] =	vst v36;
	v29 =	vld.idx.msk [tilespmem:v29+s2+$0x0], $0xffff  }
0x1c3: {  	v52 =	vunpack.i.u.bf16.f32 v33;
	v33 =	vunpack.i.l.bf16.f32 v33;
	v31 =	vadd.bf16 v31, v63;
	v28 =	vld.idx.msk [tilespmem:v28+s17+$0x0], $0xffff;
	[tilespmem:s22+$0x0] =	vst v51  }
0x1c4: {  	v54 =	vadd.s32 $0x1004, v5;
	v30 =	vadd.bf16 v39, v30;
	[tilespmem:s11+$0x0] =	vst v33;
	v34 =	vld.idx.msk [tilespmem:v48+s2+$0x0], $0xffff  }
0x1c5: {  	s14 =	sadd.s32 $0xE400, s21;
	s24 =	rddreg [dreg:$0x6];
	v56 =	vadd.s32 $0x1004, v4;
	v55 =	vunpack.i.u.bf16.f32 v31;
	v31 =	vunpack.i.l.bf16.f32 v31;
	[tilespmem:s6+$0x0] =	vst v52;
	v53 =	vld.idx.msk [tilespmem:v50+s17+$0x0], $0xffff  }
0x1c6: {  	s23 =	sor.u32 s19, s14;
	v9 =	vmov v24;
	s22 =	sadd.s32 $0xE480, s21;
	v24 =	vadd.bf16 v27, v26;
	v26 =	vunpack.i.l.bf16.f32 v30;
	[tilespmem:s24+$0x0] =	vst v31;
	v27 =	vld.idx.msk [tilespmem:v6+s17+$0x0], $0xffff  }
0x1c7: {  	v6 =	vmov v22;
	v22 =	vunpack.i.u.bf16.f32 v30;
	s12 =	sor.u32 s19, s22;
	[tilespmem:s23+$0x0] =	vst v26;
	v26 =	vld.idx.msk [tilespmem:v7+s2+$0x0], $0xffff  }
0x1c8: {  	s11 =	sor.u32 s18, s14;
	v7 =	vmovc v25;
	v25 =	vunpack.i.u.bf16.f32 v24;
	v24 =	vunpack.i.l.bf16.f32 v24;
	[tilespmem:s12+$0x0] =	vst v22;
	v22 =	vld.idx.msk [tilespmem:v8+s17+$0x0], $0xffff;
	v28 =	vadd.bf16 v28, v29  }
0x1c9: {  	s13 =	sor.u32 s18, s22;
	v8 =	vmov v23;
	v23 =	vadd.s32 $0x1004, v2;
	[tilespmem:s11+$0x0] =	vst v24;
	v24 =	vld.idx.msk [tilespmem:v54+s2+$0x0], $0xffff  }
0x1ca: {  	s1 =	sor.u32 s3, s14;
	v30 =	vld.idx.msk [tilespmem:v56+s17+$0x0], $0xffff;
	[tilespmem:s13+$0x0] =	vst v25;
	v29 =	vadd.bf16 v53, v34;
	v25 =	vunpack.i.u.bf16.f32 v28;
	v28 =	vunpack.i.l.bf16.f32 v28  }
0x1cb: {  	s5 =	sor.u32 s3, s22;
	v31 =	vadd.s32 $0x1004, v3;
	v18 =	vld.idx.msk [tilespmem:v18+s2+$0x0], $0xffff;
	[tilespmem:s1+$0x0] =	vst v28  }
0x1cc: {  	s15 =	sor.u32 s31, s14;
	v20 =	vld.idx.msk [tilespmem:v20+s17+$0x0], $0xffff;
	v28 =	vadd.s32 $0x1C07, v0;
	v58 =	vunpack.i.u.bf16.f32 v29;
	v29 =	vunpack.i.l.bf16.f32 v29;
	[tilespmem:s5+$0x0] =	vst v25  }
0x1cd: {  	s25 =	sor.u32 s31, s22;
	v25 =	vadd.bf16 v27, v57;
	[tilespmem:s15+$0x0] =	vst v29;
	v19 =	vld.idx.msk [tilespmem:v19+s2+$0x0], $0xffff  }
0x1ce: {  	s14 =	rddreg [dreg:$0x3];
	v27 =	vadd.s32 $0x1C07, v1;
	v22 =	vadd.bf16 v22, v26;
	v21 =	vld.idx.msk [tilespmem:v21+s17+$0x0], $0xffff;
	[tilespmem:s25+$0x0] =	vst v58  }
0x1cf: {  	v24 =	vadd.bf16 v30, v24;
	v29 =	vunpack.i.u.bf16.f32 v25;
	v25 =	vunpack.i.l.bf16.f32 v25;
	v26 =	vld.idx.msk [tilespmem:v23+s2+$0x0], $0xffff;
	[tilespmem:s14+$0x0] =	vst v55  }
0x1d0: {  	v30 =	vadd.s32 $0x1405, v5;
	v59 =	vunpack.i.u.bf16.f32 v22;
	v22 =	vunpack.i.l.bf16.f32 v22;
	[tilespmem:s28+$0x0] =	vst v25;
	v31 =	vld.idx.msk [tilespmem:v31+s17+$0x0], $0xffff  }
0x1d1: {  	v60 =	vadd.s32 $0x1405, v4;
	s1 =	sadd.s32 $0x12100, s21;
	[tilespmem:s20+$0x0] =	vst v22;
	v28 =	vld.idx.msk [tilespmem:v28+s2+$0x0], $0xffff  }
0x1d2: {  	s6 =	sadd.s32 $0x12180, s21;
	s15 =	sor.u32 s19, s1;
	v18 =	vadd.bf16 v20, v18;
	v20 =	vunpack.i.l.bf16.f32 v24;
	[tilespmem:s0+$0x0] =	vst v29;
	v23 =	vld.idx.msk [tilespmem:v40+s2+$0x0], $0xffff  }
0x1d3: {  	s10 =	sadd.s32 $0x40, s10;
	v22 =	vunpack.i.u.bf16.f32 v24;
	s20 =	sor.u32 s19, s6;
	[tilespmem:s15+$0x0] =	vst v20;
	v25 =	vld.idx.msk [tilespmem:v38+s17+$0x0], $0xffff  }
0x1d4: {  	s4 =	sand.u32 $0x40, s10;
	s22 =	sor.u32 s18, s1;
	v27 =	vld.idx.msk [tilespmem:v27+s17+$0x0], $0xffff;
	v20 =	vunpack.i.u.bf16.f32 v18;
	v18 =	vunpack.i.l.bf16.f32 v18;
	[tilespmem:s20+$0x0] =	vst v22  }
0x1d5: {  	s24 =	sand.u32 $0x780, s10;
	s5 =	sor.u32 $0x30, s4;
	[tilespmem:s22+$0x0] =	vst v18;
	v18 =	vld.idx.msk [tilespmem:v30+s2+$0x0], $0xffff  }
0x1d6: {  	s8 =	sor.u32 $0x10, s4;
	s23 =	sor.u32 s18, s6;
	s11 =	sor.u32 s24, s5;
	v22 =	vld.idx.msk [tilespmem:v60+s17+$0x0], $0xffff  }
0x1d7: {  	s25 =	sor.u32 s24, s8;
	v24 =	vld [tilespmem:s11+$0x4900];
	[tilespmem:s23+$0x0] =	vst v20  }
0x1d8: {  	v19 =	vadd.bf16 v21, v19;
	v41 =	vld [tilespmem:s25+$0x4900]  }
0x1d9: {  	v21 =	vadd.bf16 v31, v26;
	v31 =	vld [tilespmem:s11+$0x5900]  }
0x1da: {  	s0 =	sor.u32 s31, s1;
	s1 =	sor.u32 s3, s1;
	[tilespmem:s7+$0x0] =	vst v59;
	v20 =	vunpack.i.u.bf16.f32 v19;
	v19 =	vunpack.i.l.bf16.f32 v19;
	v42 =	vld [tilespmem:s25+$0x5900]  }
0x1db: {  	s9 =	sor.u32 $0x20, s4;
	s12 =	sor.u32 s31, s6;
	s6 =	sor.u32 s3, s6;
	v30 =	vld.idx.msk [tilespmem:v17+s2+$0x0], $0xffff;
	[tilespmem:s1+$0x0] =	vst v19  }
0x1dc: {  	s14 =	sor.u32 s24, s9;
	v61 =	vld.idx.msk [tilespmem:v16+s17+$0x0], $0xffff;
	[tilespmem:s6+$0x0] =	vst v20;
	v26 =	vunpack.i.u.bf16.f32 v21;
	v21 =	vunpack.i.l.bf16.f32 v21  }
0x1dd: {  	v0 =	vmov v2;
	v37 =	vld [tilespmem:s14+$0x4900];
	v18 =	vadd.bf16 v22, v18;
	[tilespmem:s0+$0x0] =	vst v21;
	v21 =	vadd.s32 $0x1806, v5  }
0x1de: {  	v2 =	vmovc v40;
	v1 =	vmovc v3;
	v43 =	vadd.s32 $0x1405, v0;
	s23 =	sadd.s32 $0x12200, s21;
	v17 =	vadd.s32 $0x1806, v4;
	v19 =	vadd.bf16 v27, v28;
	v39 =	vld [tilespmem:s14+$0x5900]  }
0x1df: {  	v3 =	vmovc v38;
	v38 =	vadd.s32 $0x401, v2;
	s25 =	sadd.s32 $0x12280, s21;
	v22 =	vadd.s32 $0x1405, v1;
	v60 =	vld.idx.msk [tilespmem:v14+s2+$0x0], $0xffff;
	[tilespmem:s12+$0x0] =	vst v26;
	v16 =	vunpack.i.l.bf16.f32 v18;
	s12 =	sor.u32 s19, s23  }
0x1e0: {  	s20 =	sor.u32 s19, s25;
	v47 =	vadd.s32 $0x401, v24;
	v20 =	vunpack.i.u.bf16.f32 v19;
	v18 =	vunpack.i.u.bf16.f32 v18;
	v62 =	vld.idx.msk [tilespmem:v24+s2+$0x0], $0xffff;
	[tilespmem:s12+$0x0] =	vst v16  }
0x1e1: {  	v19 =	vunpack.i.l.bf16.f32 v19;
	v36 =	vadd.s32 $0x401, v41;
	v32 =	vadd.s32 $0x802, v41;
	v63 =	vld.idx.msk [tilespmem:v31+s17+$0x0], $0xffff;
	[tilespmem:s20+$0x0] =	vst v18  }
0x1e2: {  	s24 =	rddreg [dreg:$0xb];
	v44 =	vadd.s32 $0x401, v42;
	v33 =	vadd.s32 $0x802, v42;
	v26 =	vadd.s32 $0xC03, v41;
	v49 =	vld.idx.msk [tilespmem:v21+s2+$0x0], $0xffff  }
0x1e3: {  	s22 =	rddreg [dreg:$0xc];
	v27 =	vadd.s32 $0xC03, v42;
	v54 =	vadd.s32 $0x1806, v41;
	v30 =	vadd.bf16 v61, v30;
	v50 =	vld.idx.msk [tilespmem:v17+s17+$0x0], $0xffff  }
0x1e4: {  	s1 =	sor.u32 s3, s25;
	v40 =	vadd.s32 $0x1806, v42;
	[tilespmem:s22+$0x0] =	vst v19;
	v16 =	vadd.s32 $0x1405, v42;
	s22 =	rddreg [dreg:$0x8];
	v58 =	vadd.s32 $0x401, v31;
	v51 =	vld.idx.msk [tilespmem:v41+s2+$0x0], $0xffff  }
0x1e5: {  	[dreg:$0x9] =	wrdreg s1;
	[tilespmem:s24+$0x0] =	vst v20;
	v20 =	vadd.s32 $0x1004, v42;
	s1 =	sadd.s32 $0x200, s22;
	v59 =	vunpack.i.u.bf16.f32 v30;
	v30 =	vunpack.i.l.bf16.f32 v30;
	v52 =	vld.idx.msk [tilespmem:v42+s17+$0x0], $0xffff  }
0x1e6: {  	s11 =	sor.u32 s31, s23;
	s13 =	sor.u32 s31, s25;
	v46 =	vadd.s32 $0x401, v37;
	v34 =	vadd.s32 $0x802, v37;
	s15 =	sand.u32 $0x3C00, s1;
	v55 =	vld.idx.msk [tilespmem:v37+s2+$0x0], $0xffff;
	v45 =	vadd.bf16 v63, v62  }
0x1e7: {  	s14 =	sor.u32 s18, s23;
	v48 =	vadd.s32 $0x401, v39;
	v35 =	vadd.s32 $0x802, v39;
	v53 =	vadd.s32 $0x1405, v37;
	[dreg:$0x8] =	wrdreg s1;
	s1 =	sadd.s32 $0xE100, s15;
	v57 =	vld.idx.msk [tilespmem:v39+s17+$0x0], $0xffff  }
0x1e8: {  	s0 =	sor.u32 s3, s23;
	v61 =	vld.idx.msk [tilespmem:v15+s17+$0x0], $0xffff;
	[tilespmem:s14+$0x0] =	vst v30;
	v14 =	vmovc v53;
	s6 =	sadd.s32 $0xE180, s15;
	s23 =	sor.u32 s5, s1;
	v49 =	vadd.bf16 v50, v49;
	v50 =	vadd.s32 $0x1C07, v5;
	v53 =	vunpack.i.l.bf16.f32 v45  }
0x1e9: {  	s7 =	sor.u32 s18, s25;
	v56 =	vadd.s32 $0x1405, v39;
	v43 =	vld.idx.msk [tilespmem:v43+s2+$0x0], $0xffff;
	s20 =	sadd.s32 $0x12300, s21;
	s25 =	sor.u32 s5, s6;
	v5 =	vmovc v24;
	v24 =	vunpack.i.u.bf16.f32 v45;
	v45 =	vadd.s32 $0x1C07, v4;
	[tilespmem:s23+$0x0] =	vst v53  }
0x1ea: {  	v18 =	vadd.s32 $0x1004, v41;
	v15 =	vmovc v56;
	s22 =	sor.u32 s4, s1;
	s14 =	sor.u32 s19, s20;
	v51 =	vadd.bf16 v52, v51;
	v52 =	vld.idx.msk [tilespmem:v22+s17+$0x0], $0xffff;
	v56 =	vunpack.i.l.bf16.f32 v49;
	[tilespmem:s25+$0x0] =	vst v24;
	s25 =	sadd.s32 $0x12380, s21  }
0x1eb: {  	v17 =	vadd.s32 $0x1405, v41;
	s30 =	sor.u32 s9, s1;
	s23 =	sor.u32 s8, s1;
	v62 =	vunpack.i.u.bf16.f32 v49;
	v24 =	vadd.s32 $0x1C07, v41;
	v41 =	vld.idx.msk [tilespmem:v47+s2+$0x0], $0xffff;
	[tilespmem:s14+$0x0] =	vst v56;
	s1 =	sor.u32 s19, s25  }
0x1ec: {  	v29 =	vadd.s32 $0xC03, v37;
	v57 =	vadd.bf16 v57, v55;
	v56 =	vunpack.i.l.bf16.f32 v51;
	v53 =	vld.idx.msk [tilespmem:v58+s17+$0x0], $0xffff;
	[tilespmem:s1+$0x0] =	vst v62  }
0x1ed: {  	v19 =	vadd.s32 $0x1004, v37;
	v30 =	vadd.s32 $0x1806, v37;
	s28 =	sor.u32 s8, s6;
	v63 =	vunpack.i.u.bf16.f32 v51;
	[tilespmem:s23+$0x0] =	vst v56;
	v50 =	vld.idx.msk [tilespmem:v50+s2+$0x0], $0xffff  }
0x1ee: {  	s26 =	sadd.s32 $0x4, s26;
	s16 =	sadd.s32 $0x40, s16;
	v22 =	vadd.s32 $0x1C07, v42;
	v42 =	vadd.bf16 v25, v23;
	v58 =	vunpack.i.l.bf16.f32 v57;
	[tilespmem:s28+$0x0] =	vst v63;
	v51 =	vld.idx.msk [tilespmem:v45+s17+$0x0], $0xffff  }
0x1ef: {  	s29 =	sadd.s32 $0x40, s29;
	s12 =	sor.u32 s31, s20;
	v61 =	vadd.bf16 v61, v60;
	v25 =	vadd.s32 $0x1C07, v37;
	v37 =	vunpack.i.u.bf16.f32 v57;
	s14 =	sor.u32 s9, s6;
	[tilespmem:s30+$0x0] =	vst v58;
	v55 =	vld.idx.msk [tilespmem:v36+s2+$0x0], $0xffff  }
0x1f0: {  	p1 =	slt.u32 s26, $0x7C;
	v28 =	vadd.s32 $0xC03, v39;
	[dreg:$0x6] =	wrdreg s12;
	s12 =	sor.u32 s31, s25;
	v62 =	vunpack.i.l.bf16.f32 v42;
	v63 =	vadd.s32 $0x401, v3;
	v56 =	vld.idx.msk [tilespmem:v44+s17+$0x0], $0xffff;
	[tilespmem:s14+$0x0] =	vst v37  }
0x1f1: {  	v21 =	vadd.s32 $0x1004, v39;
	s24 =	sor.u32 s4, s6;
	v60 =	vadd.bf16 v52, v43;
	s6 =	sor.u32 s3, s20;
	v47 =	vunpack.i.l.bf16.f32 v61;
	[dreg:$0x3] =	wrdreg s12;
	[tilespmem:s22+$0x0] =	vst v62;
	v44 =	vld.idx.msk [tilespmem:v46+s2+$0x0], $0xffff  }
.Ltmp3:
0x1f2: {  	s12 =	sor.u32 s18, s20;
	s1 =	sor.u32 s18, s25;
	v36 =	vunpack.i.u.bf16.f32 v61;
	v61 =	vunpack.i.u.bf16.f32 v42;
	[tilespmem:s7+$0x0] =	vst v59;
	v45 =	vld.idx.msk [tilespmem:v48+s17+$0x0], $0xffff;
	v41 =	vadd.bf16 v53, v41;
	(pc) =	sbr.rel @p1 .LBB2_5-.Ltmp3, $4  }
0x1f3: {  	v23 =	vadd.s32 $0x1C07, v39;
	v4 =	vmovc v31;
	v31 =	vadd.s32 $0x1806, v39;
	v49 =	vadd.s32 $0x802, v5;
	s23 =	sor.u32 s3, s25;
	s28 =	sadd.s32 $0xE200, s15;
	s30 =	sadd.s32 $0xE280, s15;
	[tilespmem:s24+$0x0] =	vst v61;
	v42 =	vld.idx.msk [tilespmem:v11+s17+$0x0], $0xffff  }
0x1f4: {  	v39 =	vunpack.i.l.bf16.f32 v60;
	s14 =	smov.u32 s11;
	s20 =	sor.u32 s5, s28;
	s22 =	sor.u32 s4, s30;
	[tilespmem:s0+$0x0] =	vst v47;
	v43 =	vld.idx.msk [tilespmem:v38+s2+$0x0], $0xffff;
	v47 =	vadd.bf16 v51, v50;
	v62 =	vunpack.i.l.bf16.f32 v41  }
0x1f5: {  	v37 =	vunpack.i.u.bf16.f32 v60;
	s25 =	sor.u32 s5, s30;
	s7 =	sadd.s32 $0x12400, s21;
	s21 =	sadd.s32 $0x12480, s21;
	v48 =	vadd.s32 $0x802, v4;
	v46 =	vld.idx.msk [tilespmem:v63+s17+$0x0], $0xffff;
	v63 =	vunpack.i.u.bf16.f32 v41;
	[tilespmem:s20+$0x0] =	vst v62  }
0x1f6: {  	s24 =	sor.u32 s4, s28;
	s0 =	sor.u32 s19, s7;
	v11 =	vmovc v40;
	v41 =	vld.idx.msk [tilespmem:v10+s2+$0x0], $0xffff;
	v10 =	vmov v54;
	v50 =	vadd.bf16 v56, v55;
	s20 =	sor.u32 s8, s28;
	v38 =	vunpack.i.l.bf16.f32 v47;
	[tilespmem:s25+$0x0] =	vst v63  }
0x1f7: {  	_ =	sdelay $0x3  }
0x1f8: {  	v61 =	vld.idx.msk [tilespmem:v49+s2+$0x0], $0xffff  }
0x1f9: {  	v40 =	vadd.bf16 v45, v44;
	v48 =	vld.idx.msk [tilespmem:v48+s17+$0x0], $0xffff;
	v59 =	vunpack.i.l.bf16.f32 v50  }
0x1fa: {  	s10 =	sor.u32 s8, s30;
	v60 =	vunpack.i.u.bf16.f32 v50;
	[tilespmem:s20+$0x0] =	vst v59  }
0x1fb: {  	s16 =	sor.u32 s9, s28;
	v62 =	vadd.s32 $0x802, v2;
	v63 =	vunpack.i.l.bf16.f32 v40;
	[tilespmem:s10+$0x0] =	vst v60;
	v43 =	vadd.bf16 v46, v43  }
0x1fc: {  	v49 =	vadd.s32 $0x802, v3;
	s20 =	sor.u32 s9, s30;
	v40 =	vunpack.i.u.bf16.f32 v40;
	[tilespmem:s16+$0x0] =	vst v63;
	v32 =	vld.idx.msk [tilespmem:v32+s2+$0x0], $0xffff  }
0x1fd: {  	[tilespmem:s20+$0x0] =	vst v40;
	v33 =	vld.idx.msk [tilespmem:v33+s17+$0x0], $0xffff;
	v50 =	vunpack.i.l.bf16.f32 v43  }
0x1fe: {  	v53 =	vadd.s32 $0xC03, v5;
	v51 =	vunpack.i.u.bf16.f32 v43;
	v34 =	vld.idx.msk [tilespmem:v34+s2+$0x0], $0xffff;
	v52 =	vadd.bf16 v48, v61;
	[tilespmem:s24+$0x0] =	vst v50  }
0x1ff: {  	s26 =	sadd.s32 $0xE300, s15;
	v56 =	vadd.s32 $0xC03, v4;
	v35 =	vld.idx.msk [tilespmem:v35+s17+$0x0], $0xffff;
	[tilespmem:s22+$0x0] =	vst v51  }
0x200: {  	s28 =	sadd.s32 $0xE380, s15;
	s11 =	sor.u32 s5, s26;
	v57 =	vunpack.i.l.bf16.f32 v52;
	v40 =	vld.idx.msk [tilespmem:v62+s2+$0x0], $0xffff  }
0x201: {  	s29 =	sor.u32 s5, s28;
	v43 =	vunpack.i.u.bf16.f32 v52;
	v55 =	vld.idx.msk [tilespmem:v49+s17+$0x0], $0xffff;
	[tilespmem:s11+$0x0] =	vst v57  }
0x202: {  	v32 =	vadd.bf16 v33, v32;
	[tilespmem:s29+$0x0] =	vst v43  }
0x203: {  	v54 =	vunpack.i.u.bf16.f32 v47;
	[tilespmem:s0+$0x0] =	vst v38;
	s25 =	sor.u32 s19, s21;
	v59 =	vld.idx.msk [tilespmem:v53+s2+$0x0], $0xffff  }
0x204: {  	[tilespmem:s25+$0x0] =	vst v54;
	s30 =	sor.u32 s8, s26;
	v34 =	vadd.bf16 v35, v34;
	v63 =	vld.idx.msk [tilespmem:v56+s17+$0x0], $0xffff;
	v58 =	vunpack.i.l.bf16.f32 v32  }
0x205: {  	s16 =	sor.u32 s8, s28;
	v32 =	vunpack.i.u.bf16.f32 v32;
	[tilespmem:s30+$0x0] =	vst v58  }
0x206: {  	s19 =	sor.u32 s9, s26;
	v62 =	vunpack.i.l.bf16.f32 v34;
	[tilespmem:s16+$0x0] =	vst v32;
	v61 =	vadd.bf16 v55, v40  }
0x207: {  	v60 =	vadd.s32 $0xC03, v2;
	s20 =	sor.u32 s9, s28;
	v34 =	vunpack.i.u.bf16.f32 v34;
	[tilespmem:s19+$0x0] =	vst v62  }
0x208: {  	v44 =	vadd.s32 $0xC03, v3;
	s10 =	sor.u32 s4, s26;
	v26 =	vld.idx.msk [tilespmem:v26+s2+$0x0], $0xffff;
	[tilespmem:s20+$0x0] =	vst v34;
	v45 =	vunpack.i.l.bf16.f32 v61  }
0x209: {  	s0 =	sor.u32 s4, s28;
	v27 =	vld.idx.msk [tilespmem:v27+s17+$0x0], $0xffff;
	v46 =	vunpack.i.u.bf16.f32 v61;
	v33 =	vadd.bf16 v63, v59;
	[tilespmem:s10+$0x0] =	vst v45  }
0x20a: {  	s22 =	sadd.s32 $0xE400, s15;
	v29 =	vld.idx.msk [tilespmem:v29+s2+$0x0], $0xffff;
	[tilespmem:s0+$0x0] =	vst v46  }
0x20b: {  	v47 =	vadd.s32 $0x1004, v5;
	s25 =	sor.u32 s5, s22;
	v28 =	vld.idx.msk [tilespmem:v28+s17+$0x0], $0xffff;
	v50 =	vunpack.i.l.bf16.f32 v33;
	s0 =	rddreg [dreg:$0x9];
	[tilespmem:s14+$0x0] =	vst v39  }
0x20c: {  	v49 =	vadd.s32 $0x1004, v4;
	v32 =	vld.idx.msk [tilespmem:v60+s2+$0x0], $0xffff;
	[tilespmem:s25+$0x0] =	vst v50  }
0x20d: {  	s24 =	sadd.s32 $0xE480, s15;
	v57 =	vadd.bf16 v42, v41;
	v48 =	vld.idx.msk [tilespmem:v44+s17+$0x0], $0xffff;
	[tilespmem:s0+$0x0] =	vst v36  }
0x20e: {  	s26 =	sor.u32 s5, s24;
	v33 =	vunpack.i.u.bf16.f32 v33;
	[tilespmem:s13+$0x0] =	vst v37;
	v26 =	vadd.bf16 v27, v26;
	v13 =	vld.idx.msk [tilespmem:v13+s2+$0x0], $0xffff  }
0x20f: {  	v60 =	vunpack.i.l.bf16.f32 v57;
	[tilespmem:s26+$0x0] =	vst v33;
	v12 =	vld.idx.msk [tilespmem:v12+s17+$0x0], $0xffff  }
0x210: {  	s28 =	sor.u32 s8, s22;
	[tilespmem:s12+$0x0] =	vst v60;
	v28 =	vadd.bf16 v28, v29;
	v52 =	vld.idx.msk [tilespmem:v47+s2+$0x0], $0xffff;
	v51 =	vunpack.i.l.bf16.f32 v26  }
0x211: {  	s29 =	sor.u32 s8, s24;
	v33 =	vld.idx.msk [tilespmem:v49+s17+$0x0], $0xffff;
	v26 =	vunpack.i.u.bf16.f32 v26;
	[tilespmem:s28+$0x0] =	vst v51  }
0x212: {  	v53 =	vadd.s32 $0x1004, v2;
	s30 =	sor.u32 s9, s22;
	v55 =	vunpack.i.l.bf16.f32 v28;
	[tilespmem:s29+$0x0] =	vst v26;
	v54 =	vadd.bf16 v48, v32  }
0x213: {  	v56 =	vadd.s32 $0x1004, v3;
	s13 =	sor.u32 s9, s24;
	v28 =	vunpack.i.u.bf16.f32 v28;
	[tilespmem:s30+$0x0] =	vst v55;
	v18 =	vld.idx.msk [tilespmem:v18+s2+$0x0], $0xffff  }
0x214: {  	v58 =	vadd.s32 $0x1806, v0;
	s0 =	sor.u32 s4, s22;
	[tilespmem:s13+$0x0] =	vst v28;
	v20 =	vld.idx.msk [tilespmem:v20+s17+$0x0], $0xffff;
	v35 =	vunpack.i.l.bf16.f32 v54  }
0x215: {  	v59 =	vadd.s32 $0x1806, v1;
	s14 =	sor.u32 s4, s24;
	v29 =	vunpack.i.u.bf16.f32 v54;
	v19 =	vld.idx.msk [tilespmem:v19+s2+$0x0], $0xffff;
	v12 =	vadd.bf16 v12, v13;
	[tilespmem:s0+$0x0] =	vst v35  }
0x216: {  	v62 =	vunpack.i.u.bf16.f32 v57;
	v63 =	vadd.s32 $0x1405, v5;
	v61 =	vld.idx.msk [tilespmem:v21+s17+$0x0], $0xffff;
	v27 =	vadd.bf16 v33, v52;
	[tilespmem:s14+$0x0] =	vst v29  }
0x217: {  	v38 =	vadd.s32 $0x1405, v4;
	s16 =	sadd.s32 $0x12100, s15;
	[tilespmem:s1+$0x0] =	vst v62;
	v36 =	vunpack.i.l.bf16.f32 v12;
	v26 =	vld.idx.msk [tilespmem:v53+s2+$0x0], $0xffff  }
0x218: {  	s19 =	sadd.s32 $0x12180, s15;
	s20 =	sor.u32 s5, s16;
	v40 =	vunpack.i.l.bf16.f32 v27;
	v37 =	vld.idx.msk [tilespmem:v56+s17+$0x0], $0xffff;
	[tilespmem:s6+$0x0] =	vst v36  }
0x219: {  	s22 =	sor.u32 s5, s19;
	v39 =	vld.idx.msk [tilespmem:v58+s2+$0x0], $0xffff;
	v27 =	vunpack.i.u.bf16.f32 v27;
	[tilespmem:s20+$0x0] =	vst v40;
	v18 =	vadd.bf16 v20, v18  }
0x21a: {  	v41 =	vld.idx.msk [tilespmem:v59+s17+$0x0], $0xffff;
	v12 =	vunpack.i.u.bf16.f32 v12;
	[tilespmem:s22+$0x0] =	vst v27  }
0x21b: {  	s24 =	sor.u32 s8, s16;
	[tilespmem:s23+$0x0] =	vst v12;
	v13 =	vadd.bf16 v61, v19;
	v43 =	vld.idx.msk [tilespmem:v63+s2+$0x0], $0xffff;
	v42 =	vunpack.i.l.bf16.f32 v18  }
0x21c: {  	s25 =	sor.u32 s8, s19;
	v46 =	vld.idx.msk [tilespmem:v38+s17+$0x0], $0xffff;
	v18 =	vunpack.i.u.bf16.f32 v18;
	[tilespmem:s24+$0x0] =	vst v42  }
0x21d: {  	s26 =	sor.u32 s9, s16;
	v9 =	vld.idx.msk [tilespmem:v9+s2+$0x0], $0xffff;
	v45 =	vunpack.i.l.bf16.f32 v13;
	v44 =	vadd.bf16 v37, v26;
	[tilespmem:s25+$0x0] =	vst v18  }
0x21e: {  	v47 =	vadd.s32 $0x1405, v2;
	s28 =	sor.u32 s9, s19;
	v13 =	vunpack.i.u.bf16.f32 v13;
	[tilespmem:s26+$0x0] =	vst v45;
	v17 =	vld.idx.msk [tilespmem:v17+s2+$0x0], $0xffff  }
0x21f: {  	v48 =	vadd.s32 $0x1405, v3;
	s0 =	sor.u32 s4, s16;
	[tilespmem:s28+$0x0] =	vst v13;
	v16 =	vld.idx.msk [tilespmem:v16+s17+$0x0], $0xffff;
	v49 =	vunpack.i.l.bf16.f32 v44  }
0x220: {  	s29 =	sor.u32 s4, s19;
	v50 =	vadd.bf16 v41, v39;
	v20 =	vunpack.i.u.bf16.f32 v44;
	v14 =	vld.idx.msk [tilespmem:v14+s2+$0x0], $0xffff;
	[tilespmem:s0+$0x0] =	vst v49  }
0x221: {  	v15 =	vld.idx.msk [tilespmem:v15+s17+$0x0], $0xffff;
	v52 =	vadd.bf16 v46, v43;
	[tilespmem:s29+$0x0] =	vst v20  }
0x222: {  	v6 =	vld.idx.msk [tilespmem:v6+s17+$0x0], $0xffff;
	s30 =	sadd.s32 $0x12200, s15;
	v51 =	vunpack.i.l.bf16.f32 v50;
	v53 =	vadd.s32 $0x1806, v5;
	s0 =	rddreg [dreg:$0x6]  }
0x223: {  	v55 =	vadd.s32 $0x1806, v4;
	s12 =	sor.u32 s5, s30;
	v56 =	vunpack.i.l.bf16.f32 v52;
	v54 =	vld.idx.msk [tilespmem:v47+s2+$0x0], $0xffff;
	[tilespmem:s0+$0x0] =	vst v51  }
0x224: {  	s11 =	sadd.s32 $0x12280, s15;
	v13 =	vunpack.i.u.bf16.f32 v50;
	v18 =	vld.idx.msk [tilespmem:v48+s17+$0x0], $0xffff;
	v16 =	vadd.bf16 v16, v17;
	s10 =	rddreg [dreg:$0x3];
	[tilespmem:s12+$0x0] =	vst v56  }
0x225: {  	s13 =	sor.u32 s5, s11;
	v7 =	vld.idx.msk [tilespmem:v7+s2+$0x0], $0xffff;
	v12 =	vunpack.i.u.bf16.f32 v52;
	[tilespmem:s10+$0x0] =	vst v13  }
0x226: {  	s14 =	sor.u32 s8, s30;
	v8 =	vld.idx.msk [tilespmem:v8+s17+$0x0], $0xffff;
	v58 =	vadd.bf16 v15, v14;
	[tilespmem:s13+$0x0] =	vst v12;
	v57 =	vunpack.i.l.bf16.f32 v16  }
0x227: {  	s16 =	sor.u32 s8, s11;
	v60 =	vunpack.i.u.bf16.f32 v16;
	[tilespmem:s14+$0x0] =	vst v57;
	v59 =	vld.idx.msk [tilespmem:v53+s2+$0x0], $0xffff  }
0x228: {  	s19 =	sor.u32 s9, s30;
	v6 =	vadd.bf16 v6, v9;
	v61 =	vld.idx.msk [tilespmem:v55+s17+$0x0], $0xffff;
	v63 =	vunpack.i.l.bf16.f32 v58;
	[tilespmem:s16+$0x0] =	vst v60  }
0x229: {  	s20 =	sor.u32 s9, s11;
	v20 =	vadd.s32 $0x1806, v2;
	v13 =	vunpack.i.u.bf16.f32 v58;
	v62 =	vadd.bf16 v18, v54;
	[tilespmem:s19+$0x0] =	vst v63;
	v10 =	vld.idx.msk [tilespmem:v10+s2+$0x0], $0xffff  }
0x22a: {  	v21 =	vadd.s32 $0x1806, v3;
	v32 =	vunpack.i.l.bf16.f32 v6;
	s22 =	sor.u32 s18, s7;
	[tilespmem:s20+$0x0] =	vst v13;
	v11 =	vld.idx.msk [tilespmem:v11+s17+$0x0], $0xffff  }
0x22b: {  	v27 =	vadd.s32 $0x1C07, v0;
	v7 =	vadd.bf16 v8, v7;
	s0 =	sor.u32 s4, s30;
	[tilespmem:s22+$0x0] =	vst v32;
	v26 =	vunpack.i.l.bf16.f32 v62;
	v29 =	vld.idx.msk [tilespmem:v30+s2+$0x0], $0xffff  }
0x22c: {  	s1 =	sor.u32 s4, s11;
	v28 =	vunpack.i.u.bf16.f32 v62;
	v30 =	vadd.s32 $0x1C07, v1;
	v33 =	vld.idx.msk [tilespmem:v31+s17+$0x0], $0xffff;
	[tilespmem:s0+$0x0] =	vst v26  }
0x22d: {  	v34 =	vadd.s32 $0x1C07, v5;
	s24 =	sor.u32 s3, s7;
	v35 =	vunpack.i.l.bf16.f32 v7;
	[tilespmem:s1+$0x0] =	vst v28;
	v12 =	vadd.bf16 v61, v59  }
0x22e: {  	v6 =	vunpack.i.u.bf16.f32 v6;
	v36 =	vadd.s32 $0x1C07, v4;
	s23 =	sor.u32 s18, s21;
	s25 =	sadd.s32 $0x12300, s15;
	[tilespmem:s24+$0x0] =	vst v35;
	v13 =	vld.idx.msk [tilespmem:v20+s2+$0x0], $0xffff  }
0x22f: {  	s26 =	sadd.s32 $0x12380, s15;
	s28 =	sor.u32 s5, s25;
	[tilespmem:s23+$0x0] =	vst v6;
	v37 =	vld.idx.msk [tilespmem:v21+s17+$0x0], $0xffff;
	v38 =	vunpack.i.l.bf16.f32 v12;
	v10 =	vadd.bf16 v11, v10  }
0x230: {  	s29 =	sor.u32 s5, s26;
	v0 =	vld.idx.msk [tilespmem:v27+s2+$0x0], $0xffff;
	v39 =	vunpack.i.u.bf16.f32 v12;
	[tilespmem:s28+$0x0] =	vst v38  }
0x231: {  	s30 =	sor.u32 s8, s25;
	v1 =	vld.idx.msk [tilespmem:v30+s17+$0x0], $0xffff;
	v8 =	vadd.bf16 v33, v29;
	[tilespmem:s29+$0x0] =	vst v39;
	v40 =	vunpack.i.l.bf16.f32 v10  }
0x232: {  	s10 =	sor.u32 s8, s26;
	v41 =	vunpack.i.u.bf16.f32 v10;
	[tilespmem:s30+$0x0] =	vst v40;
	v5 =	vld.idx.msk [tilespmem:v34+s2+$0x0], $0xffff  }
0x233: {  	s11 =	sor.u32 s9, s25;
	v4 =	vld.idx.msk [tilespmem:v36+s17+$0x0], $0xffff;
	v9 =	vunpack.i.l.bf16.f32 v8;
	[tilespmem:s10+$0x0] =	vst v41  }
0x234: {  	s12 =	sor.u32 s9, s26;
	v8 =	vunpack.i.u.bf16.f32 v8;
	v42 =	vadd.bf16 v37, v13;
	[tilespmem:s11+$0x0] =	vst v9;
	v44 =	vld.idx.msk [tilespmem:v24+s2+$0x0], $0xffff  }
0x235: {  	v50 =	vunpack.i.u.bf16.f32 v7;
	s13 =	sor.u32 s3, s21;
	[tilespmem:s12+$0x0] =	vst v8;
	v47 =	vld.idx.msk [tilespmem:v22+s17+$0x0], $0xffff  }
0x236: {  	v43 =	vadd.s32 $0x1C07, v2;
	[tilespmem:s13+$0x0] =	vst v50;
	s1 =	sor.u32 s4, s25;
	v46 =	vunpack.i.l.bf16.f32 v42;
	v0 =	vadd.bf16 v1, v0;
	v49 =	vld.idx.msk [tilespmem:v25+s2+$0x0], $0xffff  }
0x237: {  	v45 =	vadd.s32 $0x1C07, v3;
	s0 =	sor.u32 s4, s26;
	v48 =	vunpack.i.u.bf16.f32 v42;
	v51 =	vld.idx.msk [tilespmem:v23+s17+$0x0], $0xffff;
	[tilespmem:s1+$0x0] =	vst v46  }
0x238: {  	s14 =	sor.u32 s31, s7;
	[tilespmem:s0+$0x0] =	vst v48;
	v52 =	vunpack.i.l.bf16.f32 v0;
	v4 =	vadd.bf16 v4, v5  }
0x239: {  	s18 =	sadd.s32 $0x12400, s15;
	s16 =	sor.u32 s31, s21;
	v0 =	vunpack.i.u.bf16.f32 v0;
	[tilespmem:s14+$0x0] =	vst v52  }
0x23a: {  	s19 =	sadd.s32 $0x12480, s15;
	s20 =	sor.u32 s5, s18;
	[tilespmem:s16+$0x0] =	vst v0;
	v54 =	vunpack.i.l.bf16.f32 v4;
	v55 =	vadd.bf16 v47, v44  }
0x23b: {  	s21 =	sor.u32 s5, s19;
	v2 =	vld.idx.msk [tilespmem:v43+s2+$0x0], $0xffff;
	v56 =	vunpack.i.u.bf16.f32 v4;
	[tilespmem:s20+$0x0] =	vst v54  }
0x23c: {  	s22 =	sor.u32 s8, s18;
	v53 =	vld.idx.msk [tilespmem:v45+s17+$0x0], $0xffff;
	v58 =	vadd.bf16 v51, v49;
	[tilespmem:s21+$0x0] =	vst v56;
	v57 =	vunpack.i.l.bf16.f32 v55  }
0x23d: {  	s23 =	sor.u32 s8, s19;
	v59 =	vunpack.i.u.bf16.f32 v55;
	[tilespmem:s22+$0x0] =	vst v57  }
0x23e: {  	s24 =	sor.u32 s9, s18;
	v60 =	vunpack.i.l.bf16.f32 v58;
	[tilespmem:s23+$0x0] =	vst v59  }
0x23f: {  	[tilespmem:s24+$0x0] =	vst v60  }
0x240: {  	s26 =	rddreg [dreg:$0x16]  }
0x241: {  	v1 =	vadd.bf16 v53, v2;
	s6 =	rddreg [dreg:$0x1d]  }
.Ltmp4:
0x242: {  	s25 =	sor.u32 s9, s19;
	v61 =	vunpack.i.u.bf16.f32 v58;
	s5 =	sadd.s32 s26, s6;
	(pc) =	sbr.rel @p0 .LBB2_8-.Ltmp4, $4  }
0x243: {  	s0 =	sor.u32 s4, s18;
	[tilespmem:s25+$0x0] =	vst v61;
	v62 =	vunpack.i.l.bf16.f32 v1;
	s28 =	sshll.u32 s5, $0xC  }
0x244: {  	s30 =	rddreg [dreg:$0x1];
	s1 =	sor.u32 s4, s19;
	v63 =	vunpack.i.u.bf16.f32 v1;
	[tilespmem:s0+$0x0] =	vst v62;
	s29 =	sand.u32 $0x1FFFF000, s28  }
0x245: {  	s31 =	simm.s32 $0xE100;
	[tilespmem:s1+$0x0] =	vst v63;
	s0 =	sadd.s32 s30, s29  }
0x246: {  	[hbm4b:s0+s2] =	stream.linear.scatter [tilespmem:s31], [sflag:$0x4], $0x8000, $0x38;
	[tilespmem:$0x16100] =	vst v63  }
0x247: {  	s21 =	rddreg [dreg:$0x1b]  }
0x248: {  	s1 =	rddreg [dreg:$0x18];
	s0 =	sshll.u32 s21, $0xC  }
0x249: {  	s0 =	sadd.s32 s0, s1  }
.Ltmp5:
0x24a: {  	s29 =	rddreg [dreg:$0x10];
	s0 =	sshrl.u32 s0, $0x3;
	(pc) =	sbr.rel .LBB2_2-.Ltmp5, $4  }
0x24b: {  	s3 =	simm.s32 $0x4900;
	s30 =	rddreg [dreg:$0x11];
	s1 =	sadd.s32 s29, s0  }
0x24c: {  	[tilespmem:s3], [sflag:$0x2] =	stream.linear.gather [hbm4b:s1+s2], $0x800, $0x38;
	[tilespmem:$0x16100] =	vst v63  }
0x24d: {  	s31 =	simm.s32 $0x5900;
	s21 =	sadd.s32 $0x1, s21;
	s0 =	sadd.s32 s30, s0  }
0x24e: {  	[tilespmem:s31], [sflag:$0x2] =	stream.linear.gather [hbm4b:s0+s2], $0x800, $0x38;
	[tilespmem:$0x16100] =	vst v63  }
.LBB2_9:
0x24f: {  	_ =	sfence.sel $0x180000  }
0x250: {  	[bflag:$0x0] =	sbarrier.arrive $0xFFFF  }
0x251: {  	_ =	strace $0x90000047  }
0x252: {  	s0 =	stileid.u32;
	[bflag:$0x2] =	sbarrier.arrive $0xFFFF  }
0x253: {  	p0 =	sne.s32 s0, $0x0;
	s0 =	rddreg [dreg:$0x2]  }
0x254: {  	s0 =	sadd.s32 @!p0 $0x100000, s0  }
0x255: {  	[sflag:s0] =	ssyncadd.tile.s32 @!p0 $0x1;
	_ =	shalt  }
.Lfunc_end2:
_tile_overlayer_lowered:
.L_overlay_start_2:
0x256: {  	(tag) =	ssettag $0x2  }
0x257: {  	s0 =	rddreg [dreg:$0x0];
	s2 =	stileid.u32  }
0x258: {  	s1 =	rddreg [dreg:$0x1];
	p0 =	sne.s32 s2, $0x0  }
0x259: {  	s3 =	rddreg [dreg:$0x2];
	[bflag:$0x3] =	sbarrier.arrive $0xFFFF;
	s2 =	simm.s32 @!p0 $0x1C05  }
0x25a: {  	[timem:s3], [sflag:s2] =	dma.local @!p0 [hbm:s0], s1  }
0x25b: {  	s0 =	simm.s32 @!p0 $0x5  }
0x25c: {  	_ =	swait.ge @!p0 [sflag:s0], s1  }
0x25d: {  	s1 =	ssub.s32 @!p0 $0x0, s1;
	[sflag:s0] =	ssyncset.done @!p0 $0x0  }
0x25e: {  	[sflag:s0] =	ssyncadd.s32 @!p0 s1  }
0x25f: {  	[bflag:$0x3] =	sbarrier.arrive $0xFFFF  }
0x260: {  	_ =	shalt  }

</sc_bundles>
